<compile_context>
chip_gen: v7x
topology: tpu7x:2x2x1
jax: 0.10.2.dev20260603
libtpu: 0.0.44.dev20260713+nightly
codegen_flags: <defaults>
</compile_context>

<pallas_src>
import functools

import jax
import jax.numpy as jnp
from jax import lax
from jax.experimental import pallas as pl
from jax.experimental.pallas import tpu as pltpu, tpu_sc as plsc

VOCAB = 100000
DIM = 64
NUM_CORES = 2
NUM_SUBCORES = 16
NUM_WORKERS = NUM_CORES * NUM_SUBCORES
LANES = 16
GROUP = 128
VPG = GROUP // LANES
SUBL = 8
DT = DIM // SUBL
NBG = 8
NBT = 4


def _make_gather(batch: int, hist: int):
    assert batch == NUM_WORKERS * GROUP
    mesh = plsc.VectorSubcoreMesh(core_axis_name="c", subcore_axis_name="s")

    @functools.partial(
        pl.kernel,
        out_type=jax.ShapeDtypeStruct((hist, DT, NUM_WORKERS, SUBL, GROUP),
                                      jnp.float32),
        mesh=mesh,
        compiler_params=pltpu.CompilerParams(use_tc_tiling_on_sc=False,
                                             needs_layout_passes=False),
        scratch_types=[
            pltpu.VMEM((hist, GROUP), jnp.int32),
            pltpu.VMEM((hist, GROUP), jnp.int32),
            pltpu.VMEM((NBG, GROUP, DIM), jnp.float32),
            pltpu.VMEM((NBT, DT, SUBL, GROUP), jnp.float32),
            pltpu.VMEM((1, DIM), jnp.float32),
            pltpu.SemaphoreType.DMA((NBG,)),
            pltpu.SemaphoreType.DMA((NBT,)),
        ],
    )
    def gather_kernel(table_hbm, conc_hbm, idx_hbm, out_hbm,
                      idx_v, xidx_v, rows_v, t_v, conc_v, gsem, osem):
        wid = lax.axis_index("s") * NUM_CORES + lax.axis_index("c")
        pltpu.sync_copy(idx_hbm.at[:, pl.ds(wid * GROUP, GROUP)], idx_v)
        pltpu.sync_copy(conc_hbm, conc_v)
        lane = lax.iota(jnp.int32, LANES)

        def remap(h):
            for v in range(VPG):
                vec = idx_v[h, pl.ds(v * LANES, LANES)]
                m = vec == VOCAB
                xidx_v[h, pl.ds(v * LANES, LANES)] = jnp.where(m, 0, vec)

        def patch(h, slot):
            for v in range(VPG):
                vec = idx_v[h, pl.ds(v * LANES, LANES)]
                mi = jnp.where(vec == VOCAB, 1, 0)

                @pl.when(jnp.max(mi) > 0)
                def _vreg_fix():
                    def row_fix(r, _):
                        @pl.when(jnp.max(jnp.where(lane == r, mi, 0)) > 0)
                        def _():
                            for d in range(DIM // LANES):
                                rows_v[slot, v * LANES + r,
                                       pl.ds(d * LANES, LANES)] = (
                                    conc_v[0, pl.ds(d * LANES, LANES)])
                        return _
                    lax.fori_loop(0, LANES, row_fix, None)

        def transpose(gslot, tslot):
            src = rows_v.at[gslot]
            dst = t_v.at[tslot]

            def _dstep(d0, _):
                gs = []
                for u in range(2):
                    dcol = jnp.bitwise_and(d0 + u + lane, DIM - 1)
                    dt = jnp.right_shift(dcol, 3)
                    dr = jnp.bitwise_and(dcol, SUBL - 1)
                    for bv in range(VPG):
                        brow = bv * LANES + lane
                        gs.append((plsc.load_gather(src, [brow, dcol]),
                                   dt, dr, brow))
                for g, dt, dr, brow in gs:
                    plsc.store_scatter(dst, [dt, dr, brow], g)
                return _

            lax.fori_loop(0, DIM // 2, lambda i, c: _dstep(2 * i, c), None)

        def fire_gather(h, slot):
            pltpu.async_copy(table_hbm.at[xidx_v.at[h]],
                             rows_v.at[slot], gsem.at[slot])

        def fire_stores(h, slot):
            pltpu.async_copy(t_v.at[slot], out_hbm.at[h, :, wid],
                             osem.at[slot])

        def wait_stores(h, slot):
            pltpu.make_async_copy(t_v.at[slot], out_hbm.at[h, :, wid],
                                  osem.at[slot]).wait()

        for g in range(NBG - 1):
            remap(g)
            fire_gather(g, g)

        def step(h, _):
            gslot = lax.rem(h, NBG)
            tslot = lax.rem(h, NBT)

            @pl.when(h + NBG - 1 < hist)
            def _fire_next():
                remap(h + NBG - 1)
                fire_gather(h + NBG - 1, lax.rem(h + NBG - 1, NBG))

            pltpu.make_async_copy(table_hbm.at[xidx_v.at[h]],
                                  rows_v.at[gslot], gsem.at[gslot]).wait()
            patch(h, gslot)

            @pl.when(h >= NBT)
            def _drain():
                wait_stores(h - NBT, tslot)

            transpose(gslot, tslot)
            fire_stores(h, tslot)
            return _

        lax.fori_loop(0, hist, step, None)
        for h in range(hist - NBT, hist):
            wait_stores(h, h % NBT)

    return gather_kernel


_gather = _make_gather(4096, 50)


def kernel(x, embed_weight, concepts):
    b, h = x.shape
    idx = jnp.minimum(x.T.astype(jnp.int32), VOCAB)
    out5 = _gather(embed_weight, concepts.astype(jnp.float32), idx)
    return out5.transpose(2, 4, 0, 1, 3).reshape(b, h, DIM)

# --- scband reference (transcript-rebuilt; emitter-appended) ---
"""Pipeline reference for scband-embedding-wrapper-16698832846876 (READ-ONLY COPY).

The authoritative reference and input builder live on the scoring server;
editing this copy changes nothing except your own understanding.
"""

import jax, jax.numpy as jnp
import numpy as np

VOCAB = 100000
DIM = 64
NUM_CONCEPTS = 1
BATCH = 4096
HIST = 50


def setup_inputs(seed: int = 0) -> dict:
    key = jax.random.key(seed)
    k1, k2, k3 = jax.random.split(key, 3)
    # token ids in [0, VOCAB + NUM_CONCEPTS) so some hit the concept ids
    x = jax.random.randint(k1, (BATCH, HIST), 0, VOCAB + NUM_CONCEPTS)
    embed_weight = jax.random.normal(k2, (VOCAB, DIM), dtype=jnp.float32)
    concepts = jax.random.normal(k3, (NUM_CONCEPTS, DIM), dtype=jnp.float32)
    return {"x": x, "embed_weight": embed_weight, "concepts": concepts}


def reference(x, embed_weight, concepts):
    concept_ids = tuple(range(VOCAB, VOCAB + NUM_CONCEPTS))
    concept_masks = tuple(x == cid for cid in concept_ids)
    xf = x
    for m in concept_masks:
        xf = jnp.where(m, 0, xf)
    # embedding lookup is detached (no grad into the frozen table)
    embeds = jax.lax.stop_gradient(jnp.take(embed_weight, xf, axis=0))
    for cid, concept, m in zip(concept_ids, concepts, concept_masks):
        embeds = jnp.where(m[..., None], concept, embeds)
    return embeds

if __name__ == "__main__":
    import jax
    _d = setup_inputs()
    print(jax.jit(kernel)(*tuple(_d.values())))

</pallas_src>

<mosaic_0001>
#map = affine_map<(d0, d1) -> (0, 0)>
#map1 = affine_map<(d0, d1) -> (0, 0, 0, 0, 0)>
module attributes {stable_mosaic.version = 14 : i64} {
  func.func @gather_kernel(%arg0: i32, %arg1: i32, %arg2: memref<100000x64xf32, #tpu.memory_space<hbm>>, %arg3: memref<1x64xf32, #tpu.memory_space<hbm>>, %arg4: memref<50x4096xi32, #tpu.memory_space<hbm>>, %arg5: memref<50x8x32x8x128xf32, #tpu.memory_space<hbm>>, %arg6: memref<50x128xi32, #tpu.memory_space<vmem>>, %arg7: memref<50x128xi32, #tpu.memory_space<vmem>>, %arg8: memref<8x128x64xf32, #tpu.memory_space<vmem>>, %arg9: memref<4x8x8x128xf32, #tpu.memory_space<vmem>>, %arg10: memref<1x64xf32, #tpu.memory_space<vmem>>, %arg11: memref<8x!tpu.dma_semaphore, #tpu.memory_space<semaphore_mem>>, %arg12: memref<4x!tpu.dma_semaphore, #tpu.memory_space<semaphore_mem>>) attributes {dimension_semantics = [#tpu.dimension_semantics<core_parallel>, #tpu.dimension_semantics<subcore_parallel>], iteration_bounds = array<i64: 2, 16>, scalar_prefetch = 0 : i64, scratch_operands = 7 : i64, tpu.core_type = #tpu.core_type<sc_vector_subcore>, window_params = [{transform_indices = #map}, {transform_indices = #map}, {transform_indices = #map}, {transform_indices = #map1}]} {
    %mul3A = arith.constant 2 : i32
    %mul3A_0 = arith.muli %arg1, %mul3A : i32
    %add3A = arith.addi %mul3A_0, %arg0 : i32
    %mul3A_1 = arith.constant 128 : i32
    %mul3A_2 = arith.muli %add3A, %mul3A_1 : i32
    "tpu.region"() ({
      %run_scoped3A = tpu.sem_alloc : memref<!tpu.dma_semaphore, #tpu.memory_space<semaphore_mem>>
      %dma_start3A_988 = arith.constant 0 : i32
      %dma_start3A_989 = tpu.memref_slice %arg4[%dma_start3A_988, %mul3A_2] : memref<50x4096xi32, #tpu.memory_space<hbm>> -> memref<50x128xi32, #tpu.memory_space<hbm>>
      %dma_start3A_990 = arith.constant 0 : i32
      %dma_start3A_991 = tpu.memref_slice %arg4[%dma_start3A_990, %mul3A_2] : memref<50x4096xi32, #tpu.memory_space<hbm>> -> memref<50x128xi32, #tpu.memory_space<hbm>>
      tpu.enqueue_dma source(%dma_start3A_991 : memref<50x128xi32, #tpu.memory_space<hbm>>) target(%arg6 : memref<50x128xi32, #tpu.memory_space<vmem>>) target_semaphore(%run_scoped3A : memref<!tpu.dma_semaphore, #tpu.memory_space<semaphore_mem>>)
      %dma_wait3A_992 = arith.constant 0 : i32
      %dma_wait3A_993 = tpu.memref_slice %arg4[%dma_wait3A_992, %mul3A_2] : memref<50x4096xi32, #tpu.memory_space<hbm>> -> memref<50x128xi32, #tpu.memory_space<hbm>>
      %dma_wait3A_994 = arith.constant 0 : i32
      %dma_wait3A_995 = tpu.memref_slice %arg4[%dma_wait3A_994, %mul3A_2] : memref<50x4096xi32, #tpu.memory_space<hbm>> -> memref<50x128xi32, #tpu.memory_space<hbm>>
      tpu.wait_dma2 semaphore(%run_scoped3A : memref<!tpu.dma_semaphore, #tpu.memory_space<semaphore_mem>>) src(%dma_wait3A_995 : memref<50x128xi32, #tpu.memory_space<hbm>>) dst(%arg6 : memref<50x128xi32, #tpu.memory_space<vmem>>)
      tpu.yield
    }) : () -> ()
    "tpu.region"() ({
      %run_scoped3A = tpu.sem_alloc : memref<!tpu.dma_semaphore, #tpu.memory_space<semaphore_mem>>
      tpu.enqueue_dma source(%arg3 : memref<1x64xf32, #tpu.memory_space<hbm>>) target(%arg10 : memref<1x64xf32, #tpu.memory_space<vmem>>) target_semaphore(%run_scoped3A : memref<!tpu.dma_semaphore, #tpu.memory_space<semaphore_mem>>)
      tpu.wait_dma2 semaphore(%run_scoped3A : memref<!tpu.dma_semaphore, #tpu.memory_space<semaphore_mem>>) src(%arg3 : memref<1x64xf32, #tpu.memory_space<hbm>>) dst(%arg10 : memref<1x64xf32, #tpu.memory_space<vmem>>)
      tpu.yield
    }) : () -> ()
    %iota3A = tpu.iota {dimensions = array<i32: 0>} : vector<16xi32>
    %get3A = arith.constant 0 : i32
    %get3A_3 = arith.index_cast %get3A : i32 to index
    %get3A_4 = arith.constant 0 : index
    %get3A_5 = tpu.vector_load %arg6[%get3A_3, %get3A_4] {strides = array<i32>} : memref<50x128xi32, #tpu.memory_space<vmem>>, vector<16xi32>,
    %eq3A = arith.constant 100000 : i32
    %eq3A_6 = vector.broadcast %eq3A : i32 to vector<16xi32>
    %eq3A_7 = arith.cmpi eq, %get3A_5, %eq3A_6 : vector<16xi32>
    %jit3A = arith.constant 0 : i32
    %broadcast_in_dim3A = vector.broadcast %jit3A : i32 to vector<16xi32>
    %select_n3A = arith.select %eq3A_7, %broadcast_in_dim3A, %get3A_5 : vector<16xi1>, vector<16xi32>
    %swap3A = arith.constant 0 : i32
    %swap3A_8 = arith.index_cast %swap3A : i32 to index
    %swap3A_9 = arith.constant 0 : index
    %swap3A_10 = tpu.vector_load %arg7[%swap3A_8, %swap3A_9] {strides = array<i32>} : memref<50x128xi32, #tpu.memory_space<vmem>>, vector<16xi32>,
    tpu.vector_store %arg7[%swap3A_8, %swap3A_9], %select_n3A {strides = array<i32>} : memref<50x128xi32, #tpu.memory_space<vmem>>, vector<16xi32>,
    %get3A_11 = arith.constant 0 : i32
    %get3A_12 = arith.index_cast %get3A_11 : i32 to index
    %get3A_13 = arith.constant 16 : index
    %get3A_14 = tpu.vector_load %arg6[%get3A_12, %get3A_13] {strides = array<i32>} : memref<50x128xi32, #tpu.memory_space<vmem>>, vector<16xi32>,
    %eq3A_15 = arith.constant 100000 : i32
    %eq3A_16 = vector.broadcast %eq3A_15 : i32 to vector<16xi32>
    %eq3A_17 = arith.cmpi eq, %get3A_14, %eq3A_16 : vector<16xi32>
    %jit3A_18 = arith.constant 0 : i32
    %broadcast_in_dim3A_19 = vector.broadcast %jit3A_18 : i32 to vector<16xi32>
    %select_n3A_20 = arith.select %eq3A_17, %broadcast_in_dim3A_19, %get3A_14 : vector<16xi1>, vector<16xi32>
    %swap3A_21 = arith.constant 0 : i32
    %swap3A_22 = arith.index_cast %swap3A_21 : i32 to index
    %swap3A_23 = arith.constant 16 : index
    %swap3A_24 = tpu.vector_load %arg7[%swap3A_22, %swap3A_23] {strides = array<i32>} : memref<50x128xi32, #tpu.memory_space<vmem>>, vector<16xi32>,
    tpu.vector_store %arg7[%swap3A_22, %swap3A_23], %select_n3A_20 {strides = array<i32>} : memref<50x128xi32, #tpu.memory_space<vmem>>, vector<16xi32>,
    %get3A_25 = arith.constant 0 : i32
    %get3A_26 = arith.index_cast %get3A_25 : i32 to index
    %get3A_27 = arith.constant 32 : index
    %get3A_28 = tpu.vector_load %arg6[%get3A_26, %get3A_27] {strides = array<i32>} : memref<50x128xi32, #tpu.memory_space<vmem>>, vector<16xi32>,
    %eq3A_29 = arith.constant 100000 : i32
    %eq3A_30 = vector.broadcast %eq3A_29 : i32 to vector<16xi32>
    %eq3A_31 = arith.cmpi eq, %get3A_28, %eq3A_30 : vector<16xi32>
    %jit3A_32 = arith.constant 0 : i32
    %broadcast_in_dim3A_33 = vector.broadcast %jit3A_32 : i32 to vector<16xi32>
    %select_n3A_34 = arith.select %eq3A_31, %broadcast_in_dim3A_33, %get3A_28 : vector<16xi1>, vector<16xi32>
    %swap3A_35 = arith.constant 0 : i32
    %swap3A_36 = arith.index_cast %swap3A_35 : i32 to index
    %swap3A_37 = arith.constant 32 : index
    %swap3A_38 = tpu.vector_load %arg7[%swap3A_36, %swap3A_37] {strides = array<i32>} : memref<50x128xi32, #tpu.memory_space<vmem>>, vector<16xi32>,
    tpu.vector_store %arg7[%swap3A_36, %swap3A_37], %select_n3A_34 {strides = array<i32>} : memref<50x128xi32, #tpu.memory_space<vmem>>, vector<16xi32>,
    %get3A_39 = arith.constant 0 : i32
    %get3A_40 = arith.index_cast %get3A_39 : i32 to index
    %get3A_41 = arith.constant 48 : index
    %get3A_42 = tpu.vector_load %arg6[%get3A_40, %get3A_41] {strides = array<i32>} : memref<50x128xi32, #tpu.memory_space<vmem>>, vector<16xi32>,
    %eq3A_43 = arith.constant 100000 : i32
    %eq3A_44 = vector.broadcast %eq3A_43 : i32 to vector<16xi32>
    %eq3A_45 = arith.cmpi eq, %get3A_42, %eq3A_44 : vector<16xi32>
    %jit3A_46 = arith.constant 0 : i32
    %broadcast_in_dim3A_47 = vector.broadcast %jit3A_46 : i32 to vector<16xi32>
    %select_n3A_48 = arith.select %eq3A_45, %broadcast_in_dim3A_47, %get3A_42 : vector<16xi1>, vector<16xi32>
    %swap3A_49 = arith.constant 0 : i32
    %swap3A_50 = arith.index_cast %swap3A_49 : i32 to index
    %swap3A_51 = arith.constant 48 : index
    %swap3A_52 = tpu.vector_load %arg7[%swap3A_50, %swap3A_51] {strides = array<i32>} : memref<50x128xi32, #tpu.memory_space<vmem>>, vector<16xi32>,
    tpu.vector_store %arg7[%swap3A_50, %swap3A_51], %select_n3A_48 {strides = array<i32>} : memref<50x128xi32, #tpu.memory_space<vmem>>, vector<16xi32>,
    %get3A_53 = arith.constant 0 : i32
    %get3A_54 = arith.index_cast %get3A_53 : i32 to index
    %get3A_55 = arith.constant 64 : index
    %get3A_56 = tpu.vector_load %arg6[%get3A_54, %get3A_55] {strides = array<i32>} : memref<50x128xi32, #tpu.memory_space<vmem>>, vector<16xi32>,
    %eq3A_57 = arith.constant 100000 : i32
    %eq3A_58 = vector.broadcast %eq3A_57 : i32 to vector<16xi32>
    %eq3A_59 = arith.cmpi eq, %get3A_56, %eq3A_58 : vector<16xi32>
    %jit3A_60 = arith.constant 0 : i32
    %broadcast_in_dim3A_61 = vector.broadcast %jit3A_60 : i32 to vector<16xi32>
    %select_n3A_62 = arith.select %eq3A_59, %broadcast_in_dim3A_61, %get3A_56 : vector<16xi1>, vector<16xi32>
    %swap3A_63 = arith.constant 0 : i32
    %swap3A_64 = arith.index_cast %swap3A_63 : i32 to index
    %swap3A_65 = arith.constant 64 : index
    %swap3A_66 = tpu.vector_load %arg7[%swap3A_64, %swap3A_65] {strides = array<i32>} : memref<50x128xi32, #tpu.memory_space<vmem>>, vector<16xi32>,
    tpu.vector_store %arg7[%swap3A_64, %swap3A_65], %select_n3A_62 {strides = array<i32>} : memref<50x128xi32, #tpu.memory_space<vmem>>, vector<16xi32>,
    %get3A_67 = arith.constant 0 : i32
    %get3A_68 = arith.index_cast %get3A_67 : i32 to index
    %get3A_69 = arith.constant 80 : index
    %get3A_70 = tpu.vector_load %arg6[%get3A_68, %get3A_69] {strides = array<i32>} : memref<50x128xi32, #tpu.memory_space<vmem>>, vector<16xi32>,
    %eq3A_71 = arith.constant 100000 : i32
    %eq3A_72 = vector.broadcast %eq3A_71 : i32 to vector<16xi32>
    %eq3A_73 = arith.cmpi eq, %get3A_70, %eq3A_72 : vector<16xi32>
    %jit3A_74 = arith.constant 0 : i32
    %broadcast_in_dim3A_75 = vector.broadcast %jit3A_74 : i32 to vector<16xi32>
    %select_n3A_76 = arith.select %eq3A_73, %broadcast_in_dim3A_75, %get3A_70 : vector<16xi1>, vector<16xi32>
    %swap3A_77 = arith.constant 0 : i32
    %swap3A_78 = arith.index_cast %swap3A_77 : i32 to index
    %swap3A_79 = arith.constant 80 : index
    %swap3A_80 = tpu.vector_load %arg7[%swap3A_78, %swap3A_79] {strides = array<i32>} : memref<50x128xi32, #tpu.memory_space<vmem>>, vector<16xi32>,
    tpu.vector_store %arg7[%swap3A_78, %swap3A_79], %select_n3A_76 {strides = array<i32>} : memref<50x128xi32, #tpu.memory_space<vmem>>, vector<16xi32>,
    %get3A_81 = arith.constant 0 : i32
    %get3A_82 = arith.index_cast %get3A_81 : i32 to index
    %get3A_83 = arith.constant 96 : index
    %get3A_84 = tpu.vector_load %arg6[%get3A_82, %get3A_83] {strides = array<i32>} : memref<50x128xi32, #tpu.memory_space<vmem>>, vector<16xi32>,
    %eq3A_85 = arith.constant 100000 : i32
    %eq3A_86 = vector.broadcast %eq3A_85 : i32 to vector<16xi32>
    %eq3A_87 = arith.cmpi eq, %get3A_84, %eq3A_86 : vector<16xi32>
    %jit3A_88 = arith.constant 0 : i32
    %broadcast_in_dim3A_89 = vector.broadcast %jit3A_88 : i32 to vector<16xi32>
    %select_n3A_90 = arith.select %eq3A_87, %broadcast_in_dim3A_89, %get3A_84 : vector<16xi1>, vector<16xi32>
    %swap3A_91 = arith.constant 0 : i32
    %swap3A_92 = arith.index_cast %swap3A_91 : i32 to index
    %swap3A_93 = arith.constant 96 : index
    %swap3A_94 = tpu.vector_load %arg7[%swap3A_92, %swap3A_93] {strides = array<i32>} : memref<50x128xi32, #tpu.memory_space<vmem>>, vector<16xi32>,
    tpu.vector_store %arg7[%swap3A_92, %swap3A_93], %select_n3A_90 {strides = array<i32>} : memref<50x128xi32, #tpu.memory_space<vmem>>, vector<16xi32>,
    %get3A_95 = arith.constant 0 : i32
    %get3A_96 = arith.index_cast %get3A_95 : i32 to index
    %get3A_97 = arith.constant 112 : index
    %get3A_98 = tpu.vector_load %arg6[%get3A_96, %get3A_97] {strides = array<i32>} : memref<50x128xi32, #tpu.memory_space<vmem>>, vector<16xi32>,
    %eq3A_99 = arith.constant 100000 : i32
    %eq3A_100 = vector.broadcast %eq3A_99 : i32 to vector<16xi32>
    %eq3A_101 = arith.cmpi eq, %get3A_98, %eq3A_100 : vector<16xi32>
    %jit3A_102 = arith.constant 0 : i32
    %broadcast_in_dim3A_103 = vector.broadcast %jit3A_102 : i32 to vector<16xi32>
    %select_n3A_104 = arith.select %eq3A_101, %broadcast_in_dim3A_103, %get3A_98 : vector<16xi1>, vector<16xi32>
    %swap3A_105 = arith.constant 0 : i32
    %swap3A_106 = arith.index_cast %swap3A_105 : i32 to index
    %swap3A_107 = arith.constant 112 : index
    %swap3A_108 = tpu.vector_load %arg7[%swap3A_106, %swap3A_107] {strides = array<i32>} : memref<50x128xi32, #tpu.memory_space<vmem>>, vector<16xi32>,
    tpu.vector_store %arg7[%swap3A_106, %swap3A_107], %select_n3A_104 {strides = array<i32>} : memref<50x128xi32, #tpu.memory_space<vmem>>, vector<16xi32>,
    %dma_start3A = arith.constant 0 : i32
    %dma_start3A_109 = arith.constant 0 : i32
    %dma_start3A_110 = arith.constant 0 : i32
    %dma_start3A_111 = arith.constant 0 : i32
    %dma_start3A_112 = arith.constant 0 : i32
    %dma_start3A_113 = tpu.memref_slice %arg8[%dma_start3A_109, %dma_start3A_111, %dma_start3A_112] : memref<8x128x64xf32, #tpu.memory_space<vmem>> -> memref<1x128x64xf32, #tpu.memory_space<vmem>>
    %dma_start3A_114 = tpu.memref_squeeze %dma_start3A_113 : memref<1x128x64xf32, #tpu.memory_space<vmem>> -> memref<128x64xf32, #tpu.memory_space<vmem>>
    %dma_start3A_115 = arith.constant 0 : i32
    %dma_start3A_116 = tpu.memref_slice %arg7[%dma_start3A, %dma_start3A_115] : memref<50x128xi32, #tpu.memory_space<vmem>> -> memref<1x128xi32, #tpu.memory_space<vmem>>
    %dma_start3A_117 = tpu.memref_squeeze %dma_start3A_116 : memref<1x128xi32, #tpu.memory_space<vmem>> -> memref<128xi32, #tpu.memory_space<vmem>>
    %dma_start3A_118 = arith.constant 0 : i32
    %dma_start3A_119 = arith.constant 0 : i32
    %dma_start3A_120 = tpu.memref_slice %arg2[%dma_start3A_118, %dma_start3A_119] : memref<100000x64xf32, #tpu.memory_space<hbm>> -> memref<100000x64xf32, #tpu.memory_space<hbm>>
    %dma_start3A_121 = tpu.memref_slice %arg11[%dma_start3A_110] : memref<8x!tpu.dma_semaphore, #tpu.memory_space<semaphore_mem>> -> memref<1x!tpu.dma_semaphore, #tpu.memory_space<semaphore_mem>>
    %dma_start3A_122 = tpu.memref_squeeze %dma_start3A_121 : memref<1x!tpu.dma_semaphore, #tpu.memory_space<semaphore_mem>> -> memref<!tpu.dma_semaphore, #tpu.memory_space<semaphore_mem>>
    tpu.enqueue_indirect_dma source(%dma_start3A_120 : memref<100000x64xf32, #tpu.memory_space<hbm>>) target(%dma_start3A_114 : memref<128x64xf32, #tpu.memory_space<vmem>>) offsets(%dma_start3A_117 : memref<128xi32, #tpu.memory_space<vmem>>) semaphore(%dma_start3A_122 : memref<!tpu.dma_semaphore, #tpu.memory_space<semaphore_mem>>)
    %get3A_123 = arith.constant 1 : i32
    %get3A_124 = arith.index_cast %get3A_123 : i32 to index
    %get3A_125 = arith.constant 0 : index
    %get3A_126 = tpu.vector_load %arg6[%get3A_124, %get3A_125] {strides = array<i32>} : memref<50x128xi32, #tpu.memory_space<vmem>>, vector<16xi32>,
    %eq3A_127 = arith.constant 100000 : i32
    %eq3A_128 = vector.broadcast %eq3A_127 : i32 to vector<16xi32>
    %eq3A_129 = arith.cmpi eq, %get3A_126, %eq3A_128 : vector<16xi32>
    %jit3A_130 = arith.constant 0 : i32
    %broadcast_in_dim3A_131 = vector.broadcast %jit3A_130 : i32 to vector<16xi32>
    %select_n3A_132 = arith.select %eq3A_129, %broadcast_in_dim3A_131, %get3A_126 : vector<16xi1>, vector<16xi32>
    %swap3A_133 = arith.constant 1 : i32
    %swap3A_134 = arith.index_cast %swap3A_133 : i32 to index
    %swap3A_135 = arith.constant 0 : index
    %swap3A_136 = tpu.vector_load %arg7[%swap3A_134, %swap3A_135] {strides = array<i32>} : memref<50x128xi32, #tpu.memory_space<vmem>>, vector<16xi32>,
    tpu.vector_store %arg7[%swap3A_134, %swap3A_135], %select_n3A_132 {strides = array<i32>} : memref<50x128xi32, #tpu.memory_space<vmem>>, vector<16xi32>,
    %get3A_137 = arith.constant 1 : i32
    %get3A_138 = arith.index_cast %get3A_137 : i32 to index
    %get3A_139 = arith.constant 16 : index
    %get3A_140 = tpu.vector_load %arg6[%get3A_138, %get3A_139] {strides = array<i32>} : memref<50x128xi32, #tpu.memory_space<vmem>>, vector<16xi32>,
    %eq3A_141 = arith.constant 100000 : i32
    %eq3A_142 = vector.broadcast %eq3A_141 : i32 to vector<16xi32>
    %eq3A_143 = arith.cmpi eq, %get3A_140, %eq3A_142 : vector<16xi32>
    %jit3A_144 = arith.constant 0 : i32
    %broadcast_in_dim3A_145 = vector.broadcast %jit3A_144 : i32 to vector<16xi32>
    %select_n3A_146 = arith.select %eq3A_143, %broadcast_in_dim3A_145, %get3A_140 : vector<16xi1>, vector<16xi32>
    %swap3A_147 = arith.constant 1 : i32
    %swap3A_148 = arith.index_cast %swap3A_147 : i32 to index
    %swap3A_149 = arith.constant 16 : index
    %swap3A_150 = tpu.vector_load %arg7[%swap3A_148, %swap3A_149] {strides = array<i32>} : memref<50x128xi32, #tpu.memory_space<vmem>>, vector<16xi32>,
    tpu.vector_store %arg7[%swap3A_148, %swap3A_149], %select_n3A_146 {strides = array<i32>} : memref<50x128xi32, #tpu.memory_space<vmem>>, vector<16xi32>,
    %get3A_151 = arith.constant 1 : i32
    %get3A_152 = arith.index_cast %get3A_151 : i32 to index
    %get3A_153 = arith.constant 32 : index
    %get3A_154 = tpu.vector_load %arg6[%get3A_152, %get3A_153] {strides = array<i32>} : memref<50x128xi32, #tpu.memory_space<vmem>>, vector<16xi32>,
    %eq3A_155 = arith.constant 100000 : i32
    %eq3A_156 = vector.broadcast %eq3A_155 : i32 to vector<16xi32>
    %eq3A_157 = arith.cmpi eq, %get3A_154, %eq3A_156 : vector<16xi32>
    %jit3A_158 = arith.constant 0 : i32
    %broadcast_in_dim3A_159 = vector.broadcast %jit3A_158 : i32 to vector<16xi32>
    %select_n3A_160 = arith.select %eq3A_157, %broadcast_in_dim3A_159, %get3A_154 : vector<16xi1>, vector<16xi32>
    %swap3A_161 = arith.constant 1 : i32
    %swap3A_162 = arith.index_cast %swap3A_161 : i32 to index
    %swap3A_163 = arith.constant 32 : index
    %swap3A_164 = tpu.vector_load %arg7[%swap3A_162, %swap3A_163] {strides = array<i32>} : memref<50x128xi32, #tpu.memory_space<vmem>>, vector<16xi32>,
    tpu.vector_store %arg7[%swap3A_162, %swap3A_163], %select_n3A_160 {strides = array<i32>} : memref<50x128xi32, #tpu.memory_space<vmem>>, vector<16xi32>,
    %get3A_165 = arith.constant 1 : i32
    %get3A_166 = arith.index_cast %get3A_165 : i32 to index
    %get3A_167 = arith.constant 48 : index
    %get3A_168 = tpu.vector_load %arg6[%get3A_166, %get3A_167] {strides = array<i32>} : memref<50x128xi32, #tpu.memory_space<vmem>>, vector<16xi32>,
    %eq3A_169 = arith.constant 100000 : i32
    %eq3A_170 = vector.broadcast %eq3A_169 : i32 to vector<16xi32>
    %eq3A_171 = arith.cmpi eq, %get3A_168, %eq3A_170 : vector<16xi32>
    %jit3A_172 = arith.constant 0 : i32
    %broadcast_in_dim3A_173 = vector.broadcast %jit3A_172 : i32 to vector<16xi32>
    %select_n3A_174 = arith.select %eq3A_171, %broadcast_in_dim3A_173, %get3A_168 : vector<16xi1>, vector<16xi32>
    %swap3A_175 = arith.constant 1 : i32
    %swap3A_176 = arith.index_cast %swap3A_175 : i32 to index
    %swap3A_177 = arith.constant 48 : index
    %swap3A_178 = tpu.vector_load %arg7[%swap3A_176, %swap3A_177] {strides = array<i32>} : memref<50x128xi32, #tpu.memory_space<vmem>>, vector<16xi32>,
    tpu.vector_store %arg7[%swap3A_176, %swap3A_177], %select_n3A_174 {strides = array<i32>} : memref<50x128xi32, #tpu.memory_space<vmem>>, vector<16xi32>,
    %get3A_179 = arith.constant 1 : i32
    %get3A_180 = arith.index_cast %get3A_179 : i32 to index
    %get3A_181 = arith.constant 64 : index
    %get3A_182 = tpu.vector_load %arg6[%get3A_180, %get3A_181] {strides = array<i32>} : memref<50x128xi32, #tpu.memory_space<vmem>>, vector<16xi32>,
    %eq3A_183 = arith.constant 100000 : i32
    %eq3A_184 = vector.broadcast %eq3A_183 : i32 to vector<16xi32>
    %eq3A_185 = arith.cmpi eq, %get3A_182, %eq3A_184 : vector<16xi32>
    %jit3A_186 = arith.constant 0 : i32
    %broadcast_in_dim3A_187 = vector.broadcast %jit3A_186 : i32 to vector<16xi32>
    %select_n3A_188 = arith.select %eq3A_185, %broadcast_in_dim3A_187, %get3A_182 : vector<16xi1>, vector<16xi32>
    %swap3A_189 = arith.constant 1 : i32
    %swap3A_190 = arith.index_cast %swap3A_189 : i32 to index
    %swap3A_191 = arith.constant 64 : index
    %swap3A_192 = tpu.vector_load %arg7[%swap3A_190, %swap3A_191] {strides = array<i32>} : memref<50x128xi32, #tpu.memory_space<vmem>>, vector<16xi32>,
    tpu.vector_store %arg7[%swap3A_190, %swap3A_191], %select_n3A_188 {strides = array<i32>} : memref<50x128xi32, #tpu.memory_space<vmem>>, vector<16xi32>,
    %get3A_193 = arith.constant 1 : i32
    %get3A_194 = arith.index_cast %get3A_193 : i32 to index
    %get3A_195 = arith.constant 80 : index
    %get3A_196 = tpu.vector_load %arg6[%get3A_194, %get3A_195] {strides = array<i32>} : memref<50x128xi32, #tpu.memory_space<vmem>>, vector<16xi32>,
    %eq3A_197 = arith.constant 100000 : i32
    %eq3A_198 = vector.broadcast %eq3A_197 : i32 to vector<16xi32>
    %eq3A_199 = arith.cmpi eq, %get3A_196, %eq3A_198 : vector<16xi32>
    %jit3A_200 = arith.constant 0 : i32
    %broadcast_in_dim3A_201 = vector.broadcast %jit3A_200 : i32 to vector<16xi32>
    %select_n3A_202 = arith.select %eq3A_199, %broadcast_in_dim3A_201, %get3A_196 : vector<16xi1>, vector<16xi32>
    %swap3A_203 = arith.constant 1 : i32
    %swap3A_204 = arith.index_cast %swap3A_203 : i32 to index
    %swap3A_205 = arith.constant 80 : index
    %swap3A_206 = tpu.vector_load %arg7[%swap3A_204, %swap3A_205] {strides = array<i32>} : memref<50x128xi32, #tpu.memory_space<vmem>>, vector<16xi32>,
    tpu.vector_store %arg7[%swap3A_204, %swap3A_205], %select_n3A_202 {strides = array<i32>} : memref<50x128xi32, #tpu.memory_space<vmem>>, vector<16xi32>,
    %get3A_207 = arith.constant 1 : i32
    %get3A_208 = arith.index_cast %get3A_207 : i32 to index
    %get3A_209 = arith.constant 96 : index
    %get3A_210 = tpu.vector_load %arg6[%get3A_208, %get3A_209] {strides = array<i32>} : memref<50x128xi32, #tpu.memory_space<vmem>>, vector<16xi32>,
    %eq3A_211 = arith.constant 100000 : i32
    %eq3A_212 = vector.broadcast %eq3A_211 : i32 to vector<16xi32>
    %eq3A_213 = arith.cmpi eq, %get3A_210, %eq3A_212 : vector<16xi32>
    %jit3A_214 = arith.constant 0 : i32
    %broadcast_in_dim3A_215 = vector.broadcast %jit3A_214 : i32 to vector<16xi32>
    %select_n3A_216 = arith.select %eq3A_213, %broadcast_in_dim3A_215, %get3A_210 : vector<16xi1>, vector<16xi32>
    %swap3A_217 = arith.constant 1 : i32
    %swap3A_218 = arith.index_cast %swap3A_217 : i32 to index
    %swap3A_219 = arith.constant 96 : index
    %swap3A_220 = tpu.vector_load %arg7[%swap3A_218, %swap3A_219] {strides = array<i32>} : memref<50x128xi32, #tpu.memory_space<vmem>>, vector<16xi32>,
    tpu.vector_store %arg7[%swap3A_218, %swap3A_219], %select_n3A_216 {strides = array<i32>} : memref<50x128xi32, #tpu.memory_space<vmem>>, vector<16xi32>,
    %get3A_221 = arith.constant 1 : i32
    %get3A_222 = arith.index_cast %get3A_221 : i32 to index
    %get3A_223 = arith.constant 112 : index
    %get3A_224 = tpu.vector_load %arg6[%get3A_222, %get3A_223] {strides = array<i32>} : memref<50x128xi32, #tpu.memory_space<vmem>>, vector<16xi32>,
    %eq3A_225 = arith.constant 100000 : i32
    %eq3A_226 = vector.broadcast %eq3A_225 : i32 to vector<16xi32>
    %eq3A_227 = arith.cmpi eq, %get3A_224, %eq3A_226 : vector<16xi32>
    %jit3A_228 = arith.constant 0 : i32
    %broadcast_in_dim3A_229 = vector.broadcast %jit3A_228 : i32 to vector<16xi32>
    %select_n3A_230 = arith.select %eq3A_227, %broadcast_in_dim3A_229, %get3A_224 : vector<16xi1>, vector<16xi32>
    %swap3A_231 = arith.constant 1 : i32
    %swap3A_232 = arith.index_cast %swap3A_231 : i32 to index
    %swap3A_233 = arith.constant 112 : index
    %swap3A_234 = tpu.vector_load %arg7[%swap3A_232, %swap3A_233] {strides = array<i32>} : memref<50x128xi32, #tpu.memory_space<vmem>>, vector<16xi32>,
    tpu.vector_store %arg7[%swap3A_232, %swap3A_233], %select_n3A_230 {strides = array<i32>} : memref<50x128xi32, #tpu.memory_space<vmem>>, vector<16xi32>,
    %dma_start3A_235 = arith.constant 1 : i32
    %dma_start3A_236 = arith.constant 1 : i32
    %dma_start3A_237 = arith.constant 1 : i32
    %dma_start3A_238 = arith.constant 0 : i32
    %dma_start3A_239 = arith.constant 0 : i32
    %dma_start3A_240 = tpu.memref_slice %arg8[%dma_start3A_236, %dma_start3A_238, %dma_start3A_239] : memref<8x128x64xf32, #tpu.memory_space<vmem>> -> memref<1x128x64xf32, #tpu.memory_space<vmem>>
    %dma_start3A_241 = tpu.memref_squeeze %dma_start3A_240 : memref<1x128x64xf32, #tpu.memory_space<vmem>> -> memref<128x64xf32, #tpu.memory_space<vmem>>
    %dma_start3A_242 = arith.constant 0 : i32
    %dma_start3A_243 = tpu.memref_slice %arg7[%dma_start3A_235, %dma_start3A_242] : memref<50x128xi32, #tpu.memory_space<vmem>> -> memref<1x128xi32, #tpu.memory_space<vmem>>
    %dma_start3A_244 = tpu.memref_squeeze %dma_start3A_243 : memref<1x128xi32, #tpu.memory_space<vmem>> -> memref<128xi32, #tpu.memory_space<vmem>>
    %dma_start3A_245 = arith.constant 0 : i32
    %dma_start3A_246 = arith.constant 0 : i32
    %dma_start3A_247 = tpu.memref_slice %arg2[%dma_start3A_245, %dma_start3A_246] : memref<100000x64xf32, #tpu.memory_space<hbm>> -> memref<100000x64xf32, #tpu.memory_space<hbm>>
    %dma_start3A_248 = tpu.memref_slice %arg11[%dma_start3A_237] : memref<8x!tpu.dma_semaphore, #tpu.memory_space<semaphore_mem>> -> memref<1x!tpu.dma_semaphore, #tpu.memory_space<semaphore_mem>>
    %dma_start3A_249 = tpu.memref_squeeze %dma_start3A_248 : memref<1x!tpu.dma_semaphore, #tpu.memory_space<semaphore_mem>> -> memref<!tpu.dma_semaphore, #tpu.memory_space<semaphore_mem>>
    tpu.enqueue_indirect_dma source(%dma_start3A_247 : memref<100000x64xf32, #tpu.memory_space<hbm>>) target(%dma_start3A_241 : memref<128x64xf32, #tpu.memory_space<vmem>>) offsets(%dma_start3A_244 : memref<128xi32, #tpu.memory_space<vmem>>) semaphore(%dma_start3A_249 : memref<!tpu.dma_semaphore, #tpu.memory_space<semaphore_mem>>)
    %get3A_250 = arith.constant 2 : i32
    %get3A_251 = arith.index_cast %get3A_250 : i32 to index
    %get3A_252 = arith.constant 0 : index
    %get3A_253 = tpu.vector_load %arg6[%get3A_251, %get3A_252] {strides = array<i32>} : memref<50x128xi32, #tpu.memory_space<vmem>>, vector<16xi32>,
    %eq3A_254 = arith.constant 100000 : i32
    %eq3A_255 = vector.broadcast %eq3A_254 : i32 to vector<16xi32>
    %eq3A_256 = arith.cmpi eq, %get3A_253, %eq3A_255 : vector<16xi32>
    %jit3A_257 = arith.constant 0 : i32
    %broadcast_in_dim3A_258 = vector.broadcast %jit3A_257 : i32 to vector<16xi32>
    %select_n3A_259 = arith.select %eq3A_256, %broadcast_in_dim3A_258, %get3A_253 : vector<16xi1>, vector<16xi32>
    %swap3A_260 = arith.constant 2 : i32
    %swap3A_261 = arith.index_cast %swap3A_260 : i32 to index
    %swap3A_262 = arith.constant 0 : index
    %swap3A_263 = tpu.vector_load %arg7[%swap3A_261, %swap3A_262] {strides = array<i32>} : memref<50x128xi32, #tpu.memory_space<vmem>>, vector<16xi32>,
    tpu.vector_store %arg7[%swap3A_261, %swap3A_262], %select_n3A_259 {strides = array<i32>} : memref<50x128xi32, #tpu.memory_space<vmem>>, vector<16xi32>,
    %get3A_264 = arith.constant 2 : i32
    %get3A_265 = arith.index_cast %get3A_264 : i32 to index
    %get3A_266 = arith.constant 16 : index
    %get3A_267 = tpu.vector_load %arg6[%get3A_265, %get3A_266] {strides = array<i32>} : memref<50x128xi32, #tpu.memory_space<vmem>>, vector<16xi32>,
    %eq3A_268 = arith.constant 100000 : i32
    %eq3A_269 = vector.broadcast %eq3A_268 : i32 to vector<16xi32>
    %eq3A_270 = arith.cmpi eq, %get3A_267, %eq3A_269 : vector<16xi32>
    %jit3A_271 = arith.constant 0 : i32
    %broadcast_in_dim3A_272 = vector.broadcast %jit3A_271 : i32 to vector<16xi32>
    %select_n3A_273 = arith.select %eq3A_270, %broadcast_in_dim3A_272, %get3A_267 : vector<16xi1>, vector<16xi32>
    %swap3A_274 = arith.constant 2 : i32
    %swap3A_275 = arith.index_cast %swap3A_274 : i32 to index
    %swap3A_276 = arith.constant 16 : index
    %swap3A_277 = tpu.vector_load %arg7[%swap3A_275, %swap3A_276] {strides = array<i32>} : memref<50x128xi32, #tpu.memory_space<vmem>>, vector<16xi32>,
    tpu.vector_store %arg7[%swap3A_275, %swap3A_276], %select_n3A_273 {strides = array<i32>} : memref<50x128xi32, #tpu.memory_space<vmem>>, vector<16xi32>,
    %get3A_278 = arith.constant 2 : i32
    %get3A_279 = arith.index_cast %get3A_278 : i32 to index
    %get3A_280 = arith.constant 32 : index
    %get3A_281 = tpu.vector_load %arg6[%get3A_279, %get3A_280] {strides = array<i32>} : memref<50x128xi32, #tpu.memory_space<vmem>>, vector<16xi32>,
    %eq3A_282 = arith.constant 100000 : i32
    %eq3A_283 = vector.broadcast %eq3A_282 : i32 to vector<16xi32>
    %eq3A_284 = arith.cmpi eq, %get3A_281, %eq3A_283 : vector<16xi32>
    %jit3A_285 = arith.constant 0 : i32
    %broadcast_in_dim3A_286 = vector.broadcast %jit3A_285 : i32 to vector<16xi32>
    %select_n3A_287 = arith.select %eq3A_284, %broadcast_in_dim3A_286, %get3A_281 : vector<16xi1>, vector<16xi32>
    %swap3A_288 = arith.constant 2 : i32
    %swap3A_289 = arith.index_cast %swap3A_288 : i32 to index
    %swap3A_290 = arith.constant 32 : index
    %swap3A_291 = tpu.vector_load %arg7[%swap3A_289, %swap3A_290] {strides = array<i32>} : memref<50x128xi32, #tpu.memory_space<vmem>>, vector<16xi32>,
    tpu.vector_store %arg7[%swap3A_289, %swap3A_290], %select_n3A_287 {strides = array<i32>} : memref<50x128xi32, #tpu.memory_space<vmem>>, vector<16xi32>,
    %get3A_292 = arith.constant 2 : i32
    %get3A_293 = arith.index_cast %get3A_292 : i32 to index
    %get3A_294 = arith.constant 48 : index
    %get3A_295 = tpu.vector_load %arg6[%get3A_293, %get3A_294] {strides = array<i32>} : memref<50x128xi32, #tpu.memory_space<vmem>>, vector<16xi32>,
    %eq3A_296 = arith.constant 100000 : i32
    %eq3A_297 = vector.broadcast %eq3A_296 : i32 to vector<16xi32>
    %eq3A_298 = arith.cmpi eq, %get3A_295, %eq3A_297 : vector<16xi32>
    %jit3A_299 = arith.constant 0 : i32
    %broadcast_in_dim3A_300 = vector.broadcast %jit3A_299 : i32 to vector<16xi32>
    %select_n3A_301 = arith.select %eq3A_298, %broadcast_in_dim3A_300, %get3A_295 : vector<16xi1>, vector<16xi32>
    %swap3A_302 = arith.constant 2 : i32
    %swap3A_303 = arith.index_cast %swap3A_302 : i32 to index
    %swap3A_304 = arith.constant 48 : index
    %swap3A_305 = tpu.vector_load %arg7[%swap3A_303, %swap3A_304] {strides = array<i32>} : memref<50x128xi32, #tpu.memory_space<vmem>>, vector<16xi32>,
    tpu.vector_store %arg7[%swap3A_303, %swap3A_304], %select_n3A_301 {strides = array<i32>} : memref<50x128xi32, #tpu.memory_space<vmem>>, vector<16xi32>,
    %get3A_306 = arith.constant 2 : i32
    %get3A_307 = arith.index_cast %get3A_306 : i32 to index
    %get3A_308 = arith.constant 64 : index
    %get3A_309 = tpu.vector_load %arg6[%get3A_307, %get3A_308] {strides = array<i32>} : memref<50x128xi32, #tpu.memory_space<vmem>>, vector<16xi32>,
    %eq3A_310 = arith.constant 100000 : i32
    %eq3A_311 = vector.broadcast %eq3A_310 : i32 to vector<16xi32>
    %eq3A_312 = arith.cmpi eq, %get3A_309, %eq3A_311 : vector<16xi32>
    %jit3A_313 = arith.constant 0 : i32
    %broadcast_in_dim3A_314 = vector.broadcast %jit3A_313 : i32 to vector<16xi32>
    %select_n3A_315 = arith.select %eq3A_312, %broadcast_in_dim3A_314, %get3A_309 : vector<16xi1>, vector<16xi32>
    %swap3A_316 = arith.constant 2 : i32
    %swap3A_317 = arith.index_cast %swap3A_316 : i32 to index
    %swap3A_318 = arith.constant 64 : index
    %swap3A_319 = tpu.vector_load %arg7[%swap3A_317, %swap3A_318] {strides = array<i32>} : memref<50x128xi32, #tpu.memory_space<vmem>>, vector<16xi32>,
    tpu.vector_store %arg7[%swap3A_317, %swap3A_318], %select_n3A_315 {strides = array<i32>} : memref<50x128xi32, #tpu.memory_space<vmem>>, vector<16xi32>,
    %get3A_320 = arith.constant 2 : i32
    %get3A_321 = arith.index_cast %get3A_320 : i32 to index
    %get3A_322 = arith.constant 80 : index
    %get3A_323 = tpu.vector_load %arg6[%get3A_321, %get3A_322] {strides = array<i32>} : memref<50x128xi32, #tpu.memory_space<vmem>>, vector<16xi32>,
    %eq3A_324 = arith.constant 100000 : i32
    %eq3A_325 = vector.broadcast %eq3A_324 : i32 to vector<16xi32>
    %eq3A_326 = arith.cmpi eq, %get3A_323, %eq3A_325 : vector<16xi32>
    %jit3A_327 = arith.constant 0 : i32
    %broadcast_in_dim3A_328 = vector.broadcast %jit3A_327 : i32 to vector<16xi32>
    %select_n3A_329 = arith.select %eq3A_326, %broadcast_in_dim3A_328, %get3A_323 : vector<16xi1>, vector<16xi32>
    %swap3A_330 = arith.constant 2 : i32
    %swap3A_331 = arith.index_cast %swap3A_330 : i32 to index
    %swap3A_332 = arith.constant 80 : index
    %swap3A_333 = tpu.vector_load %arg7[%swap3A_331, %swap3A_332] {strides = array<i32>} : memref<50x128xi32, #tpu.memory_space<vmem>>, vector<16xi32>,
    tpu.vector_store %arg7[%swap3A_331, %swap3A_332], %select_n3A_329 {strides = array<i32>} : memref<50x128xi32, #tpu.memory_space<vmem>>, vector<16xi32>,
    %get3A_334 = arith.constant 2 : i32
    %get3A_335 = arith.index_cast %get3A_334 : i32 to index
    %get3A_336 = arith.constant 96 : index
    %get3A_337 = tpu.vector_load %arg6[%get3A_335, %get3A_336] {strides = array<i32>} : memref<50x128xi32, #tpu.memory_space<vmem>>, vector<16xi32>,
    %eq3A_338 = arith.constant 100000 : i32
    %eq3A_339 = vector.broadcast %eq3A_338 : i32 to vector<16xi32>
    %eq3A_340 = arith.cmpi eq, %get3A_337, %eq3A_339 : vector<16xi32>
    %jit3A_341 = arith.constant 0 : i32
    %broadcast_in_dim3A_342 = vector.broadcast %jit3A_341 : i32 to vector<16xi32>
    %select_n3A_343 = arith.select %eq3A_340, %broadcast_in_dim3A_342, %get3A_337 : vector<16xi1>, vector<16xi32>
    %swap3A_344 = arith.constant 2 : i32
    %swap3A_345 = arith.index_cast %swap3A_344 : i32 to index
    %swap3A_346 = arith.constant 96 : index
    %swap3A_347 = tpu.vector_load %arg7[%swap3A_345, %swap3A_346] {strides = array<i32>} : memref<50x128xi32, #tpu.memory_space<vmem>>, vector<16xi32>,
    tpu.vector_store %arg7[%swap3A_345, %swap3A_346], %select_n3A_343 {strides = array<i32>} : memref<50x128xi32, #tpu.memory_space<vmem>>, vector<16xi32>,
    %get3A_348 = arith.constant 2 : i32
    %get3A_349 = arith.index_cast %get3A_348 : i32 to index
    %get3A_350 = arith.constant 112 : index
    %get3A_351 = tpu.vector_load %arg6[%get3A_349, %get3A_350] {strides = array<i32>} : memref<50x128xi32, #tpu.memory_space<vmem>>, vector<16xi32>,
    %eq3A_352 = arith.constant 100000 : i32
    %eq3A_353 = vector.broadcast %eq3A_352 : i32 to vector<16xi32>
    %eq3A_354 = arith.cmpi eq, %get3A_351, %eq3A_353 : vector<16xi32>
    %jit3A_355 = arith.constant 0 : i32
    %broadcast_in_dim3A_356 = vector.broadcast %jit3A_355 : i32 to vector<16xi32>
    %select_n3A_357 = arith.select %eq3A_354, %broadcast_in_dim3A_356, %get3A_351 : vector<16xi1>, vector<16xi32>
    %swap3A_358 = arith.constant 2 : i32
    %swap3A_359 = arith.index_cast %swap3A_358 : i32 to index
    %swap3A_360 = arith.constant 112 : index
    %swap3A_361 = tpu.vector_load %arg7[%swap3A_359, %swap3A_360] {strides = array<i32>} : memref<50x128xi32, #tpu.memory_space<vmem>>, vector<16xi32>,
    tpu.vector_store %arg7[%swap3A_359, %swap3A_360], %select_n3A_357 {strides = array<i32>} : memref<50x128xi32, #tpu.memory_space<vmem>>, vector<16xi32>,
    %dma_start3A_362 = arith.constant 2 : i32
    %dma_start3A_363 = arith.constant 2 : i32
    %dma_start3A_364 = arith.constant 2 : i32
    %dma_start3A_365 = arith.constant 0 : i32
    %dma_start3A_366 = arith.constant 0 : i32
    %dma_start3A_367 = tpu.memref_slice %arg8[%dma_start3A_363, %dma_start3A_365, %dma_start3A_366] : memref<8x128x64xf32, #tpu.memory_space<vmem>> -> memref<1x128x64xf32, #tpu.memory_space<vmem>>
    %dma_start3A_368 = tpu.memref_squeeze %dma_start3A_367 : memref<1x128x64xf32, #tpu.memory_space<vmem>> -> memref<128x64xf32, #tpu.memory_space<vmem>>
    %dma_start3A_369 = arith.constant 0 : i32
    %dma_start3A_370 = tpu.memref_slice %arg7[%dma_start3A_362, %dma_start3A_369] : memref<50x128xi32, #tpu.memory_space<vmem>> -> memref<1x128xi32, #tpu.memory_space<vmem>>
    %dma_start3A_371 = tpu.memref_squeeze %dma_start3A_370 : memref<1x128xi32, #tpu.memory_space<vmem>> -> memref<128xi32, #tpu.memory_space<vmem>>
    %dma_start3A_372 = arith.constant 0 : i32
    %dma_start3A_373 = arith.constant 0 : i32
    %dma_start3A_374 = tpu.memref_slice %arg2[%dma_start3A_372, %dma_start3A_373] : memref<100000x64xf32, #tpu.memory_space<hbm>> -> memref<100000x64xf32, #tpu.memory_space<hbm>>
    %dma_start3A_375 = tpu.memref_slice %arg11[%dma_start3A_364] : memref<8x!tpu.dma_semaphore, #tpu.memory_space<semaphore_mem>> -> memref<1x!tpu.dma_semaphore, #tpu.memory_space<semaphore_mem>>
    %dma_start3A_376 = tpu.memref_squeeze %dma_start3A_375 : memref<1x!tpu.dma_semaphore, #tpu.memory_space<semaphore_mem>> -> memref<!tpu.dma_semaphore, #tpu.memory_space<semaphore_mem>>
    tpu.enqueue_indirect_dma source(%dma_start3A_374 : memref<100000x64xf32, #tpu.memory_space<hbm>>) target(%dma_start3A_368 : memref<128x64xf32, #tpu.memory_space<vmem>>) offsets(%dma_start3A_371 : memref<128xi32, #tpu.memory_space<vmem>>) semaphore(%dma_start3A_376 : memref<!tpu.dma_semaphore, #tpu.memory_space<semaphore_mem>>)
    %get3A_377 = arith.constant 3 : i32
    %get3A_378 = arith.index_cast %get3A_377 : i32 to index
    %get3A_379 = arith.constant 0 : index
    %get3A_380 = tpu.vector_load %arg6[%get3A_378, %get3A_379] {strides = array<i32>} : memref<50x128xi32, #tpu.memory_space<vmem>>, vector<16xi32>,
    %eq3A_381 = arith.constant 100000 : i32
    %eq3A_382 = vector.broadcast %eq3A_381 : i32 to vector<16xi32>
    %eq3A_383 = arith.cmpi eq, %get3A_380, %eq3A_382 : vector<16xi32>
    %jit3A_384 = arith.constant 0 : i32
    %broadcast_in_dim3A_385 = vector.broadcast %jit3A_384 : i32 to vector<16xi32>
    %select_n3A_386 = arith.select %eq3A_383, %broadcast_in_dim3A_385, %get3A_380 : vector<16xi1>, vector<16xi32>
    %swap3A_387 = arith.constant 3 : i32
    %swap3A_388 = arith.index_cast %swap3A_387 : i32 to index
    %swap3A_389 = arith.constant 0 : index
    %swap3A_390 = tpu.vector_load %arg7[%swap3A_388, %swap3A_389] {strides = array<i32>} : memref<50x128xi32, #tpu.memory_space<vmem>>, vector<16xi32>,
    tpu.vector_store %arg7[%swap3A_388, %swap3A_389], %select_n3A_386 {strides = array<i32>} : memref<50x128xi32, #tpu.memory_space<vmem>>, vector<16xi32>,
    %get3A_391 = arith.constant 3 : i32
    %get3A_392 = arith.index_cast %get3A_391 : i32 to index
    %get3A_393 = arith.constant 16 : index
    %get3A_394 = tpu.vector_load %arg6[%get3A_392, %get3A_393] {strides = array<i32>} : memref<50x128xi32, #tpu.memory_space<vmem>>, vector<16xi32>,
    %eq3A_395 = arith.constant 100000 : i32
    %eq3A_396 = vector.broadcast %eq3A_395 : i32 to vector<16xi32>
    %eq3A_397 = arith.cmpi eq, %get3A_394, %eq3A_396 : vector<16xi32>
    %jit3A_398 = arith.constant 0 : i32
    %broadcast_in_dim3A_399 = vector.broadcast %jit3A_398 : i32 to vector<16xi32>
    %select_n3A_400 = arith.select %eq3A_397, %broadcast_in_dim3A_399, %get3A_394 : vector<16xi1>, vector<16xi32>
    %swap3A_401 = arith.constant 3 : i32
    %swap3A_402 = arith.index_cast %swap3A_401 : i32 to index
    %swap3A_403 = arith.constant 16 : index
    %swap3A_404 = tpu.vector_load %arg7[%swap3A_402, %swap3A_403] {strides = array<i32>} : memref<50x128xi32, #tpu.memory_space<vmem>>, vector<16xi32>,
    tpu.vector_store %arg7[%swap3A_402, %swap3A_403], %select_n3A_400 {strides = array<i32>} : memref<50x128xi32, #tpu.memory_space<vmem>>, vector<16xi32>,
    %get3A_405 = arith.constant 3 : i32
    %get3A_406 = arith.index_cast %get3A_405 : i32 to index
    %get3A_407 = arith.constant 32 : index
    %get3A_408 = tpu.vector_load %arg6[%get3A_406, %get3A_407] {strides = array<i32>} : memref<50x128xi32, #tpu.memory_space<vmem>>, vector<16xi32>,
    %eq3A_409 = arith.constant 100000 : i32
    %eq3A_410 = vector.broadcast %eq3A_409 : i32 to vector<16xi32>
    %eq3A_411 = arith.cmpi eq, %get3A_408, %eq3A_410 : vector<16xi32>
    %jit3A_412 = arith.constant 0 : i32
    %broadcast_in_dim3A_413 = vector.broadcast %jit3A_412 : i32 to vector<16xi32>
    %select_n3A_414 = arith.select %eq3A_411, %broadcast_in_dim3A_413, %get3A_408 : vector<16xi1>, vector<16xi32>
    %swap3A_415 = arith.constant 3 : i32
    %swap3A_416 = arith.index_cast %swap3A_415 : i32 to index
    %swap3A_417 = arith.constant 32 : index
    %swap3A_418 = tpu.vector_load %arg7[%swap3A_416, %swap3A_417] {strides = array<i32>} : memref<50x128xi32, #tpu.memory_space<vmem>>, vector<16xi32>,
    tpu.vector_store %arg7[%swap3A_416, %swap3A_417], %select_n3A_414 {strides = array<i32>} : memref<50x128xi32, #tpu.memory_space<vmem>>, vector<16xi32>,
    %get3A_419 = arith.constant 3 : i32
    %get3A_420 = arith.index_cast %get3A_419 : i32 to index
    %get3A_421 = arith.constant 48 : index
    %get3A_422 = tpu.vector_load %arg6[%get3A_420, %get3A_421] {strides = array<i32>} : memref<50x128xi32, #tpu.memory_space<vmem>>, vector<16xi32>,
    %eq3A_423 = arith.constant 100000 : i32
    %eq3A_424 = vector.broadcast %eq3A_423 : i32 to vector<16xi32>
    %eq3A_425 = arith.cmpi eq, %get3A_422, %eq3A_424 : vector<16xi32>
    %jit3A_426 = arith.constant 0 : i32
    %broadcast_in_dim3A_427 = vector.broadcast %jit3A_426 : i32 to vector<16xi32>
    %select_n3A_428 = arith.select %eq3A_425, %broadcast_in_dim3A_427, %get3A_422 : vector<16xi1>, vector<16xi32>
    %swap3A_429 = arith.constant 3 : i32
    %swap3A_430 = arith.index_cast %swap3A_429 : i32 to index
    %swap3A_431 = arith.constant 48 : index
    %swap3A_432 = tpu.vector_load %arg7[%swap3A_430, %swap3A_431] {strides = array<i32>} : memref<50x128xi32, #tpu.memory_space<vmem>>, vector<16xi32>,
    tpu.vector_store %arg7[%swap3A_430, %swap3A_431], %select_n3A_428 {strides = array<i32>} : memref<50x128xi32, #tpu.memory_space<vmem>>, vector<16xi32>,
    %get3A_433 = arith.constant 3 : i32
    %get3A_434 = arith.index_cast %get3A_433 : i32 to index
    %get3A_435 = arith.constant 64 : index
    %get3A_436 = tpu.vector_load %arg6[%get3A_434, %get3A_435] {strides = array<i32>} : memref<50x128xi32, #tpu.memory_space<vmem>>, vector<16xi32>,
    %eq3A_437 = arith.constant 100000 : i32
    %eq3A_438 = vector.broadcast %eq3A_437 : i32 to vector<16xi32>
    %eq3A_439 = arith.cmpi eq, %get3A_436, %eq3A_438 : vector<16xi32>
    %jit3A_440 = arith.constant 0 : i32
    %broadcast_in_dim3A_441 = vector.broadcast %jit3A_440 : i32 to vector<16xi32>
    %select_n3A_442 = arith.select %eq3A_439, %broadcast_in_dim3A_441, %get3A_436 : vector<16xi1>, vector<16xi32>
    %swap3A_443 = arith.constant 3 : i32
    %swap3A_444 = arith.index_cast %swap3A_443 : i32 to index
    %swap3A_445 = arith.constant 64 : index
    %swap3A_446 = tpu.vector_load %arg7[%swap3A_444, %swap3A_445] {strides = array<i32>} : memref<50x128xi32, #tpu.memory_space<vmem>>, vector<16xi32>,
    tpu.vector_store %arg7[%swap3A_444, %swap3A_445], %select_n3A_442 {strides = array<i32>} : memref<50x128xi32, #tpu.memory_space<vmem>>, vector<16xi32>,
    %get3A_447 = arith.constant 3 : i32
    %get3A_448 = arith.index_cast %get3A_447 : i32 to index
    %get3A_449 = arith.constant 80 : index
    %get3A_450 = tpu.vector_load %arg6[%get3A_448, %get3A_449] {strides = array<i32>} : memref<50x128xi32, #tpu.memory_space<vmem>>, vector<16xi32>,
    %eq3A_451 = arith.constant 100000 : i32
    %eq3A_452 = vector.broadcast %eq3A_451 : i32 to vector<16xi32>
    %eq3A_453 = arith.cmpi eq, %get3A_450, %eq3A_452 : vector<16xi32>
    %jit3A_454 = arith.constant 0 : i32
    %broadcast_in_dim3A_455 = vector.broadcast %jit3A_454 : i32 to vector<16xi32>
    %select_n3A_456 = arith.select %eq3A_453, %broadcast_in_dim3A_455, %get3A_450 : vector<16xi1>, vector<16xi32>
    %swap3A_457 = arith.constant 3 : i32
    %swap3A_458 = arith.index_cast %swap3A_457 : i32 to index
    %swap3A_459 = arith.constant 80 : index
    %swap3A_460 = tpu.vector_load %arg7[%swap3A_458, %swap3A_459] {strides = array<i32>} : memref<50x128xi32, #tpu.memory_space<vmem>>, vector<16xi32>,
    tpu.vector_store %arg7[%swap3A_458, %swap3A_459], %select_n3A_456 {strides = array<i32>} : memref<50x128xi32, #tpu.memory_space<vmem>>, vector<16xi32>,
    %get3A_461 = arith.constant 3 : i32
    %get3A_462 = arith.index_cast %get3A_461 : i32 to index
    %get3A_463 = arith.constant 96 : index
    %get3A_464 = tpu.vector_load %arg6[%get3A_462, %get3A_463] {strides = array<i32>} : memref<50x128xi32, #tpu.memory_space<vmem>>, vector<16xi32>,
    %eq3A_465 = arith.constant 100000 : i32
    %eq3A_466 = vector.broadcast %eq3A_465 : i32 to vector<16xi32>
    %eq3A_467 = arith.cmpi eq, %get3A_464, %eq3A_466 : vector<16xi32>
    %jit3A_468 = arith.constant 0 : i32
    %broadcast_in_dim3A_469 = vector.broadcast %jit3A_468 : i32 to vector<16xi32>
    %select_n3A_470 = arith.select %eq3A_467, %broadcast_in_dim3A_469, %get3A_464 : vector<16xi1>, vector<16xi32>
    %swap3A_471 = arith.constant 3 : i32
    %swap3A_472 = arith.index_cast %swap3A_471 : i32 to index
    %swap3A_473 = arith.constant 96 : index
    %swap3A_474 = tpu.vector_load %arg7[%swap3A_472, %swap3A_473] {strides = array<i32>} : memref<50x128xi32, #tpu.memory_space<vmem>>, vector<16xi32>,
    tpu.vector_store %arg7[%swap3A_472, %swap3A_473], %select_n3A_470 {strides = array<i32>} : memref<50x128xi32, #tpu.memory_space<vmem>>, vector<16xi32>,
    %get3A_475 = arith.constant 3 : i32
    %get3A_476 = arith.index_cast %get3A_475 : i32 to index
    %get3A_477 = arith.constant 112 : index
    %get3A_478 = tpu.vector_load %arg6[%get3A_476, %get3A_477] {strides = array<i32>} : memref<50x128xi32, #tpu.memory_space<vmem>>, vector<16xi32>,
    %eq3A_479 = arith.constant 100000 : i32
    %eq3A_480 = vector.broadcast %eq3A_479 : i32 to vector<16xi32>
    %eq3A_481 = arith.cmpi eq, %get3A_478, %eq3A_480 : vector<16xi32>
    %jit3A_482 = arith.constant 0 : i32
    %broadcast_in_dim3A_483 = vector.broadcast %jit3A_482 : i32 to vector<16xi32>
    %select_n3A_484 = arith.select %eq3A_481, %broadcast_in_dim3A_483, %get3A_478 : vector<16xi1>, vector<16xi32>
    %swap3A_485 = arith.constant 3 : i32
    %swap3A_486 = arith.index_cast %swap3A_485 : i32 to index
    %swap3A_487 = arith.constant 112 : index
    %swap3A_488 = tpu.vector_load %arg7[%swap3A_486, %swap3A_487] {strides = array<i32>} : memref<50x128xi32, #tpu.memory_space<vmem>>, vector<16xi32>,
    tpu.vector_store %arg7[%swap3A_486, %swap3A_487], %select_n3A_484 {strides = array<i32>} : memref<50x128xi32, #tpu.memory_space<vmem>>, vector<16xi32>,
    %dma_start3A_489 = arith.constant 3 : i32
    %dma_start3A_490 = arith.constant 3 : i32
    %dma_start3A_491 = arith.constant 3 : i32
    %dma_start3A_492 = arith.constant 0 : i32
    %dma_start3A_493 = arith.constant 0 : i32
    %dma_start3A_494 = tpu.memref_slice %arg8[%dma_start3A_490, %dma_start3A_492, %dma_start3A_493] : memref<8x128x64xf32, #tpu.memory_space<vmem>> -> memref<1x128x64xf32, #tpu.memory_space<vmem>>
    %dma_start3A_495 = tpu.memref_squeeze %dma_start3A_494 : memref<1x128x64xf32, #tpu.memory_space<vmem>> -> memref<128x64xf32, #tpu.memory_space<vmem>>
    %dma_start3A_496 = arith.constant 0 : i32
    %dma_start3A_497 = tpu.memref_slice %arg7[%dma_start3A_489, %dma_start3A_496] : memref<50x128xi32, #tpu.memory_space<vmem>> -> memref<1x128xi32, #tpu.memory_space<vmem>>
    %dma_start3A_498 = tpu.memref_squeeze %dma_start3A_497 : memref<1x128xi32, #tpu.memory_space<vmem>> -> memref<128xi32, #tpu.memory_space<vmem>>
    %dma_start3A_499 = arith.constant 0 : i32
    %dma_start3A_500 = arith.constant 0 : i32
    %dma_start3A_501 = tpu.memref_slice %arg2[%dma_start3A_499, %dma_start3A_500] : memref<100000x64xf32, #tpu.memory_space<hbm>> -> memref<100000x64xf32, #tpu.memory_space<hbm>>
    %dma_start3A_502 = tpu.memref_slice %arg11[%dma_start3A_491] : memref<8x!tpu.dma_semaphore, #tpu.memory_space<semaphore_mem>> -> memref<1x!tpu.dma_semaphore, #tpu.memory_space<semaphore_mem>>
    %dma_start3A_503 = tpu.memref_squeeze %dma_start3A_502 : memref<1x!tpu.dma_semaphore, #tpu.memory_space<semaphore_mem>> -> memref<!tpu.dma_semaphore, #tpu.memory_space<semaphore_mem>>
    tpu.enqueue_indirect_dma source(%dma_start3A_501 : memref<100000x64xf32, #tpu.memory_space<hbm>>) target(%dma_start3A_495 : memref<128x64xf32, #tpu.memory_space<vmem>>) offsets(%dma_start3A_498 : memref<128xi32, #tpu.memory_space<vmem>>) semaphore(%dma_start3A_503 : memref<!tpu.dma_semaphore, #tpu.memory_space<semaphore_mem>>)
    %get3A_504 = arith.constant 4 : i32
    %get3A_505 = arith.index_cast %get3A_504 : i32 to index
    %get3A_506 = arith.constant 0 : index
    %get3A_507 = tpu.vector_load %arg6[%get3A_505, %get3A_506] {strides = array<i32>} : memref<50x128xi32, #tpu.memory_space<vmem>>, vector<16xi32>,
    %eq3A_508 = arith.constant 100000 : i32
    %eq3A_509 = vector.broadcast %eq3A_508 : i32 to vector<16xi32>
    %eq3A_510 = arith.cmpi eq, %get3A_507, %eq3A_509 : vector<16xi32>
    %jit3A_511 = arith.constant 0 : i32
    %broadcast_in_dim3A_512 = vector.broadcast %jit3A_511 : i32 to vector<16xi32>
    %select_n3A_513 = arith.select %eq3A_510, %broadcast_in_dim3A_512, %get3A_507 : vector<16xi1>, vector<16xi32>
    %swap3A_514 = arith.constant 4 : i32
    %swap3A_515 = arith.index_cast %swap3A_514 : i32 to index
    %swap3A_516 = arith.constant 0 : index
    %swap3A_517 = tpu.vector_load %arg7[%swap3A_515, %swap3A_516] {strides = array<i32>} : memref<50x128xi32, #tpu.memory_space<vmem>>, vector<16xi32>,
    tpu.vector_store %arg7[%swap3A_515, %swap3A_516], %select_n3A_513 {strides = array<i32>} : memref<50x128xi32, #tpu.memory_space<vmem>>, vector<16xi32>,
    %get3A_518 = arith.constant 4 : i32
    %get3A_519 = arith.index_cast %get3A_518 : i32 to index
    %get3A_520 = arith.constant 16 : index
    %get3A_521 = tpu.vector_load %arg6[%get3A_519, %get3A_520] {strides = array<i32>} : memref<50x128xi32, #tpu.memory_space<vmem>>, vector<16xi32>,
    %eq3A_522 = arith.constant 100000 : i32
    %eq3A_523 = vector.broadcast %eq3A_522 : i32 to vector<16xi32>
    %eq3A_524 = arith.cmpi eq, %get3A_521, %eq3A_523 : vector<16xi32>
    %jit3A_525 = arith.constant 0 : i32
    %broadcast_in_dim3A_526 = vector.broadcast %jit3A_525 : i32 to vector<16xi32>
    %select_n3A_527 = arith.select %eq3A_524, %broadcast_in_dim3A_526, %get3A_521 : vector<16xi1>, vector<16xi32>
    %swap3A_528 = arith.constant 4 : i32
    %swap3A_529 = arith.index_cast %swap3A_528 : i32 to index
    %swap3A_530 = arith.constant 16 : index
    %swap3A_531 = tpu.vector_load %arg7[%swap3A_529, %swap3A_530] {strides = array<i32>} : memref<50x128xi32, #tpu.memory_space<vmem>>, vector<16xi32>,
    tpu.vector_store %arg7[%swap3A_529, %swap3A_530], %select_n3A_527 {strides = array<i32>} : memref<50x128xi32, #tpu.memory_space<vmem>>, vector<16xi32>,
    %get3A_532 = arith.constant 4 : i32
    %get3A_533 = arith.index_cast %get3A_532 : i32 to index
    %get3A_534 = arith.constant 32 : index
    %get3A_535 = tpu.vector_load %arg6[%get3A_533, %get3A_534] {strides = array<i32>} : memref<50x128xi32, #tpu.memory_space<vmem>>, vector<16xi32>,
    %eq3A_536 = arith.constant 100000 : i32
    %eq3A_537 = vector.broadcast %eq3A_536 : i32 to vector<16xi32>
    %eq3A_538 = arith.cmpi eq, %get3A_535, %eq3A_537 : vector<16xi32>
    %jit3A_539 = arith.constant 0 : i32
    %broadcast_in_dim3A_540 = vector.broadcast %jit3A_539 : i32 to vector<16xi32>
    %select_n3A_541 = arith.select %eq3A_538, %broadcast_in_dim3A_540, %get3A_535 : vector<16xi1>, vector<16xi32>
    %swap3A_542 = arith.constant 4 : i32
    %swap3A_543 = arith.index_cast %swap3A_542 : i32 to index
    %swap3A_544 = arith.constant 32 : index
    %swap3A_545 = tpu.vector_load %arg7[%swap3A_543, %swap3A_544] {strides = array<i32>} : memref<50x128xi32, #tpu.memory_space<vmem>>, vector<16xi32>,
    tpu.vector_store %arg7[%swap3A_543, %swap3A_544], %select_n3A_541 {strides = array<i32>} : memref<50x128xi32, #tpu.memory_space<vmem>>, vector<16xi32>,
    %get3A_546 = arith.constant 4 : i32
    %get3A_547 = arith.index_cast %get3A_546 : i32 to index
    %get3A_548 = arith.constant 48 : index
    %get3A_549 = tpu.vector_load %arg6[%get3A_547, %get3A_548] {strides = array<i32>} : memref<50x128xi32, #tpu.memory_space<vmem>>, vector<16xi32>,
    %eq3A_550 = arith.constant 100000 : i32
    %eq3A_551 = vector.broadcast %eq3A_550 : i32 to vector<16xi32>
    %eq3A_552 = arith.cmpi eq, %get3A_549, %eq3A_551 : vector<16xi32>
    %jit3A_553 = arith.constant 0 : i32
    %broadcast_in_dim3A_554 = vector.broadcast %jit3A_553 : i32 to vector<16xi32>
    %select_n3A_555 = arith.select %eq3A_552, %broadcast_in_dim3A_554, %get3A_549 : vector<16xi1>, vector<16xi32>
    %swap3A_556 = arith.constant 4 : i32
    %swap3A_557 = arith.index_cast %swap3A_556 : i32 to index
    %swap3A_558 = arith.constant 48 : index
    %swap3A_559 = tpu.vector_load %arg7[%swap3A_557, %swap3A_558] {strides = array<i32>} : memref<50x128xi32, #tpu.memory_space<vmem>>, vector<16xi32>,
    tpu.vector_store %arg7[%swap3A_557, %swap3A_558], %select_n3A_555 {strides = array<i32>} : memref<50x128xi32, #tpu.memory_space<vmem>>, vector<16xi32>,
    %get3A_560 = arith.constant 4 : i32
    %get3A_561 = arith.index_cast %get3A_560 : i32 to index
    %get3A_562 = arith.constant 64 : index
    %get3A_563 = tpu.vector_load %arg6[%get3A_561, %get3A_562] {strides = array<i32>} : memref<50x128xi32, #tpu.memory_space<vmem>>, vector<16xi32>,
    %eq3A_564 = arith.constant 100000 : i32
    %eq3A_565 = vector.broadcast %eq3A_564 : i32 to vector<16xi32>
    %eq3A_566 = arith.cmpi eq, %get3A_563, %eq3A_565 : vector<16xi32>
    %jit3A_567 = arith.constant 0 : i32
    %broadcast_in_dim3A_568 = vector.broadcast %jit3A_567 : i32 to vector<16xi32>
    %select_n3A_569 = arith.select %eq3A_566, %broadcast_in_dim3A_568, %get3A_563 : vector<16xi1>, vector<16xi32>
    %swap3A_570 = arith.constant 4 : i32
    %swap3A_571 = arith.index_cast %swap3A_570 : i32 to index
    %swap3A_572 = arith.constant 64 : index
    %swap3A_573 = tpu.vector_load %arg7[%swap3A_571, %swap3A_572] {strides = array<i32>} : memref<50x128xi32, #tpu.memory_space<vmem>>, vector<16xi32>,
    tpu.vector_store %arg7[%swap3A_571, %swap3A_572], %select_n3A_569 {strides = array<i32>} : memref<50x128xi32, #tpu.memory_space<vmem>>, vector<16xi32>,
    %get3A_574 = arith.constant 4 : i32
    %get3A_575 = arith.index_cast %get3A_574 : i32 to index
    %get3A_576 = arith.constant 80 : index
    %get3A_577 = tpu.vector_load %arg6[%get3A_575, %get3A_576] {strides = array<i32>} : memref<50x128xi32, #tpu.memory_space<vmem>>, vector<16xi32>,
    %eq3A_578 = arith.constant 100000 : i32
    %eq3A_579 = vector.broadcast %eq3A_578 : i32 to vector<16xi32>
    %eq3A_580 = arith.cmpi eq, %get3A_577, %eq3A_579 : vector<16xi32>
    %jit3A_581 = arith.constant 0 : i32
    %broadcast_in_dim3A_582 = vector.broadcast %jit3A_581 : i32 to vector<16xi32>
    %select_n3A_583 = arith.select %eq3A_580, %broadcast_in_dim3A_582, %get3A_577 : vector<16xi1>, vector<16xi32>
    %swap3A_584 = arith.constant 4 : i32
    %swap3A_585 = arith.index_cast %swap3A_584 : i32 to index
    %swap3A_586 = arith.constant 80 : index
    %swap3A_587 = tpu.vector_load %arg7[%swap3A_585, %swap3A_586] {strides = array<i32>} : memref<50x128xi32, #tpu.memory_space<vmem>>, vector<16xi32>,
    tpu.vector_store %arg7[%swap3A_585, %swap3A_586], %select_n3A_583 {strides = array<i32>} : memref<50x128xi32, #tpu.memory_space<vmem>>, vector<16xi32>,
    %get3A_588 = arith.constant 4 : i32
    %get3A_589 = arith.index_cast %get3A_588 : i32 to index
    %get3A_590 = arith.constant 96 : index
    %get3A_591 = tpu.vector_load %arg6[%get3A_589, %get3A_590] {strides = array<i32>} : memref<50x128xi32, #tpu.memory_space<vmem>>, vector<16xi32>,
    %eq3A_592 = arith.constant 100000 : i32
    %eq3A_593 = vector.broadcast %eq3A_592 : i32 to vector<16xi32>
    %eq3A_594 = arith.cmpi eq, %get3A_591, %eq3A_593 : vector<16xi32>
    %jit3A_595 = arith.constant 0 : i32
    %broadcast_in_dim3A_596 = vector.broadcast %jit3A_595 : i32 to vector<16xi32>
    %select_n3A_597 = arith.select %eq3A_594, %broadcast_in_dim3A_596, %get3A_591 : vector<16xi1>, vector<16xi32>
    %swap3A_598 = arith.constant 4 : i32
    %swap3A_599 = arith.index_cast %swap3A_598 : i32 to index
    %swap3A_600 = arith.constant 96 : index
    %swap3A_601 = tpu.vector_load %arg7[%swap3A_599, %swap3A_600] {strides = array<i32>} : memref<50x128xi32, #tpu.memory_space<vmem>>, vector<16xi32>,
    tpu.vector_store %arg7[%swap3A_599, %swap3A_600], %select_n3A_597 {strides = array<i32>} : memref<50x128xi32, #tpu.memory_space<vmem>>, vector<16xi32>,
    %get3A_602 = arith.constant 4 : i32
    %get3A_603 = arith.index_cast %get3A_602 : i32 to index
    %get3A_604 = arith.constant 112 : index
    %get3A_605 = tpu.vector_load %arg6[%get3A_603, %get3A_604] {strides = array<i32>} : memref<50x128xi32, #tpu.memory_space<vmem>>, vector<16xi32>,
    %eq3A_606 = arith.constant 100000 : i32
    %eq3A_607 = vector.broadcast %eq3A_606 : i32 to vector<16xi32>
    %eq3A_608 = arith.cmpi eq, %get3A_605, %eq3A_607 : vector<16xi32>
    %jit3A_609 = arith.constant 0 : i32
    %broadcast_in_dim3A_610 = vector.broadcast %jit3A_609 : i32 to vector<16xi32>
    %select_n3A_611 = arith.select %eq3A_608, %broadcast_in_dim3A_610, %get3A_605 : vector<16xi1>, vector<16xi32>
    %swap3A_612 = arith.constant 4 : i32
    %swap3A_613 = arith.index_cast %swap3A_612 : i32 to index
    %swap3A_614 = arith.constant 112 : index
    %swap3A_615 = tpu.vector_load %arg7[%swap3A_613, %swap3A_614] {strides = array<i32>} : memref<50x128xi32, #tpu.memory_space<vmem>>, vector<16xi32>,
    tpu.vector_store %arg7[%swap3A_613, %swap3A_614], %select_n3A_611 {strides = array<i32>} : memref<50x128xi32, #tpu.memory_space<vmem>>, vector<16xi32>,
    %dma_start3A_616 = arith.constant 4 : i32
    %dma_start3A_617 = arith.constant 4 : i32
    %dma_start3A_618 = arith.constant 4 : i32
    %dma_start3A_619 = arith.constant 0 : i32
    %dma_start3A_620 = arith.constant 0 : i32
    %dma_start3A_621 = tpu.memref_slice %arg8[%dma_start3A_617, %dma_start3A_619, %dma_start3A_620] : memref<8x128x64xf32, #tpu.memory_space<vmem>> -> memref<1x128x64xf32, #tpu.memory_space<vmem>>
    %dma_start3A_622 = tpu.memref_squeeze %dma_start3A_621 : memref<1x128x64xf32, #tpu.memory_space<vmem>> -> memref<128x64xf32, #tpu.memory_space<vmem>>
    %dma_start3A_623 = arith.constant 0 : i32
    %dma_start3A_624 = tpu.memref_slice %arg7[%dma_start3A_616, %dma_start3A_623] : memref<50x128xi32, #tpu.memory_space<vmem>> -> memref<1x128xi32, #tpu.memory_space<vmem>>
    %dma_start3A_625 = tpu.memref_squeeze %dma_start3A_624 : memref<1x128xi32, #tpu.memory_space<vmem>> -> memref<128xi32, #tpu.memory_space<vmem>>
    %dma_start3A_626 = arith.constant 0 : i32
    %dma_start3A_627 = arith.constant 0 : i32
    %dma_start3A_628 = tpu.memref_slice %arg2[%dma_start3A_626, %dma_start3A_627] : memref<100000x64xf32, #tpu.memory_space<hbm>> -> memref<100000x64xf32, #tpu.memory_space<hbm>>
    %dma_start3A_629 = tpu.memref_slice %arg11[%dma_start3A_618] : memref<8x!tpu.dma_semaphore, #tpu.memory_space<semaphore_mem>> -> memref<1x!tpu.dma_semaphore, #tpu.memory_space<semaphore_mem>>
    %dma_start3A_630 = tpu.memref_squeeze %dma_start3A_629 : memref<1x!tpu.dma_semaphore, #tpu.memory_space<semaphore_mem>> -> memref<!tpu.dma_semaphore, #tpu.memory_space<semaphore_mem>>
    tpu.enqueue_indirect_dma source(%dma_start3A_628 : memref<100000x64xf32, #tpu.memory_space<hbm>>) target(%dma_start3A_622 : memref<128x64xf32, #tpu.memory_space<vmem>>) offsets(%dma_start3A_625 : memref<128xi32, #tpu.memory_space<vmem>>) semaphore(%dma_start3A_630 : memref<!tpu.dma_semaphore, #tpu.memory_space<semaphore_mem>>)
    %get3A_631 = arith.constant 5 : i32
    %get3A_632 = arith.index_cast %get3A_631 : i32 to index
    %get3A_633 = arith.constant 0 : index
    %get3A_634 = tpu.vector_load %arg6[%get3A_632, %get3A_633] {strides = array<i32>} : memref<50x128xi32, #tpu.memory_space<vmem>>, vector<16xi32>,
    %eq3A_635 = arith.constant 100000 : i32
    %eq3A_636 = vector.broadcast %eq3A_635 : i32 to vector<16xi32>
    %eq3A_637 = arith.cmpi eq, %get3A_634, %eq3A_636 : vector<16xi32>
    %jit3A_638 = arith.constant 0 : i32
    %broadcast_in_dim3A_639 = vector.broadcast %jit3A_638 : i32 to vector<16xi32>
    %select_n3A_640 = arith.select %eq3A_637, %broadcast_in_dim3A_639, %get3A_634 : vector<16xi1>, vector<16xi32>
    %swap3A_641 = arith.constant 5 : i32
    %swap3A_642 = arith.index_cast %swap3A_641 : i32 to index
    %swap3A_643 = arith.constant 0 : index
    %swap3A_644 = tpu.vector_load %arg7[%swap3A_642, %swap3A_643] {strides = array<i32>} : memref<50x128xi32, #tpu.memory_space<vmem>>, vector<16xi32>,
    tpu.vector_store %arg7[%swap3A_642, %swap3A_643], %select_n3A_640 {strides = array<i32>} : memref<50x128xi32, #tpu.memory_space<vmem>>, vector<16xi32>,
    %get3A_645 = arith.constant 5 : i32
    %get3A_646 = arith.index_cast %get3A_645 : i32 to index
    %get3A_647 = arith.constant 16 : index
    %get3A_648 = tpu.vector_load %arg6[%get3A_646, %get3A_647] {strides = array<i32>} : memref<50x128xi32, #tpu.memory_space<vmem>>, vector<16xi32>,
    %eq3A_649 = arith.constant 100000 : i32
    %eq3A_650 = vector.broadcast %eq3A_649 : i32 to vector<16xi32>
    %eq3A_651 = arith.cmpi eq, %get3A_648, %eq3A_650 : vector<16xi32>
    %jit3A_652 = arith.constant 0 : i32
    %broadcast_in_dim3A_653 = vector.broadcast %jit3A_652 : i32 to vector<16xi32>
    %select_n3A_654 = arith.select %eq3A_651, %broadcast_in_dim3A_653, %get3A_648 : vector<16xi1>, vector<16xi32>
    %swap3A_655 = arith.constant 5 : i32
    %swap3A_656 = arith.index_cast %swap3A_655 : i32 to index
    %swap3A_657 = arith.constant 16 : index
    %swap3A_658 = tpu.vector_load %arg7[%swap3A_656, %swap3A_657] {strides = array<i32>} : memref<50x128xi32, #tpu.memory_space<vmem>>, vector<16xi32>,
    tpu.vector_store %arg7[%swap3A_656, %swap3A_657], %select_n3A_654 {strides = array<i32>} : memref<50x128xi32, #tpu.memory_space<vmem>>, vector<16xi32>,
    %get3A_659 = arith.constant 5 : i32
    %get3A_660 = arith.index_cast %get3A_659 : i32 to index
    %get3A_661 = arith.constant 32 : index
    %get3A_662 = tpu.vector_load %arg6[%get3A_660, %get3A_661] {strides = array<i32>} : memref<50x128xi32, #tpu.memory_space<vmem>>, vector<16xi32>,
    %eq3A_663 = arith.constant 100000 : i32
    %eq3A_664 = vector.broadcast %eq3A_663 : i32 to vector<16xi32>
    %eq3A_665 = arith.cmpi eq, %get3A_662, %eq3A_664 : vector<16xi32>
    %jit3A_666 = arith.constant 0 : i32
    %broadcast_in_dim3A_667 = vector.broadcast %jit3A_666 : i32 to vector<16xi32>
    %select_n3A_668 = arith.select %eq3A_665, %broadcast_in_dim3A_667, %get3A_662 : vector<16xi1>, vector<16xi32>
    %swap3A_669 = arith.constant 5 : i32
    %swap3A_670 = arith.index_cast %swap3A_669 : i32 to index
    %swap3A_671 = arith.constant 32 : index
    %swap3A_672 = tpu.vector_load %arg7[%swap3A_670, %swap3A_671] {strides = array<i32>} : memref<50x128xi32, #tpu.memory_space<vmem>>, vector<16xi32>,
    tpu.vector_store %arg7[%swap3A_670, %swap3A_671], %select_n3A_668 {strides = array<i32>} : memref<50x128xi32, #tpu.memory_space<vmem>>, vector<16xi32>,
    %get3A_673 = arith.constant 5 : i32
    %get3A_674 = arith.index_cast %get3A_673 : i32 to index
    %get3A_675 = arith.constant 48 : index
    %get3A_676 = tpu.vector_load %arg6[%get3A_674, %get3A_675] {strides = array<i32>} : memref<50x128xi32, #tpu.memory_space<vmem>>, vector<16xi32>,
    %eq3A_677 = arith.constant 100000 : i32
    %eq3A_678 = vector.broadcast %eq3A_677 : i32 to vector<16xi32>
    %eq3A_679 = arith.cmpi eq, %get3A_676, %eq3A_678 : vector<16xi32>
    %jit3A_680 = arith.constant 0 : i32
    %broadcast_in_dim3A_681 = vector.broadcast %jit3A_680 : i32 to vector<16xi32>
    %select_n3A_682 = arith.select %eq3A_679, %broadcast_in_dim3A_681, %get3A_676 : vector<16xi1>, vector<16xi32>
    %swap3A_683 = arith.constant 5 : i32
    %swap3A_684 = arith.index_cast %swap3A_683 : i32 to index
    %swap3A_685 = arith.constant 48 : index
    %swap3A_686 = tpu.vector_load %arg7[%swap3A_684, %swap3A_685] {strides = array<i32>} : memref<50x128xi32, #tpu.memory_space<vmem>>, vector<16xi32>,
    tpu.vector_store %arg7[%swap3A_684, %swap3A_685], %select_n3A_682 {strides = array<i32>} : memref<50x128xi32, #tpu.memory_space<vmem>>, vector<16xi32>,
    %get3A_687 = arith.constant 5 : i32
    %get3A_688 = arith.index_cast %get3A_687 : i32 to index
    %get3A_689 = arith.constant 64 : index
    %get3A_690 = tpu.vector_load %arg6[%get3A_688, %get3A_689] {strides = array<i32>} : memref<50x128xi32, #tpu.memory_space<vmem>>, vector<16xi32>,
    %eq3A_691 = arith.constant 100000 : i32
    %eq3A_692 = vector.broadcast %eq3A_691 : i32 to vector<16xi32>
    %eq3A_693 = arith.cmpi eq, %get3A_690, %eq3A_692 : vector<16xi32>
    %jit3A_694 = arith.constant 0 : i32
    %broadcast_in_dim3A_695 = vector.broadcast %jit3A_694 : i32 to vector<16xi32>
    %select_n3A_696 = arith.select %eq3A_693, %broadcast_in_dim3A_695, %get3A_690 : vector<16xi1>, vector<16xi32>
    %swap3A_697 = arith.constant 5 : i32
    %swap3A_698 = arith.index_cast %swap3A_697 : i32 to index
    %swap3A_699 = arith.constant 64 : index
    %swap3A_700 = tpu.vector_load %arg7[%swap3A_698, %swap3A_699] {strides = array<i32>} : memref<50x128xi32, #tpu.memory_space<vmem>>, vector<16xi32>,
    tpu.vector_store %arg7[%swap3A_698, %swap3A_699], %select_n3A_696 {strides = array<i32>} : memref<50x128xi32, #tpu.memory_space<vmem>>, vector<16xi32>,
    %get3A_701 = arith.constant 5 : i32
    %get3A_702 = arith.index_cast %get3A_701 : i32 to index
    %get3A_703 = arith.constant 80 : index
    %get3A_704 = tpu.vector_load %arg6[%get3A_702, %get3A_703] {strides = array<i32>} : memref<50x128xi32, #tpu.memory_space<vmem>>, vector<16xi32>,
    %eq3A_705 = arith.constant 100000 : i32
    %eq3A_706 = vector.broadcast %eq3A_705 : i32 to vector<16xi32>
    %eq3A_707 = arith.cmpi eq, %get3A_704, %eq3A_706 : vector<16xi32>
    %jit3A_708 = arith.constant 0 : i32
    %broadcast_in_dim3A_709 = vector.broadcast %jit3A_708 : i32 to vector<16xi32>
    %select_n3A_710 = arith.select %eq3A_707, %broadcast_in_dim3A_709, %get3A_704 : vector<16xi1>, vector<16xi32>
    %swap3A_711 = arith.constant 5 : i32
    %swap3A_712 = arith.index_cast %swap3A_711 : i32 to index
    %swap3A_713 = arith.constant 80 : index
    %swap3A_714 = tpu.vector_load %arg7[%swap3A_712, %swap3A_713] {strides = array<i32>} : memref<50x128xi32, #tpu.memory_space<vmem>>, vector<16xi32>,
    tpu.vector_store %arg7[%swap3A_712, %swap3A_713], %select_n3A_710 {strides = array<i32>} : memref<50x128xi32, #tpu.memory_space<vmem>>, vector<16xi32>,
    %get3A_715 = arith.constant 5 : i32
    %get3A_716 = arith.index_cast %get3A_715 : i32 to index
    %get3A_717 = arith.constant 96 : index
    %get3A_718 = tpu.vector_load %arg6[%get3A_716, %get3A_717] {strides = array<i32>} : memref<50x128xi32, #tpu.memory_space<vmem>>, vector<16xi32>,
    %eq3A_719 = arith.constant 100000 : i32
    %eq3A_720 = vector.broadcast %eq3A_719 : i32 to vector<16xi32>
    %eq3A_721 = arith.cmpi eq, %get3A_718, %eq3A_720 : vector<16xi32>
    %jit3A_722 = arith.constant 0 : i32
    %broadcast_in_dim3A_723 = vector.broadcast %jit3A_722 : i32 to vector<16xi32>
    %select_n3A_724 = arith.select %eq3A_721, %broadcast_in_dim3A_723, %get3A_718 : vector<16xi1>, vector<16xi32>
    %swap3A_725 = arith.constant 5 : i32
    %swap3A_726 = arith.index_cast %swap3A_725 : i32 to index
    %swap3A_727 = arith.constant 96 : index
    %swap3A_728 = tpu.vector_load %arg7[%swap3A_726, %swap3A_727] {strides = array<i32>} : memref<50x128xi32, #tpu.memory_space<vmem>>, vector<16xi32>,
    tpu.vector_store %arg7[%swap3A_726, %swap3A_727], %select_n3A_724 {strides = array<i32>} : memref<50x128xi32, #tpu.memory_space<vmem>>, vector<16xi32>,
    %get3A_729 = arith.constant 5 : i32
    %get3A_730 = arith.index_cast %get3A_729 : i32 to index
    %get3A_731 = arith.constant 112 : index
    %get3A_732 = tpu.vector_load %arg6[%get3A_730, %get3A_731] {strides = array<i32>} : memref<50x128xi32, #tpu.memory_space<vmem>>, vector<16xi32>,
    %eq3A_733 = arith.constant 100000 : i32
    %eq3A_734 = vector.broadcast %eq3A_733 : i32 to vector<16xi32>
    %eq3A_735 = arith.cmpi eq, %get3A_732, %eq3A_734 : vector<16xi32>
    %jit3A_736 = arith.constant 0 : i32
    %broadcast_in_dim3A_737 = vector.broadcast %jit3A_736 : i32 to vector<16xi32>
    %select_n3A_738 = arith.select %eq3A_735, %broadcast_in_dim3A_737, %get3A_732 : vector<16xi1>, vector<16xi32>
    %swap3A_739 = arith.constant 5 : i32
    %swap3A_740 = arith.index_cast %swap3A_739 : i32 to index
    %swap3A_741 = arith.constant 112 : index
    %swap3A_742 = tpu.vector_load %arg7[%swap3A_740, %swap3A_741] {strides = array<i32>} : memref<50x128xi32, #tpu.memory_space<vmem>>, vector<16xi32>,
    tpu.vector_store %arg7[%swap3A_740, %swap3A_741], %select_n3A_738 {strides = array<i32>} : memref<50x128xi32, #tpu.memory_space<vmem>>, vector<16xi32>,
    %dma_start3A_743 = arith.constant 5 : i32
    %dma_start3A_744 = arith.constant 5 : i32
    %dma_start3A_745 = arith.constant 5 : i32
    %dma_start3A_746 = arith.constant 0 : i32
    %dma_start3A_747 = arith.constant 0 : i32
    %dma_start3A_748 = tpu.memref_slice %arg8[%dma_start3A_744, %dma_start3A_746, %dma_start3A_747] : memref<8x128x64xf32, #tpu.memory_space<vmem>> -> memref<1x128x64xf32, #tpu.memory_space<vmem>>
    %dma_start3A_749 = tpu.memref_squeeze %dma_start3A_748 : memref<1x128x64xf32, #tpu.memory_space<vmem>> -> memref<128x64xf32, #tpu.memory_space<vmem>>
    %dma_start3A_750 = arith.constant 0 : i32
    %dma_start3A_751 = tpu.memref_slice %arg7[%dma_start3A_743, %dma_start3A_750] : memref<50x128xi32, #tpu.memory_space<vmem>> -> memref<1x128xi32, #tpu.memory_space<vmem>>
    %dma_start3A_752 = tpu.memref_squeeze %dma_start3A_751 : memref<1x128xi32, #tpu.memory_space<vmem>> -> memref<128xi32, #tpu.memory_space<vmem>>
    %dma_start3A_753 = arith.constant 0 : i32
    %dma_start3A_754 = arith.constant 0 : i32
    %dma_start3A_755 = tpu.memref_slice %arg2[%dma_start3A_753, %dma_start3A_754] : memref<100000x64xf32, #tpu.memory_space<hbm>> -> memref<100000x64xf32, #tpu.memory_space<hbm>>
    %dma_start3A_756 = tpu.memref_slice %arg11[%dma_start3A_745] : memref<8x!tpu.dma_semaphore, #tpu.memory_space<semaphore_mem>> -> memref<1x!tpu.dma_semaphore, #tpu.memory_space<semaphore_mem>>
    %dma_start3A_757 = tpu.memref_squeeze %dma_start3A_756 : memref<1x!tpu.dma_semaphore, #tpu.memory_space<semaphore_mem>> -> memref<!tpu.dma_semaphore, #tpu.memory_space<semaphore_mem>>
    tpu.enqueue_indirect_dma source(%dma_start3A_755 : memref<100000x64xf32, #tpu.memory_space<hbm>>) target(%dma_start3A_749 : memref<128x64xf32, #tpu.memory_space<vmem>>) offsets(%dma_start3A_752 : memref<128xi32, #tpu.memory_space<vmem>>) semaphore(%dma_start3A_757 : memref<!tpu.dma_semaphore, #tpu.memory_space<semaphore_mem>>)
    %get3A_758 = arith.constant 6 : i32
    %get3A_759 = arith.index_cast %get3A_758 : i32 to index
    %get3A_760 = arith.constant 0 : index
    %get3A_761 = tpu.vector_load %arg6[%get3A_759, %get3A_760] {strides = array<i32>} : memref<50x128xi32, #tpu.memory_space<vmem>>, vector<16xi32>,
    %eq3A_762 = arith.constant 100000 : i32
    %eq3A_763 = vector.broadcast %eq3A_762 : i32 to vector<16xi32>
    %eq3A_764 = arith.cmpi eq, %get3A_761, %eq3A_763 : vector<16xi32>
    %jit3A_765 = arith.constant 0 : i32
    %broadcast_in_dim3A_766 = vector.broadcast %jit3A_765 : i32 to vector<16xi32>
    %select_n3A_767 = arith.select %eq3A_764, %broadcast_in_dim3A_766, %get3A_761 : vector<16xi1>, vector<16xi32>
    %swap3A_768 = arith.constant 6 : i32
    %swap3A_769 = arith.index_cast %swap3A_768 : i32 to index
    %swap3A_770 = arith.constant 0 : index
    %swap3A_771 = tpu.vector_load %arg7[%swap3A_769, %swap3A_770] {strides = array<i32>} : memref<50x128xi32, #tpu.memory_space<vmem>>, vector<16xi32>,
    tpu.vector_store %arg7[%swap3A_769, %swap3A_770], %select_n3A_767 {strides = array<i32>} : memref<50x128xi32, #tpu.memory_space<vmem>>, vector<16xi32>,
    %get3A_772 = arith.constant 6 : i32
    %get3A_773 = arith.index_cast %get3A_772 : i32 to index
    %get3A_774 = arith.constant 16 : index
    %get3A_775 = tpu.vector_load %arg6[%get3A_773, %get3A_774] {strides = array<i32>} : memref<50x128xi32, #tpu.memory_space<vmem>>, vector<16xi32>,
    %eq3A_776 = arith.constant 100000 : i32
    %eq3A_777 = vector.broadcast %eq3A_776 : i32 to vector<16xi32>
    %eq3A_778 = arith.cmpi eq, %get3A_775, %eq3A_777 : vector<16xi32>
    %jit3A_779 = arith.constant 0 : i32
    %broadcast_in_dim3A_780 = vector.broadcast %jit3A_779 : i32 to vector<16xi32>
    %select_n3A_781 = arith.select %eq3A_778, %broadcast_in_dim3A_780, %get3A_775 : vector<16xi1>, vector<16xi32>
    %swap3A_782 = arith.constant 6 : i32
    %swap3A_783 = arith.index_cast %swap3A_782 : i32 to index
    %swap3A_784 = arith.constant 16 : index
    %swap3A_785 = tpu.vector_load %arg7[%swap3A_783, %swap3A_784] {strides = array<i32>} : memref<50x128xi32, #tpu.memory_space<vmem>>, vector<16xi32>,
    tpu.vector_store %arg7[%swap3A_783, %swap3A_784], %select_n3A_781 {strides = array<i32>} : memref<50x128xi32, #tpu.memory_space<vmem>>, vector<16xi32>,
    %get3A_786 = arith.constant 6 : i32
    %get3A_787 = arith.index_cast %get3A_786 : i32 to index
    %get3A_788 = arith.constant 32 : index
    %get3A_789 = tpu.vector_load %arg6[%get3A_787, %get3A_788] {strides = array<i32>} : memref<50x128xi32, #tpu.memory_space<vmem>>, vector<16xi32>,
    %eq3A_790 = arith.constant 100000 : i32
    %eq3A_791 = vector.broadcast %eq3A_790 : i32 to vector<16xi32>
    %eq3A_792 = arith.cmpi eq, %get3A_789, %eq3A_791 : vector<16xi32>
    %jit3A_793 = arith.constant 0 : i32
    %broadcast_in_dim3A_794 = vector.broadcast %jit3A_793 : i32 to vector<16xi32>
    %select_n3A_795 = arith.select %eq3A_792, %broadcast_in_dim3A_794, %get3A_789 : vector<16xi1>, vector<16xi32>
    %swap3A_796 = arith.constant 6 : i32
    %swap3A_797 = arith.index_cast %swap3A_796 : i32 to index
    %swap3A_798 = arith.constant 32 : index
    %swap3A_799 = tpu.vector_load %arg7[%swap3A_797, %swap3A_798] {strides = array<i32>} : memref<50x128xi32, #tpu.memory_space<vmem>>, vector<16xi32>,
    tpu.vector_store %arg7[%swap3A_797, %swap3A_798], %select_n3A_795 {strides = array<i32>} : memref<50x128xi32, #tpu.memory_space<vmem>>, vector<16xi32>,
    %get3A_800 = arith.constant 6 : i32
    %get3A_801 = arith.index_cast %get3A_800 : i32 to index
    %get3A_802 = arith.constant 48 : index
    %get3A_803 = tpu.vector_load %arg6[%get3A_801, %get3A_802] {strides = array<i32>} : memref<50x128xi32, #tpu.memory_space<vmem>>, vector<16xi32>,
    %eq3A_804 = arith.constant 100000 : i32
    %eq3A_805 = vector.broadcast %eq3A_804 : i32 to vector<16xi32>
    %eq3A_806 = arith.cmpi eq, %get3A_803, %eq3A_805 : vector<16xi32>
    %jit3A_807 = arith.constant 0 : i32
    %broadcast_in_dim3A_808 = vector.broadcast %jit3A_807 : i32 to vector<16xi32>
    %select_n3A_809 = arith.select %eq3A_806, %broadcast_in_dim3A_808, %get3A_803 : vector<16xi1>, vector<16xi32>
    %swap3A_810 = arith.constant 6 : i32
    %swap3A_811 = arith.index_cast %swap3A_810 : i32 to index
    %swap3A_812 = arith.constant 48 : index
    %swap3A_813 = tpu.vector_load %arg7[%swap3A_811, %swap3A_812] {strides = array<i32>} : memref<50x128xi32, #tpu.memory_space<vmem>>, vector<16xi32>,
    tpu.vector_store %arg7[%swap3A_811, %swap3A_812], %select_n3A_809 {strides = array<i32>} : memref<50x128xi32, #tpu.memory_space<vmem>>, vector<16xi32>,
    %get3A_814 = arith.constant 6 : i32
    %get3A_815 = arith.index_cast %get3A_814 : i32 to index
    %get3A_816 = arith.constant 64 : index
    %get3A_817 = tpu.vector_load %arg6[%get3A_815, %get3A_816] {strides = array<i32>} : memref<50x128xi32, #tpu.memory_space<vmem>>, vector<16xi32>,
    %eq3A_818 = arith.constant 100000 : i32
    %eq3A_819 = vector.broadcast %eq3A_818 : i32 to vector<16xi32>
    %eq3A_820 = arith.cmpi eq, %get3A_817, %eq3A_819 : vector<16xi32>
    %jit3A_821 = arith.constant 0 : i32
    %broadcast_in_dim3A_822 = vector.broadcast %jit3A_821 : i32 to vector<16xi32>
    %select_n3A_823 = arith.select %eq3A_820, %broadcast_in_dim3A_822, %get3A_817 : vector<16xi1>, vector<16xi32>
    %swap3A_824 = arith.constant 6 : i32
    %swap3A_825 = arith.index_cast %swap3A_824 : i32 to index
    %swap3A_826 = arith.constant 64 : index
    %swap3A_827 = tpu.vector_load %arg7[%swap3A_825, %swap3A_826] {strides = array<i32>} : memref<50x128xi32, #tpu.memory_space<vmem>>, vector<16xi32>,
    tpu.vector_store %arg7[%swap3A_825, %swap3A_826], %select_n3A_823 {strides = array<i32>} : memref<50x128xi32, #tpu.memory_space<vmem>>, vector<16xi32>,
    %get3A_828 = arith.constant 6 : i32
    %get3A_829 = arith.index_cast %get3A_828 : i32 to index
    %get3A_830 = arith.constant 80 : index
    %get3A_831 = tpu.vector_load %arg6[%get3A_829, %get3A_830] {strides = array<i32>} : memref<50x128xi32, #tpu.memory_space<vmem>>, vector<16xi32>,
    %eq3A_832 = arith.constant 100000 : i32
    %eq3A_833 = vector.broadcast %eq3A_832 : i32 to vector<16xi32>
    %eq3A_834 = arith.cmpi eq, %get3A_831, %eq3A_833 : vector<16xi32>
    %jit3A_835 = arith.constant 0 : i32
    %broadcast_in_dim3A_836 = vector.broadcast %jit3A_835 : i32 to vector<16xi32>
    %select_n3A_837 = arith.select %eq3A_834, %broadcast_in_dim3A_836, %get3A_831 : vector<16xi1>, vector<16xi32>
    %swap3A_838 = arith.constant 6 : i32
    %swap3A_839 = arith.index_cast %swap3A_838 : i32 to index
    %swap3A_840 = arith.constant 80 : index
    %swap3A_841 = tpu.vector_load %arg7[%swap3A_839, %swap3A_840] {strides = array<i32>} : memref<50x128xi32, #tpu.memory_space<vmem>>, vector<16xi32>,
    tpu.vector_store %arg7[%swap3A_839, %swap3A_840], %select_n3A_837 {strides = array<i32>} : memref<50x128xi32, #tpu.memory_space<vmem>>, vector<16xi32>,
    %get3A_842 = arith.constant 6 : i32
    %get3A_843 = arith.index_cast %get3A_842 : i32 to index
    %get3A_844 = arith.constant 96 : index
    %get3A_845 = tpu.vector_load %arg6[%get3A_843, %get3A_844] {strides = array<i32>} : memref<50x128xi32, #tpu.memory_space<vmem>>, vector<16xi32>,
    %eq3A_846 = arith.constant 100000 : i32
    %eq3A_847 = vector.broadcast %eq3A_846 : i32 to vector<16xi32>
    %eq3A_848 = arith.cmpi eq, %get3A_845, %eq3A_847 : vector<16xi32>
    %jit3A_849 = arith.constant 0 : i32
    %broadcast_in_dim3A_850 = vector.broadcast %jit3A_849 : i32 to vector<16xi32>
    %select_n3A_851 = arith.select %eq3A_848, %broadcast_in_dim3A_850, %get3A_845 : vector<16xi1>, vector<16xi32>
    %swap3A_852 = arith.constant 6 : i32
    %swap3A_853 = arith.index_cast %swap3A_852 : i32 to index
    %swap3A_854 = arith.constant 96 : index
    %swap3A_855 = tpu.vector_load %arg7[%swap3A_853, %swap3A_854] {strides = array<i32>} : memref<50x128xi32, #tpu.memory_space<vmem>>, vector<16xi32>,
    tpu.vector_store %arg7[%swap3A_853, %swap3A_854], %select_n3A_851 {strides = array<i32>} : memref<50x128xi32, #tpu.memory_space<vmem>>, vector<16xi32>,
    %get3A_856 = arith.constant 6 : i32
    %get3A_857 = arith.index_cast %get3A_856 : i32 to index
    %get3A_858 = arith.constant 112 : index
    %get3A_859 = tpu.vector_load %arg6[%get3A_857, %get3A_858] {strides = array<i32>} : memref<50x128xi32, #tpu.memory_space<vmem>>, vector<16xi32>,
    %eq3A_860 = arith.constant 100000 : i32
    %eq3A_861 = vector.broadcast %eq3A_860 : i32 to vector<16xi32>
    %eq3A_862 = arith.cmpi eq, %get3A_859, %eq3A_861 : vector<16xi32>
    %jit3A_863 = arith.constant 0 : i32
    %broadcast_in_dim3A_864 = vector.broadcast %jit3A_863 : i32 to vector<16xi32>
    %select_n3A_865 = arith.select %eq3A_862, %broadcast_in_dim3A_864, %get3A_859 : vector<16xi1>, vector<16xi32>
    %swap3A_866 = arith.constant 6 : i32
    %swap3A_867 = arith.index_cast %swap3A_866 : i32 to index
    %swap3A_868 = arith.constant 112 : index
    %swap3A_869 = tpu.vector_load %arg7[%swap3A_867, %swap3A_868] {strides = array<i32>} : memref<50x128xi32, #tpu.memory_space<vmem>>, vector<16xi32>,
    tpu.vector_store %arg7[%swap3A_867, %swap3A_868], %select_n3A_865 {strides = array<i32>} : memref<50x128xi32, #tpu.memory_space<vmem>>, vector<16xi32>,
    %dma_start3A_870 = arith.constant 6 : i32
    %dma_start3A_871 = arith.constant 6 : i32
    %dma_start3A_872 = arith.constant 6 : i32
    %dma_start3A_873 = arith.constant 0 : i32
    %dma_start3A_874 = arith.constant 0 : i32
    %dma_start3A_875 = tpu.memref_slice %arg8[%dma_start3A_871, %dma_start3A_873, %dma_start3A_874] : memref<8x128x64xf32, #tpu.memory_space<vmem>> -> memref<1x128x64xf32, #tpu.memory_space<vmem>>
    %dma_start3A_876 = tpu.memref_squeeze %dma_start3A_875 : memref<1x128x64xf32, #tpu.memory_space<vmem>> -> memref<128x64xf32, #tpu.memory_space<vmem>>
    %dma_start3A_877 = arith.constant 0 : i32
    %dma_start3A_878 = tpu.memref_slice %arg7[%dma_start3A_870, %dma_start3A_877] : memref<50x128xi32, #tpu.memory_space<vmem>> -> memref<1x128xi32, #tpu.memory_space<vmem>>
    %dma_start3A_879 = tpu.memref_squeeze %dma_start3A_878 : memref<1x128xi32, #tpu.memory_space<vmem>> -> memref<128xi32, #tpu.memory_space<vmem>>
    %dma_start3A_880 = arith.constant 0 : i32
    %dma_start3A_881 = arith.constant 0 : i32
    %dma_start3A_882 = tpu.memref_slice %arg2[%dma_start3A_880, %dma_start3A_881] : memref<100000x64xf32, #tpu.memory_space<hbm>> -> memref<100000x64xf32, #tpu.memory_space<hbm>>
    %dma_start3A_883 = tpu.memref_slice %arg11[%dma_start3A_872] : memref<8x!tpu.dma_semaphore, #tpu.memory_space<semaphore_mem>> -> memref<1x!tpu.dma_semaphore, #tpu.memory_space<semaphore_mem>>
    %dma_start3A_884 = tpu.memref_squeeze %dma_start3A_883 : memref<1x!tpu.dma_semaphore, #tpu.memory_space<semaphore_mem>> -> memref<!tpu.dma_semaphore, #tpu.memory_space<semaphore_mem>>
    tpu.enqueue_indirect_dma source(%dma_start3A_882 : memref<100000x64xf32, #tpu.memory_space<hbm>>) target(%dma_start3A_876 : memref<128x64xf32, #tpu.memory_space<vmem>>) offsets(%dma_start3A_879 : memref<128xi32, #tpu.memory_space<vmem>>) semaphore(%dma_start3A_884 : memref<!tpu.dma_semaphore, #tpu.memory_space<semaphore_mem>>)
    %scan3A = arith.constant 0 : i32
    %scan3A_885 = arith.constant 50 : i32
    %scan3A_886 = arith.addi %scan3A, %scan3A_885 : i32
    %scan3A_887 = arith.constant 1 : i32
    scf.for %scan3A_988 = %scan3A to %scan3A_886 step %scan3A_887  : i32 {
      %rem3A = arith.constant 8 : i32
      %rem3A_989 = arith.remsi %scan3A_988, %rem3A : i32
      %rem3A_990 = arith.constant 4 : i32
      %rem3A_991 = arith.remsi %scan3A_988, %rem3A_990 : i32
      %add3A_992 = arith.constant 8 : i32
      %add3A_993 = arith.addi %scan3A_988, %add3A_992 : i32
      %sub3A = arith.constant 1 : i32
      %sub3A_994 = arith.subi %add3A_993, %sub3A : i32
      %lt3A = arith.constant 50 : i32
      %lt3A_995 = arith.cmpi slt, %sub3A_994, %lt3A : i32
      %convert_element_type3A = arith.extui %lt3A_995 : i1 to i32
      %cond3A = arith.constant 0 : i32
      %cond3A_996 = arith.cmpi ne, %convert_element_type3A, %cond3A : i32
      scf.if %cond3A_996 {
        %add3A_1230 = arith.constant 8 : i32
        %add3A_1231 = arith.addi %scan3A_988, %add3A_1230 : i32
        %sub3A_1232 = arith.constant 1 : i32
        %sub3A_1233 = arith.subi %add3A_1231, %sub3A_1232 : i32
        %get3A_1234 = arith.index_cast %sub3A_1233 : i32 to index
        %get3A_1235 = arith.constant 0 : index
        %get3A_1236 = tpu.vector_load %arg6[%get3A_1234, %get3A_1235] {strides = array<i32>} : memref<50x128xi32, #tpu.memory_space<vmem>>, vector<16xi32>,
        %eq3A_1237 = arith.constant 100000 : i32
        %eq3A_1238 = vector.broadcast %eq3A_1237 : i32 to vector<16xi32>
        %eq3A_1239 = arith.cmpi eq, %get3A_1236, %eq3A_1238 : vector<16xi32>
        %jit3A_1240 = arith.constant 0 : i32
        %broadcast_in_dim3A_1241 = vector.broadcast %jit3A_1240 : i32 to vector<16xi32>
        %select_n3A_1242 = arith.select %eq3A_1239, %broadcast_in_dim3A_1241, %get3A_1236 : vector<16xi1>, vector<16xi32>
        %swap3A_1243 = arith.index_cast %sub3A_1233 : i32 to index
        %swap3A_1244 = arith.constant 0 : index
        %swap3A_1245 = tpu.vector_load %arg7[%swap3A_1243, %swap3A_1244] {strides = array<i32>} : memref<50x128xi32, #tpu.memory_space<vmem>>, vector<16xi32>,
        tpu.vector_store %arg7[%swap3A_1243, %swap3A_1244], %select_n3A_1242 {strides = array<i32>} : memref<50x128xi32, #tpu.memory_space<vmem>>, vector<16xi32>,
        %get3A_1246 = arith.index_cast %sub3A_1233 : i32 to index
        %get3A_1247 = arith.constant 16 : index
        %get3A_1248 = tpu.vector_load %arg6[%get3A_1246, %get3A_1247] {strides = array<i32>} : memref<50x128xi32, #tpu.memory_space<vmem>>, vector<16xi32>,
        %eq3A_1249 = arith.constant 100000 : i32
        %eq3A_1250 = vector.broadcast %eq3A_1249 : i32 to vector<16xi32>
        %eq3A_1251 = arith.cmpi eq, %get3A_1248, %eq3A_1250 : vector<16xi32>
        %jit3A_1252 = arith.constant 0 : i32
        %broadcast_in_dim3A_1253 = vector.broadcast %jit3A_1252 : i32 to vector<16xi32>
        %select_n3A_1254 = arith.select %eq3A_1251, %broadcast_in_dim3A_1253, %get3A_1248 : vector<16xi1>, vector<16xi32>
        %swap3A_1255 = arith.index_cast %sub3A_1233 : i32 to index
        %swap3A_1256 = arith.constant 16 : index
        %swap3A_1257 = tpu.vector_load %arg7[%swap3A_1255, %swap3A_1256] {strides = array<i32>} : memref<50x128xi32, #tpu.memory_space<vmem>>, vector<16xi32>,
        tpu.vector_store %arg7[%swap3A_1255, %swap3A_1256], %select_n3A_1254 {strides = array<i32>} : memref<50x128xi32, #tpu.memory_space<vmem>>, vector<16xi32>,
        %get3A_1258 = arith.index_cast %sub3A_1233 : i32 to index
        %get3A_1259 = arith.constant 32 : index
        %get3A_1260 = tpu.vector_load %arg6[%get3A_1258, %get3A_1259] {strides = array<i32>} : memref<50x128xi32, #tpu.memory_space<vmem>>, vector<16xi32>,
        %eq3A_1261 = arith.constant 100000 : i32
        %eq3A_1262 = vector.broadcast %eq3A_1261 : i32 to vector<16xi32>
        %eq3A_1263 = arith.cmpi eq, %get3A_1260, %eq3A_1262 : vector<16xi32>
        %jit3A_1264 = arith.constant 0 : i32
        %broadcast_in_dim3A_1265 = vector.broadcast %jit3A_1264 : i32 to vector<16xi32>
        %select_n3A_1266 = arith.select %eq3A_1263, %broadcast_in_dim3A_1265, %get3A_1260 : vector<16xi1>, vector<16xi32>
        %swap3A_1267 = arith.index_cast %sub3A_1233 : i32 to index
        %swap3A_1268 = arith.constant 32 : index
        %swap3A_1269 = tpu.vector_load %arg7[%swap3A_1267, %swap3A_1268] {strides = array<i32>} : memref<50x128xi32, #tpu.memory_space<vmem>>, vector<16xi32>,
        tpu.vector_store %arg7[%swap3A_1267, %swap3A_1268], %select_n3A_1266 {strides = array<i32>} : memref<50x128xi32, #tpu.memory_space<vmem>>, vector<16xi32>,
        %get3A_1270 = arith.index_cast %sub3A_1233 : i32 to index
        %get3A_1271 = arith.constant 48 : index
        %get3A_1272 = tpu.vector_load %arg6[%get3A_1270, %get3A_1271] {strides = array<i32>} : memref<50x128xi32, #tpu.memory_space<vmem>>, vector<16xi32>,
        %eq3A_1273 = arith.constant 100000 : i32
        %eq3A_1274 = vector.broadcast %eq3A_1273 : i32 to vector<16xi32>
        %eq3A_1275 = arith.cmpi eq, %get3A_1272, %eq3A_1274 : vector<16xi32>
        %jit3A_1276 = arith.constant 0 : i32
        %broadcast_in_dim3A_1277 = vector.broadcast %jit3A_1276 : i32 to vector<16xi32>
        %select_n3A_1278 = arith.select %eq3A_1275, %broadcast_in_dim3A_1277, %get3A_1272 : vector<16xi1>, vector<16xi32>
        %swap3A_1279 = arith.index_cast %sub3A_1233 : i32 to index
        %swap3A_1280 = arith.constant 48 : index
        %swap3A_1281 = tpu.vector_load %arg7[%swap3A_1279, %swap3A_1280] {strides = array<i32>} : memref<50x128xi32, #tpu.memory_space<vmem>>, vector<16xi32>,
        tpu.vector_store %arg7[%swap3A_1279, %swap3A_1280], %select_n3A_1278 {strides = array<i32>} : memref<50x128xi32, #tpu.memory_space<vmem>>, vector<16xi32>,
        %get3A_1282 = arith.index_cast %sub3A_1233 : i32 to index
        %get3A_1283 = arith.constant 64 : index
        %get3A_1284 = tpu.vector_load %arg6[%get3A_1282, %get3A_1283] {strides = array<i32>} : memref<50x128xi32, #tpu.memory_space<vmem>>, vector<16xi32>,
        %eq3A_1285 = arith.constant 100000 : i32
        %eq3A_1286 = vector.broadcast %eq3A_1285 : i32 to vector<16xi32>
        %eq3A_1287 = arith.cmpi eq, %get3A_1284, %eq3A_1286 : vector<16xi32>
        %jit3A_1288 = arith.constant 0 : i32
        %broadcast_in_dim3A_1289 = vector.broadcast %jit3A_1288 : i32 to vector<16xi32>
        %select_n3A_1290 = arith.select %eq3A_1287, %broadcast_in_dim3A_1289, %get3A_1284 : vector<16xi1>, vector<16xi32>
        %swap3A_1291 = arith.index_cast %sub3A_1233 : i32 to index
        %swap3A_1292 = arith.constant 64 : index
        %swap3A_1293 = tpu.vector_load %arg7[%swap3A_1291, %swap3A_1292] {strides = array<i32>} : memref<50x128xi32, #tpu.memory_space<vmem>>, vector<16xi32>,
        tpu.vector_store %arg7[%swap3A_1291, %swap3A_1292], %select_n3A_1290 {strides = array<i32>} : memref<50x128xi32, #tpu.memory_space<vmem>>, vector<16xi32>,
        %get3A_1294 = arith.index_cast %sub3A_1233 : i32 to index
        %get3A_1295 = arith.constant 80 : index
        %get3A_1296 = tpu.vector_load %arg6[%get3A_1294, %get3A_1295] {strides = array<i32>} : memref<50x128xi32, #tpu.memory_space<vmem>>, vector<16xi32>,
        %eq3A_1297 = arith.constant 100000 : i32
        %eq3A_1298 = vector.broadcast %eq3A_1297 : i32 to vector<16xi32>
        %eq3A_1299 = arith.cmpi eq, %get3A_1296, %eq3A_1298 : vector<16xi32>
        %jit3A_1300 = arith.constant 0 : i32
        %broadcast_in_dim3A_1301 = vector.broadcast %jit3A_1300 : i32 to vector<16xi32>
        %select_n3A_1302 = arith.select %eq3A_1299, %broadcast_in_dim3A_1301, %get3A_1296 : vector<16xi1>, vector<16xi32>
        %swap3A_1303 = arith.index_cast %sub3A_1233 : i32 to index
        %swap3A_1304 = arith.constant 80 : index
        %swap3A_1305 = tpu.vector_load %arg7[%swap3A_1303, %swap3A_1304] {strides = array<i32>} : memref<50x128xi32, #tpu.memory_space<vmem>>, vector<16xi32>,
        tpu.vector_store %arg7[%swap3A_1303, %swap3A_1304], %select_n3A_1302 {strides = array<i32>} : memref<50x128xi32, #tpu.memory_space<vmem>>, vector<16xi32>,
        %get3A_1306 = arith.index_cast %sub3A_1233 : i32 to index
        %get3A_1307 = arith.constant 96 : index
        %get3A_1308 = tpu.vector_load %arg6[%get3A_1306, %get3A_1307] {strides = array<i32>} : memref<50x128xi32, #tpu.memory_space<vmem>>, vector<16xi32>,
        %eq3A_1309 = arith.constant 100000 : i32
        %eq3A_1310 = vector.broadcast %eq3A_1309 : i32 to vector<16xi32>
        %eq3A_1311 = arith.cmpi eq, %get3A_1308, %eq3A_1310 : vector<16xi32>
        %jit3A_1312 = arith.constant 0 : i32
        %broadcast_in_dim3A_1313 = vector.broadcast %jit3A_1312 : i32 to vector<16xi32>
        %select_n3A_1314 = arith.select %eq3A_1311, %broadcast_in_dim3A_1313, %get3A_1308 : vector<16xi1>, vector<16xi32>
        %swap3A_1315 = arith.index_cast %sub3A_1233 : i32 to index
        %swap3A_1316 = arith.constant 96 : index
        %swap3A_1317 = tpu.vector_load %arg7[%swap3A_1315, %swap3A_1316] {strides = array<i32>} : memref<50x128xi32, #tpu.memory_space<vmem>>, vector<16xi32>,
        tpu.vector_store %arg7[%swap3A_1315, %swap3A_1316], %select_n3A_1314 {strides = array<i32>} : memref<50x128xi32, #tpu.memory_space<vmem>>, vector<16xi32>,
        %get3A_1318 = arith.index_cast %sub3A_1233 : i32 to index
        %get3A_1319 = arith.constant 112 : index
        %get3A_1320 = tpu.vector_load %arg6[%get3A_1318, %get3A_1319] {strides = array<i32>} : memref<50x128xi32, #tpu.memory_space<vmem>>, vector<16xi32>,
        %eq3A_1321 = arith.constant 100000 : i32
        %eq3A_1322 = vector.broadcast %eq3A_1321 : i32 to vector<16xi32>
        %eq3A_1323 = arith.cmpi eq, %get3A_1320, %eq3A_1322 : vector<16xi32>
        %jit3A_1324 = arith.constant 0 : i32
        %broadcast_in_dim3A_1325 = vector.broadcast %jit3A_1324 : i32 to vector<16xi32>
        %select_n3A_1326 = arith.select %eq3A_1323, %broadcast_in_dim3A_1325, %get3A_1320 : vector<16xi1>, vector<16xi32>
        %swap3A_1327 = arith.index_cast %sub3A_1233 : i32 to index
        %swap3A_1328 = arith.constant 112 : index
        %swap3A_1329 = tpu.vector_load %arg7[%swap3A_1327, %swap3A_1328] {strides = array<i32>} : memref<50x128xi32, #tpu.memory_space<vmem>>, vector<16xi32>,
        tpu.vector_store %arg7[%swap3A_1327, %swap3A_1328], %select_n3A_1326 {strides = array<i32>} : memref<50x128xi32, #tpu.memory_space<vmem>>, vector<16xi32>,
        %add3A_1330 = arith.constant 8 : i32
        %add3A_1331 = arith.addi %scan3A_988, %add3A_1330 : i32
        %sub3A_1332 = arith.constant 1 : i32
        %sub3A_1333 = arith.subi %add3A_1331, %sub3A_1332 : i32
        %add3A_1334 = arith.constant 8 : i32
        %add3A_1335 = arith.addi %scan3A_988, %add3A_1334 : i32
        %sub3A_1336 = arith.constant 1 : i32
        %sub3A_1337 = arith.subi %add3A_1335, %sub3A_1336 : i32
        %rem3A_1338 = arith.constant 8 : i32
        %rem3A_1339 = arith.remsi %sub3A_1337, %rem3A_1338 : i32
        %dma_start3A_1340 = arith.constant 0 : i32
        %dma_start3A_1341 = arith.constant 0 : i32
        %dma_start3A_1342 = tpu.memref_slice %arg8[%rem3A_1339, %dma_start3A_1340, %dma_start3A_1341] : memref<8x128x64xf32, #tpu.memory_space<vmem>> -> memref<1x128x64xf32, #tpu.memory_space<vmem>>
        %dma_start3A_1343 = tpu.memref_squeeze %dma_start3A_1342 : memref<1x128x64xf32, #tpu.memory_space<vmem>> -> memref<128x64xf32, #tpu.memory_space<vmem>>
        %dma_start3A_1344 = arith.constant 0 : i32
        %dma_start3A_1345 = tpu.memref_slice %arg7[%sub3A_1333, %dma_start3A_1344] : memref<50x128xi32, #tpu.memory_space<vmem>> -> memref<1x128xi32, #tpu.memory_space<vmem>>
        %dma_start3A_1346 = tpu.memref_squeeze %dma_start3A_1345 : memref<1x128xi32, #tpu.memory_space<vmem>> -> memref<128xi32, #tpu.memory_space<vmem>>
        %dma_start3A_1347 = arith.constant 0 : i32
        %dma_start3A_1348 = arith.constant 0 : i32
        %dma_start3A_1349 = tpu.memref_slice %arg2[%dma_start3A_1347, %dma_start3A_1348] : memref<100000x64xf32, #tpu.memory_space<hbm>> -> memref<100000x64xf32, #tpu.memory_space<hbm>>
        %dma_start3A_1350 = tpu.memref_slice %arg11[%rem3A_1339] : memref<8x!tpu.dma_semaphore, #tpu.memory_space<semaphore_mem>> -> memref<1x!tpu.dma_semaphore, #tpu.memory_space<semaphore_mem>>
        %dma_start3A_1351 = tpu.memref_squeeze %dma_start3A_1350 : memref<1x!tpu.dma_semaphore, #tpu.memory_space<semaphore_mem>> -> memref<!tpu.dma_semaphore, #tpu.memory_space<semaphore_mem>>
        tpu.enqueue_indirect_dma source(%dma_start3A_1349 : memref<100000x64xf32, #tpu.memory_space<hbm>>) target(%dma_start3A_1343 : memref<128x64xf32, #tpu.memory_space<vmem>>) offsets(%dma_start3A_1346 : memref<128xi32, #tpu.memory_space<vmem>>) semaphore(%dma_start3A_1351 : memref<!tpu.dma_semaphore, #tpu.memory_space<semaphore_mem>>)
      } else {
      }
      %dma_wait3A_997 = arith.constant 0 : i32
      %dma_wait3A_998 = arith.constant 0 : i32
      %dma_wait3A_999 = tpu.memref_slice %arg8[%rem3A_989, %dma_wait3A_997, %dma_wait3A_998] : memref<8x128x64xf32, #tpu.memory_space<vmem>> -> memref<1x128x64xf32, #tpu.memory_space<vmem>>
      %dma_wait3A_1000 = tpu.memref_squeeze %dma_wait3A_999 : memref<1x128x64xf32, #tpu.memory_space<vmem>> -> memref<128x64xf32, #tpu.memory_space<vmem>>
      %dma_wait3A_1001 = arith.constant 0 : i32
      %dma_wait3A_1002 = tpu.memref_slice %arg7[%scan3A_988, %dma_wait3A_1001] : memref<50x128xi32, #tpu.memory_space<vmem>> -> memref<1x128xi32, #tpu.memory_space<vmem>>
      %dma_wait3A_1003 = tpu.memref_squeeze %dma_wait3A_1002 : memref<1x128xi32, #tpu.memory_space<vmem>> -> memref<128xi32, #tpu.memory_space<vmem>>
      %dma_wait3A_1004 = arith.constant 0 : i32
      %dma_wait3A_1005 = arith.constant 0 : i32
      %dma_wait3A_1006 = tpu.memref_slice %arg2[%dma_wait3A_1004, %dma_wait3A_1005] : memref<100000x64xf32, #tpu.memory_space<hbm>> -> memref<100000x64xf32, #tpu.memory_space<hbm>>
      %dma_wait3A_1007 = tpu.memref_slice %arg11[%rem3A_989] : memref<8x!tpu.dma_semaphore, #tpu.memory_space<semaphore_mem>> -> memref<1x!tpu.dma_semaphore, #tpu.memory_space<semaphore_mem>>
      %dma_wait3A_1008 = tpu.memref_squeeze %dma_wait3A_1007 : memref<1x!tpu.dma_semaphore, #tpu.memory_space<semaphore_mem>> -> memref<!tpu.dma_semaphore, #tpu.memory_space<semaphore_mem>>
      tpu.wait_indirect_dma semaphore(%dma_wait3A_1008 : memref<!tpu.dma_semaphore, #tpu.memory_space<semaphore_mem>>) src(%dma_wait3A_1006 : memref<100000x64xf32, #tpu.memory_space<hbm>>) dst(%dma_wait3A_1000 : memref<128x64xf32, #tpu.memory_space<vmem>>)
      %get3A_1009 = arith.index_cast %scan3A_988 : i32 to index
      %get3A_1010 = arith.constant 0 : index
      %get3A_1011 = tpu.vector_load %arg6[%get3A_1009, %get3A_1010] {strides = array<i32>} : memref<50x128xi32, #tpu.memory_space<vmem>>, vector<16xi32>,
      %eq3A_1012 = arith.constant 100000 : i32
      %eq3A_1013 = vector.broadcast %eq3A_1012 : i32 to vector<16xi32>
      %eq3A_1014 = arith.cmpi eq, %get3A_1011, %eq3A_1013 : vector<16xi32>
      %jit3A_1015 = arith.constant 1 : i32
      %jit3A_1016 = arith.constant 0 : i32
      %broadcast_in_dim3A_1017 = vector.broadcast %jit3A_1015 : i32 to vector<16xi32>
      %broadcast_in_dim3A_1018 = vector.broadcast %jit3A_1016 : i32 to vector<16xi32>
      %select_n3A_1019 = arith.select %eq3A_1014, %broadcast_in_dim3A_1017, %broadcast_in_dim3A_1018 : vector<16xi1>, vector<16xi32>
      %reduce_max3A = arith.constant true
      %reduce_max3A_1020 = vector.broadcast %reduce_max3A : i1 to vector<16xi1>
      %reduce_max3A_1021 = arith.constant -2147483648 : i32
      %reduce_max3A_1022 = vector.broadcast %reduce_max3A_1021 : i32 to vector<16xi32>
      %reduce_max3A_1023 = arith.xori %select_n3A_1019, %reduce_max3A_1022 : vector<16xi32>
      %reduce_max3A_1024 = tpu.scan <max>, %reduce_max3A_1023 masked %reduce_max3A_1020 : vector<16xi32>, vector<16xi1> -> vector<16xi32>
      %reduce_max3A_1025 = arith.xori %reduce_max3A_1024, %reduce_max3A_1022 : vector<16xi32>
      %reduce_max3A_1026 = vector.extract %reduce_max3A_1025[15] : i32 from vector<16xi32>
      %gt3A = arith.constant 0 : i32
      %gt3A_1027 = arith.cmpi sgt, %reduce_max3A_1026, %gt3A : i32
      %convert_element_type3A_1028 = arith.extui %gt3A_1027 : i1 to i32
      %cond3A_1029 = arith.constant 0 : i32
      %cond3A_1030 = arith.cmpi ne, %convert_element_type3A_1028, %cond3A_1029 : i32
      scf.if %cond3A_1030 {
        %scan3A_1230 = arith.constant 0 : i32
        %scan3A_1231 = arith.constant 16 : i32
        %scan3A_1232 = arith.addi %scan3A_1230, %scan3A_1231 : i32
        %scan3A_1233 = arith.constant 1 : i32
        scf.for %scan3A_1235 = %scan3A_1230 to %scan3A_1232 step %scan3A_1233  : i32 {
          %eq3A_1236 = vector.broadcast %scan3A_1235 : i32 to vector<16xi32>
          %eq3A_1237 = arith.cmpi eq, %iota3A, %eq3A_1236 : vector<16xi32>
          %jit3A_1238 = arith.constant 0 : i32
          %broadcast_in_dim3A_1239 = vector.broadcast %jit3A_1238 : i32 to vector<16xi32>
          %select_n3A_1240 = arith.select %eq3A_1237, %select_n3A_1019, %broadcast_in_dim3A_1239 : vector<16xi1>, vector<16xi32>
          %reduce_max3A_1241 = arith.constant true
          %reduce_max3A_1242 = vector.broadcast %reduce_max3A_1241 : i1 to vector<16xi1>
          %reduce_max3A_1243 = arith.constant -2147483648 : i32
          %reduce_max3A_1244 = vector.broadcast %reduce_max3A_1243 : i32 to vector<16xi32>
          %reduce_max3A_1245 = arith.xori %select_n3A_1240, %reduce_max3A_1244 : vector<16xi32>
          %reduce_max3A_1246 = tpu.scan <max>, %reduce_max3A_1245 masked %reduce_max3A_1242 : vector<16xi32>, vector<16xi1> -> vector<16xi32>
          %reduce_max3A_1247 = arith.xori %reduce_max3A_1246, %reduce_max3A_1244 : vector<16xi32>
          %reduce_max3A_1248 = vector.extract %reduce_max3A_1247[15] : i32 from vector<16xi32>
          %gt3A_1249 = arith.constant 0 : i32
          %gt3A_1250 = arith.cmpi sgt, %reduce_max3A_1248, %gt3A_1249 : i32
          %convert_element_type3A_1251 = arith.extui %gt3A_1250 : i1 to i32
          %cond3A_1252 = arith.constant 0 : i32
          %cond3A_1253 = arith.cmpi ne, %convert_element_type3A_1251, %cond3A_1252 : i32
          scf.if %cond3A_1253 {
            %get3A_1254 = arith.constant 0 : i32
            %get3A_1255 = arith.index_cast %get3A_1254 : i32 to index
            %get3A_1256 = arith.constant 0 : index
            %get3A_1257 = tpu.vector_load %arg10[%get3A_1255, %get3A_1256] {strides = array<i32>} : memref<1x64xf32, #tpu.memory_space<vmem>>, vector<16xf32>,
            %add3A_1258 = arith.constant 0 : i32
            %add3A_1259 = arith.addi %add3A_1258, %scan3A_1235 : i32
            %swap3A_1260 = arith.index_cast %rem3A_989 : i32 to index
            %swap3A_1261 = arith.index_cast %add3A_1259 : i32 to index
            %swap3A_1262 = arith.constant 0 : index
            %swap3A_1263 = tpu.vector_load %arg8[%swap3A_1260, %swap3A_1261, %swap3A_1262] {strides = array<i32>} : memref<8x128x64xf32, #tpu.memory_space<vmem>>, vector<16xf32>,
            tpu.vector_store %arg8[%swap3A_1260, %swap3A_1261, %swap3A_1262], %get3A_1257 {strides = array<i32>} : memref<8x128x64xf32, #tpu.memory_space<vmem>>, vector<16xf32>,
            %get3A_1264 = arith.constant 0 : i32
            %get3A_1265 = arith.index_cast %get3A_1264 : i32 to index
            %get3A_1266 = arith.constant 16 : index
            %get3A_1267 = tpu.vector_load %arg10[%get3A_1265, %get3A_1266] {strides = array<i32>} : memref<1x64xf32, #tpu.memory_space<vmem>>, vector<16xf32>,
            %add3A_1268 = arith.constant 0 : i32
            %add3A_1269 = arith.addi %add3A_1268, %scan3A_1235 : i32
            %swap3A_1270 = arith.index_cast %rem3A_989 : i32 to index
            %swap3A_1271 = arith.index_cast %add3A_1269 : i32 to index
            %swap3A_1272 = arith.constant 16 : index
            %swap3A_1273 = tpu.vector_load %arg8[%swap3A_1270, %swap3A_1271, %swap3A_1272] {strides = array<i32>} : memref<8x128x64xf32, #tpu.memory_space<vmem>>, vector<16xf32>,
            tpu.vector_store %arg8[%swap3A_1270, %swap3A_1271, %swap3A_1272], %get3A_1267 {strides = array<i32>} : memref<8x128x64xf32, #tpu.memory_space<vmem>>, vector<16xf32>,
            %get3A_1274 = arith.constant 0 : i32
            %get3A_1275 = arith.index_cast %get3A_1274 : i32 to index
            %get3A_1276 = arith.constant 32 : index
            %get3A_1277 = tpu.vector_load %arg10[%get3A_1275, %get3A_1276] {strides = array<i32>} : memref<1x64xf32, #tpu.memory_space<vmem>>, vector<16xf32>,
            %add3A_1278 = arith.constant 0 : i32
            %add3A_1279 = arith.addi %add3A_1278, %scan3A_1235 : i32
            %swap3A_1280 = arith.index_cast %rem3A_989 : i32 to index
            %swap3A_1281 = arith.index_cast %add3A_1279 : i32 to index
            %swap3A_1282 = arith.constant 32 : index
            %swap3A_1283 = tpu.vector_load %arg8[%swap3A_1280, %swap3A_1281, %swap3A_1282] {strides = array<i32>} : memref<8x128x64xf32, #tpu.memory_space<vmem>>, vector<16xf32>,
            tpu.vector_store %arg8[%swap3A_1280, %swap3A_1281, %swap3A_1282], %get3A_1277 {strides = array<i32>} : memref<8x128x64xf32, #tpu.memory_space<vmem>>, vector<16xf32>,
            %get3A_1284 = arith.constant 0 : i32
            %get3A_1285 = arith.index_cast %get3A_1284 : i32 to index
            %get3A_1286 = arith.constant 48 : index
            %get3A_1287 = tpu.vector_load %arg10[%get3A_1285, %get3A_1286] {strides = array<i32>} : memref<1x64xf32, #tpu.memory_space<vmem>>, vector<16xf32>,
            %add3A_1288 = arith.constant 0 : i32
            %add3A_1289 = arith.addi %add3A_1288, %scan3A_1235 : i32
            %swap3A_1290 = arith.index_cast %rem3A_989 : i32 to index
            %swap3A_1291 = arith.index_cast %add3A_1289 : i32 to index
            %swap3A_1292 = arith.constant 48 : index
            %swap3A_1293 = tpu.vector_load %arg8[%swap3A_1290, %swap3A_1291, %swap3A_1292] {strides = array<i32>} : memref<8x128x64xf32, #tpu.memory_space<vmem>>, vector<16xf32>,
            tpu.vector_store %arg8[%swap3A_1290, %swap3A_1291, %swap3A_1292], %get3A_1287 {strides = array<i32>} : memref<8x128x64xf32, #tpu.memory_space<vmem>>, vector<16xf32>,
          } else {
          }
        }
        %scan3A_1234 = arith.constant 16 : i32
      } else {
      }
      %get3A_1031 = arith.index_cast %scan3A_988 : i32 to index
      %get3A_1032 = arith.constant 16 : index
      %get3A_1033 = tpu.vector_load %arg6[%get3A_1031, %get3A_1032] {strides = array<i32>} : memref<50x128xi32, #tpu.memory_space<vmem>>, vector<16xi32>,
      %eq3A_1034 = arith.constant 100000 : i32
      %eq3A_1035 = vector.broadcast %eq3A_1034 : i32 to vector<16xi32>
      %eq3A_1036 = arith.cmpi eq, %get3A_1033, %eq3A_1035 : vector<16xi32>
      %jit3A_1037 = arith.constant 1 : i32
      %jit3A_1038 = arith.constant 0 : i32
      %broadcast_in_dim3A_1039 = vector.broadcast %jit3A_1037 : i32 to vector<16xi32>
      %broadcast_in_dim3A_1040 = vector.broadcast %jit3A_1038 : i32 to vector<16xi32>
      %select_n3A_1041 = arith.select %eq3A_1036, %broadcast_in_dim3A_1039, %broadcast_in_dim3A_1040 : vector<16xi1>, vector<16xi32>
      %reduce_max3A_1042 = arith.constant true
      %reduce_max3A_1043 = vector.broadcast %reduce_max3A_1042 : i1 to vector<16xi1>
      %reduce_max3A_1044 = arith.constant -2147483648 : i32
      %reduce_max3A_1045 = vector.broadcast %reduce_max3A_1044 : i32 to vector<16xi32>
      %reduce_max3A_1046 = arith.xori %select_n3A_1041, %reduce_max3A_1045 : vector<16xi32>
      %reduce_max3A_1047 = tpu.scan <max>, %reduce_max3A_1046 masked %reduce_max3A_1043 : vector<16xi32>, vector<16xi1> -> vector<16xi32>
      %reduce_max3A_1048 = arith.xori %reduce_max3A_1047, %reduce_max3A_1045 : vector<16xi32>
      %reduce_max3A_1049 = vector.extract %reduce_max3A_1048[15] : i32 from vector<16xi32>
      %gt3A_1050 = arith.constant 0 : i32
      %gt3A_1051 = arith.cmpi sgt, %reduce_max3A_1049, %gt3A_1050 : i32
      %convert_element_type3A_1052 = arith.extui %gt3A_1051 : i1 to i32
      %cond3A_1053 = arith.constant 0 : i32
      %cond3A_1054 = arith.cmpi ne, %convert_element_type3A_1052, %cond3A_1053 : i32
      scf.if %cond3A_1054 {
        %scan3A_1230 = arith.constant 0 : i32
        %scan3A_1231 = arith.constant 16 : i32
        %scan3A_1232 = arith.addi %scan3A_1230, %scan3A_1231 : i32
        %scan3A_1233 = arith.constant 1 : i32
        scf.for %scan3A_1235 = %scan3A_1230 to %scan3A_1232 step %scan3A_1233  : i32 {
          %eq3A_1236 = vector.broadcast %scan3A_1235 : i32 to vector<16xi32>
          %eq3A_1237 = arith.cmpi eq, %iota3A, %eq3A_1236 : vector<16xi32>
          %jit3A_1238 = arith.constant 0 : i32
          %broadcast_in_dim3A_1239 = vector.broadcast %jit3A_1238 : i32 to vector<16xi32>
          %select_n3A_1240 = arith.select %eq3A_1237, %select_n3A_1041, %broadcast_in_dim3A_1239 : vector<16xi1>, vector<16xi32>
          %reduce_max3A_1241 = arith.constant true
          %reduce_max3A_1242 = vector.broadcast %reduce_max3A_1241 : i1 to vector<16xi1>
          %reduce_max3A_1243 = arith.constant -2147483648 : i32
          %reduce_max3A_1244 = vector.broadcast %reduce_max3A_1243 : i32 to vector<16xi32>
          %reduce_max3A_1245 = arith.xori %select_n3A_1240, %reduce_max3A_1244 : vector<16xi32>
          %reduce_max3A_1246 = tpu.scan <max>, %reduce_max3A_1245 masked %reduce_max3A_1242 : vector<16xi32>, vector<16xi1> -> vector<16xi32>
          %reduce_max3A_1247 = arith.xori %reduce_max3A_1246, %reduce_max3A_1244 : vector<16xi32>
          %reduce_max3A_1248 = vector.extract %reduce_max3A_1247[15] : i32 from vector<16xi32>
          %gt3A_1249 = arith.constant 0 : i32
          %gt3A_1250 = arith.cmpi sgt, %reduce_max3A_1248, %gt3A_1249 : i32
          %convert_element_type3A_1251 = arith.extui %gt3A_1250 : i1 to i32
          %cond3A_1252 = arith.constant 0 : i32
          %cond3A_1253 = arith.cmpi ne, %convert_element_type3A_1251, %cond3A_1252 : i32
          scf.if %cond3A_1253 {
            %get3A_1254 = arith.constant 0 : i32
            %get3A_1255 = arith.index_cast %get3A_1254 : i32 to index
            %get3A_1256 = arith.constant 0 : index
            %get3A_1257 = tpu.vector_load %arg10[%get3A_1255, %get3A_1256] {strides = array<i32>} : memref<1x64xf32, #tpu.memory_space<vmem>>, vector<16xf32>,
            %add3A_1258 = arith.constant 16 : i32
            %add3A_1259 = arith.addi %add3A_1258, %scan3A_1235 : i32
            %swap3A_1260 = arith.index_cast %rem3A_989 : i32 to index
            %swap3A_1261 = arith.index_cast %add3A_1259 : i32 to index
            %swap3A_1262 = arith.constant 0 : index
            %swap3A_1263 = tpu.vector_load %arg8[%swap3A_1260, %swap3A_1261, %swap3A_1262] {strides = array<i32>} : memref<8x128x64xf32, #tpu.memory_space<vmem>>, vector<16xf32>,
            tpu.vector_store %arg8[%swap3A_1260, %swap3A_1261, %swap3A_1262], %get3A_1257 {strides = array<i32>} : memref<8x128x64xf32, #tpu.memory_space<vmem>>, vector<16xf32>,
            %get3A_1264 = arith.constant 0 : i32
            %get3A_1265 = arith.index_cast %get3A_1264 : i32 to index
            %get3A_1266 = arith.constant 16 : index
            %get3A_1267 = tpu.vector_load %arg10[%get3A_1265, %get3A_1266] {strides = array<i32>} : memref<1x64xf32, #tpu.memory_space<vmem>>, vector<16xf32>,
            %add3A_1268 = arith.constant 16 : i32
            %add3A_1269 = arith.addi %add3A_1268, %scan3A_1235 : i32
            %swap3A_1270 = arith.index_cast %rem3A_989 : i32 to index
            %swap3A_1271 = arith.index_cast %add3A_1269 : i32 to index
            %swap3A_1272 = arith.constant 16 : index
            %swap3A_1273 = tpu.vector_load %arg8[%swap3A_1270, %swap3A_1271, %swap3A_1272] {strides = array<i32>} : memref<8x128x64xf32, #tpu.memory_space<vmem>>, vector<16xf32>,
            tpu.vector_store %arg8[%swap3A_1270, %swap3A_1271, %swap3A_1272], %get3A_1267 {strides = array<i32>} : memref<8x128x64xf32, #tpu.memory_space<vmem>>, vector<16xf32>,
            %get3A_1274 = arith.constant 0 : i32
            %get3A_1275 = arith.index_cast %get3A_1274 : i32 to index
            %get3A_1276 = arith.constant 32 : index
            %get3A_1277 = tpu.vector_load %arg10[%get3A_1275, %get3A_1276] {strides = array<i32>} : memref<1x64xf32, #tpu.memory_space<vmem>>, vector<16xf32>,
            %add3A_1278 = arith.constant 16 : i32
            %add3A_1279 = arith.addi %add3A_1278, %scan3A_1235 : i32
            %swap3A_1280 = arith.index_cast %rem3A_989 : i32 to index
            %swap3A_1281 = arith.index_cast %add3A_1279 : i32 to index
            %swap3A_1282 = arith.constant 32 : index
            %swap3A_1283 = tpu.vector_load %arg8[%swap3A_1280, %swap3A_1281, %swap3A_1282] {strides = array<i32>} : memref<8x128x64xf32, #tpu.memory_space<vmem>>, vector<16xf32>,
            tpu.vector_store %arg8[%swap3A_1280, %swap3A_1281, %swap3A_1282], %get3A_1277 {strides = array<i32>} : memref<8x128x64xf32, #tpu.memory_space<vmem>>, vector<16xf32>,
            %get3A_1284 = arith.constant 0 : i32
            %get3A_1285 = arith.index_cast %get3A_1284 : i32 to index
            %get3A_1286 = arith.constant 48 : index
            %get3A_1287 = tpu.vector_load %arg10[%get3A_1285, %get3A_1286] {strides = array<i32>} : memref<1x64xf32, #tpu.memory_space<vmem>>, vector<16xf32>,
            %add3A_1288 = arith.constant 16 : i32
            %add3A_1289 = arith.addi %add3A_1288, %scan3A_1235 : i32
            %swap3A_1290 = arith.index_cast %rem3A_989 : i32 to index
            %swap3A_1291 = arith.index_cast %add3A_1289 : i32 to index
            %swap3A_1292 = arith.constant 48 : index
            %swap3A_1293 = tpu.vector_load %arg8[%swap3A_1290, %swap3A_1291, %swap3A_1292] {strides = array<i32>} : memref<8x128x64xf32, #tpu.memory_space<vmem>>, vector<16xf32>,
            tpu.vector_store %arg8[%swap3A_1290, %swap3A_1291, %swap3A_1292], %get3A_1287 {strides = array<i32>} : memref<8x128x64xf32, #tpu.memory_space<vmem>>, vector<16xf32>,
          } else {
          }
        }
        %scan3A_1234 = arith.constant 16 : i32
      } else {
      }
      %get3A_1055 = arith.index_cast %scan3A_988 : i32 to index
      %get3A_1056 = arith.constant 32 : index
      %get3A_1057 = tpu.vector_load %arg6[%get3A_1055, %get3A_1056] {strides = array<i32>} : memref<50x128xi32, #tpu.memory_space<vmem>>, vector<16xi32>,
      %eq3A_1058 = arith.constant 100000 : i32
      %eq3A_1059 = vector.broadcast %eq3A_1058 : i32 to vector<16xi32>
      %eq3A_1060 = arith.cmpi eq, %get3A_1057, %eq3A_1059 : vector<16xi32>
      %jit3A_1061 = arith.constant 1 : i32
      %jit3A_1062 = arith.constant 0 : i32
      %broadcast_in_dim3A_1063 = vector.broadcast %jit3A_1061 : i32 to vector<16xi32>
      %broadcast_in_dim3A_1064 = vector.broadcast %jit3A_1062 : i32 to vector<16xi32>
      %select_n3A_1065 = arith.select %eq3A_1060, %broadcast_in_dim3A_1063, %broadcast_in_dim3A_1064 : vector<16xi1>, vector<16xi32>
      %reduce_max3A_1066 = arith.constant true
      %reduce_max3A_1067 = vector.broadcast %reduce_max3A_1066 : i1 to vector<16xi1>
      %reduce_max3A_1068 = arith.constant -2147483648 : i32
      %reduce_max3A_1069 = vector.broadcast %reduce_max3A_1068 : i32 to vector<16xi32>
      %reduce_max3A_1070 = arith.xori %select_n3A_1065, %reduce_max3A_1069 : vector<16xi32>
      %reduce_max3A_1071 = tpu.scan <max>, %reduce_max3A_1070 masked %reduce_max3A_1067 : vector<16xi32>, vector<16xi1> -> vector<16xi32>
      %reduce_max3A_1072 = arith.xori %reduce_max3A_1071, %reduce_max3A_1069 : vector<16xi32>
      %reduce_max3A_1073 = vector.extract %reduce_max3A_1072[15] : i32 from vector<16xi32>
      %gt3A_1074 = arith.constant 0 : i32
      %gt3A_1075 = arith.cmpi sgt, %reduce_max3A_1073, %gt3A_1074 : i32
      %convert_element_type3A_1076 = arith.extui %gt3A_1075 : i1 to i32
      %cond3A_1077 = arith.constant 0 : i32
      %cond3A_1078 = arith.cmpi ne, %convert_element_type3A_1076, %cond3A_1077 : i32
      scf.if %cond3A_1078 {
        %scan3A_1230 = arith.constant 0 : i32
        %scan3A_1231 = arith.constant 16 : i32
        %scan3A_1232 = arith.addi %scan3A_1230, %scan3A_1231 : i32
        %scan3A_1233 = arith.constant 1 : i32
        scf.for %scan3A_1235 = %scan3A_1230 to %scan3A_1232 step %scan3A_1233  : i32 {
          %eq3A_1236 = vector.broadcast %scan3A_1235 : i32 to vector<16xi32>
          %eq3A_1237 = arith.cmpi eq, %iota3A, %eq3A_1236 : vector<16xi32>
          %jit3A_1238 = arith.constant 0 : i32
          %broadcast_in_dim3A_1239 = vector.broadcast %jit3A_1238 : i32 to vector<16xi32>
          %select_n3A_1240 = arith.select %eq3A_1237, %select_n3A_1065, %broadcast_in_dim3A_1239 : vector<16xi1>, vector<16xi32>
          %reduce_max3A_1241 = arith.constant true
          %reduce_max3A_1242 = vector.broadcast %reduce_max3A_1241 : i1 to vector<16xi1>
          %reduce_max3A_1243 = arith.constant -2147483648 : i32
          %reduce_max3A_1244 = vector.broadcast %reduce_max3A_1243 : i32 to vector<16xi32>
          %reduce_max3A_1245 = arith.xori %select_n3A_1240, %reduce_max3A_1244 : vector<16xi32>
          %reduce_max3A_1246 = tpu.scan <max>, %reduce_max3A_1245 masked %reduce_max3A_1242 : vector<16xi32>, vector<16xi1> -> vector<16xi32>
          %reduce_max3A_1247 = arith.xori %reduce_max3A_1246, %reduce_max3A_1244 : vector<16xi32>
          %reduce_max3A_1248 = vector.extract %reduce_max3A_1247[15] : i32 from vector<16xi32>
          %gt3A_1249 = arith.constant 0 : i32
          %gt3A_1250 = arith.cmpi sgt, %reduce_max3A_1248, %gt3A_1249 : i32
          %convert_element_type3A_1251 = arith.extui %gt3A_1250 : i1 to i32
          %cond3A_1252 = arith.constant 0 : i32
          %cond3A_1253 = arith.cmpi ne, %convert_element_type3A_1251, %cond3A_1252 : i32
          scf.if %cond3A_1253 {
            %get3A_1254 = arith.constant 0 : i32
            %get3A_1255 = arith.index_cast %get3A_1254 : i32 to index
            %get3A_1256 = arith.constant 0 : index
            %get3A_1257 = tpu.vector_load %arg10[%get3A_1255, %get3A_1256] {strides = array<i32>} : memref<1x64xf32, #tpu.memory_space<vmem>>, vector<16xf32>,
            %add3A_1258 = arith.constant 32 : i32
            %add3A_1259 = arith.addi %add3A_1258, %scan3A_1235 : i32
            %swap3A_1260 = arith.index_cast %rem3A_989 : i32 to index
            %swap3A_1261 = arith.index_cast %add3A_1259 : i32 to index
            %swap3A_1262 = arith.constant 0 : index
            %swap3A_1263 = tpu.vector_load %arg8[%swap3A_1260, %swap3A_1261, %swap3A_1262] {strides = array<i32>} : memref<8x128x64xf32, #tpu.memory_space<vmem>>, vector<16xf32>,
            tpu.vector_store %arg8[%swap3A_1260, %swap3A_1261, %swap3A_1262], %get3A_1257 {strides = array<i32>} : memref<8x128x64xf32, #tpu.memory_space<vmem>>, vector<16xf32>,
            %get3A_1264 = arith.constant 0 : i32
            %get3A_1265 = arith.index_cast %get3A_1264 : i32 to index
            %get3A_1266 = arith.constant 16 : index
            %get3A_1267 = tpu.vector_load %arg10[%get3A_1265, %get3A_1266] {strides = array<i32>} : memref<1x64xf32, #tpu.memory_space<vmem>>, vector<16xf32>,
            %add3A_1268 = arith.constant 32 : i32
            %add3A_1269 = arith.addi %add3A_1268, %scan3A_1235 : i32
            %swap3A_1270 = arith.index_cast %rem3A_989 : i32 to index
            %swap3A_1271 = arith.index_cast %add3A_1269 : i32 to index
            %swap3A_1272 = arith.constant 16 : index
            %swap3A_1273 = tpu.vector_load %arg8[%swap3A_1270, %swap3A_1271, %swap3A_1272] {strides = array<i32>} : memref<8x128x64xf32, #tpu.memory_space<vmem>>, vector<16xf32>,
            tpu.vector_store %arg8[%swap3A_1270, %swap3A_1271, %swap3A_1272], %get3A_1267 {strides = array<i32>} : memref<8x128x64xf32, #tpu.memory_space<vmem>>, vector<16xf32>,
            %get3A_1274 = arith.constant 0 : i32
            %get3A_1275 = arith.index_cast %get3A_1274 : i32 to index
            %get3A_1276 = arith.constant 32 : index
            %get3A_1277 = tpu.vector_load %arg10[%get3A_1275, %get3A_1276] {strides = array<i32>} : memref<1x64xf32, #tpu.memory_space<vmem>>, vector<16xf32>,
            %add3A_1278 = arith.constant 32 : i32
            %add3A_1279 = arith.addi %add3A_1278, %scan3A_1235 : i32
            %swap3A_1280 = arith.index_cast %rem3A_989 : i32 to index
            %swap3A_1281 = arith.index_cast %add3A_1279 : i32 to index
            %swap3A_1282 = arith.constant 32 : index
            %swap3A_1283 = tpu.vector_load %arg8[%swap3A_1280, %swap3A_1281, %swap3A_1282] {strides = array<i32>} : memref<8x128x64xf32, #tpu.memory_space<vmem>>, vector<16xf32>,
            tpu.vector_store %arg8[%swap3A_1280, %swap3A_1281, %swap3A_1282], %get3A_1277 {strides = array<i32>} : memref<8x128x64xf32, #tpu.memory_space<vmem>>, vector<16xf32>,
            %get3A_1284 = arith.constant 0 : i32
            %get3A_1285 = arith.index_cast %get3A_1284 : i32 to index
            %get3A_1286 = arith.constant 48 : index
            %get3A_1287 = tpu.vector_load %arg10[%get3A_1285, %get3A_1286] {strides = array<i32>} : memref<1x64xf32, #tpu.memory_space<vmem>>, vector<16xf32>,
            %add3A_1288 = arith.constant 32 : i32
            %add3A_1289 = arith.addi %add3A_1288, %scan3A_1235 : i32
            %swap3A_1290 = arith.index_cast %rem3A_989 : i32 to index
            %swap3A_1291 = arith.index_cast %add3A_1289 : i32 to index
            %swap3A_1292 = arith.constant 48 : index
            %swap3A_1293 = tpu.vector_load %arg8[%swap3A_1290, %swap3A_1291, %swap3A_1292] {strides = array<i32>} : memref<8x128x64xf32, #tpu.memory_space<vmem>>, vector<16xf32>,
            tpu.vector_store %arg8[%swap3A_1290, %swap3A_1291, %swap3A_1292], %get3A_1287 {strides = array<i32>} : memref<8x128x64xf32, #tpu.memory_space<vmem>>, vector<16xf32>,
          } else {
          }
        }
        %scan3A_1234 = arith.constant 16 : i32
      } else {
      }
      %get3A_1079 = arith.index_cast %scan3A_988 : i32 to index
      %get3A_1080 = arith.constant 48 : index
      %get3A_1081 = tpu.vector_load %arg6[%get3A_1079, %get3A_1080] {strides = array<i32>} : memref<50x128xi32, #tpu.memory_space<vmem>>, vector<16xi32>,
      %eq3A_1082 = arith.constant 100000 : i32
      %eq3A_1083 = vector.broadcast %eq3A_1082 : i32 to vector<16xi32>
      %eq3A_1084 = arith.cmpi eq, %get3A_1081, %eq3A_1083 : vector<16xi32>
      %jit3A_1085 = arith.constant 1 : i32
      %jit3A_1086 = arith.constant 0 : i32
      %broadcast_in_dim3A_1087 = vector.broadcast %jit3A_1085 : i32 to vector<16xi32>
      %broadcast_in_dim3A_1088 = vector.broadcast %jit3A_1086 : i32 to vector<16xi32>
      %select_n3A_1089 = arith.select %eq3A_1084, %broadcast_in_dim3A_1087, %broadcast_in_dim3A_1088 : vector<16xi1>, vector<16xi32>
      %reduce_max3A_1090 = arith.constant true
      %reduce_max3A_1091 = vector.broadcast %reduce_max3A_1090 : i1 to vector<16xi1>
      %reduce_max3A_1092 = arith.constant -2147483648 : i32
      %reduce_max3A_1093 = vector.broadcast %reduce_max3A_1092 : i32 to vector<16xi32>
      %reduce_max3A_1094 = arith.xori %select_n3A_1089, %reduce_max3A_1093 : vector<16xi32>
      %reduce_max3A_1095 = tpu.scan <max>, %reduce_max3A_1094 masked %reduce_max3A_1091 : vector<16xi32>, vector<16xi1> -> vector<16xi32>
      %reduce_max3A_1096 = arith.xori %reduce_max3A_1095, %reduce_max3A_1093 : vector<16xi32>
      %reduce_max3A_1097 = vector.extract %reduce_max3A_1096[15] : i32 from vector<16xi32>
      %gt3A_1098 = arith.constant 0 : i32
      %gt3A_1099 = arith.cmpi sgt, %reduce_max3A_1097, %gt3A_1098 : i32
      %convert_element_type3A_1100 = arith.extui %gt3A_1099 : i1 to i32
      %cond3A_1101 = arith.constant 0 : i32
      %cond3A_1102 = arith.cmpi ne, %convert_element_type3A_1100, %cond3A_1101 : i32
      scf.if %cond3A_1102 {
        %scan3A_1230 = arith.constant 0 : i32
        %scan3A_1231 = arith.constant 16 : i32
        %scan3A_1232 = arith.addi %scan3A_1230, %scan3A_1231 : i32
        %scan3A_1233 = arith.constant 1 : i32
        scf.for %scan3A_1235 = %scan3A_1230 to %scan3A_1232 step %scan3A_1233  : i32 {
          %eq3A_1236 = vector.broadcast %scan3A_1235 : i32 to vector<16xi32>
          %eq3A_1237 = arith.cmpi eq, %iota3A, %eq3A_1236 : vector<16xi32>
          %jit3A_1238 = arith.constant 0 : i32
          %broadcast_in_dim3A_1239 = vector.broadcast %jit3A_1238 : i32 to vector<16xi32>
          %select_n3A_1240 = arith.select %eq3A_1237, %select_n3A_1089, %broadcast_in_dim3A_1239 : vector<16xi1>, vector<16xi32>
          %reduce_max3A_1241 = arith.constant true
          %reduce_max3A_1242 = vector.broadcast %reduce_max3A_1241 : i1 to vector<16xi1>
          %reduce_max3A_1243 = arith.constant -2147483648 : i32
          %reduce_max3A_1244 = vector.broadcast %reduce_max3A_1243 : i32 to vector<16xi32>
          %reduce_max3A_1245 = arith.xori %select_n3A_1240, %reduce_max3A_1244 : vector<16xi32>
          %reduce_max3A_1246 = tpu.scan <max>, %reduce_max3A_1245 masked %reduce_max3A_1242 : vector<16xi32>, vector<16xi1> -> vector<16xi32>
          %reduce_max3A_1247 = arith.xori %reduce_max3A_1246, %reduce_max3A_1244 : vector<16xi32>
          %reduce_max3A_1248 = vector.extract %reduce_max3A_1247[15] : i32 from vector<16xi32>
          %gt3A_1249 = arith.constant 0 : i32
          %gt3A_1250 = arith.cmpi sgt, %reduce_max3A_1248, %gt3A_1249 : i32
          %convert_element_type3A_1251 = arith.extui %gt3A_1250 : i1 to i32
          %cond3A_1252 = arith.constant 0 : i32
          %cond3A_1253 = arith.cmpi ne, %convert_element_type3A_1251, %cond3A_1252 : i32
          scf.if %cond3A_1253 {
            %get3A_1254 = arith.constant 0 : i32
            %get3A_1255 = arith.index_cast %get3A_1254 : i32 to index
            %get3A_1256 = arith.constant 0 : index
            %get3A_1257 = tpu.vector_load %arg10[%get3A_1255, %get3A_1256] {strides = array<i32>} : memref<1x64xf32, #tpu.memory_space<vmem>>, vector<16xf32>,
            %add3A_1258 = arith.constant 48 : i32
            %add3A_1259 = arith.addi %add3A_1258, %scan3A_1235 : i32
            %swap3A_1260 = arith.index_cast %rem3A_989 : i32 to index
            %swap3A_1261 = arith.index_cast %add3A_1259 : i32 to index
            %swap3A_1262 = arith.constant 0 : index
            %swap3A_1263 = tpu.vector_load %arg8[%swap3A_1260, %swap3A_1261, %swap3A_1262] {strides = array<i32>} : memref<8x128x64xf32, #tpu.memory_space<vmem>>, vector<16xf32>,
            tpu.vector_store %arg8[%swap3A_1260, %swap3A_1261, %swap3A_1262], %get3A_1257 {strides = array<i32>} : memref<8x128x64xf32, #tpu.memory_space<vmem>>, vector<16xf32>,
            %get3A_1264 = arith.constant 0 : i32
            %get3A_1265 = arith.index_cast %get3A_1264 : i32 to index
            %get3A_1266 = arith.constant 16 : index
            %get3A_1267 = tpu.vector_load %arg10[%get3A_1265, %get3A_1266] {strides = array<i32>} : memref<1x64xf32, #tpu.memory_space<vmem>>, vector<16xf32>,
            %add3A_1268 = arith.constant 48 : i32
            %add3A_1269 = arith.addi %add3A_1268, %scan3A_1235 : i32
            %swap3A_1270 = arith.index_cast %rem3A_989 : i32 to index
            %swap3A_1271 = arith.index_cast %add3A_1269 : i32 to index
            %swap3A_1272 = arith.constant 16 : index
            %swap3A_1273 = tpu.vector_load %arg8[%swap3A_1270, %swap3A_1271, %swap3A_1272] {strides = array<i32>} : memref<8x128x64xf32, #tpu.memory_space<vmem>>, vector<16xf32>,
            tpu.vector_store %arg8[%swap3A_1270, %swap3A_1271, %swap3A_1272], %get3A_1267 {strides = array<i32>} : memref<8x128x64xf32, #tpu.memory_space<vmem>>, vector<16xf32>,
            %get3A_1274 = arith.constant 0 : i32
            %get3A_1275 = arith.index_cast %get3A_1274 : i32 to index
            %get3A_1276 = arith.constant 32 : index
            %get3A_1277 = tpu.vector_load %arg10[%get3A_1275, %get3A_1276] {strides = array<i32>} : memref<1x64xf32, #tpu.memory_space<vmem>>, vector<16xf32>,
            %add3A_1278 = arith.constant 48 : i32
            %add3A_1279 = arith.addi %add3A_1278, %scan3A_1235 : i32
            %swap3A_1280 = arith.index_cast %rem3A_989 : i32 to index
            %swap3A_1281 = arith.index_cast %add3A_1279 : i32 to index
            %swap3A_1282 = arith.constant 32 : index
            %swap3A_1283 = tpu.vector_load %arg8[%swap3A_1280, %swap3A_1281, %swap3A_1282] {strides = array<i32>} : memref<8x128x64xf32, #tpu.memory_space<vmem>>, vector<16xf32>,
            tpu.vector_store %arg8[%swap3A_1280, %swap3A_1281, %swap3A_1282], %get3A_1277 {strides = array<i32>} : memref<8x128x64xf32, #tpu.memory_space<vmem>>, vector<16xf32>,
            %get3A_1284 = arith.constant 0 : i32
            %get3A_1285 = arith.index_cast %get3A_1284 : i32 to index
            %get3A_1286 = arith.constant 48 : index
            %get3A_1287 = tpu.vector_load %arg10[%get3A_1285, %get3A_1286] {strides = array<i32>} : memref<1x64xf32, #tpu.memory_space<vmem>>, vector<16xf32>,
            %add3A_1288 = arith.constant 48 : i32
            %add3A_1289 = arith.addi %add3A_1288, %scan3A_1235 : i32
            %swap3A_1290 = arith.index_cast %rem3A_989 : i32 to index
            %swap3A_1291 = arith.index_cast %add3A_1289 : i32 to index
            %swap3A_1292 = arith.constant 48 : index
            %swap3A_1293 = tpu.vector_load %arg8[%swap3A_1290, %swap3A_1291, %swap3A_1292] {strides = array<i32>} : memref<8x128x64xf32, #tpu.memory_space<vmem>>, vector<16xf32>,
            tpu.vector_store %arg8[%swap3A_1290, %swap3A_1291, %swap3A_1292], %get3A_1287 {strides = array<i32>} : memref<8x128x64xf32, #tpu.memory_space<vmem>>, vector<16xf32>,
          } else {
          }
        }
        %scan3A_1234 = arith.constant 16 : i32
      } else {
      }
      %get3A_1103 = arith.index_cast %scan3A_988 : i32 to index
      %get3A_1104 = arith.constant 64 : index
      %get3A_1105 = tpu.vector_load %arg6[%get3A_1103, %get3A_1104] {strides = array<i32>} : memref<50x128xi32, #tpu.memory_space<vmem>>, vector<16xi32>,
      %eq3A_1106 = arith.constant 100000 : i32
      %eq3A_1107 = vector.broadcast %eq3A_1106 : i32 to vector<16xi32>
      %eq3A_1108 = arith.cmpi eq, %get3A_1105, %eq3A_1107 : vector<16xi32>
      %jit3A_1109 = arith.constant 1 : i32
      %jit3A_1110 = arith.constant 0 : i32
      %broadcast_in_dim3A_1111 = vector.broadcast %jit3A_1109 : i32 to vector<16xi32>
      %broadcast_in_dim3A_1112 = vector.broadcast %jit3A_1110 : i32 to vector<16xi32>
      %select_n3A_1113 = arith.select %eq3A_1108, %broadcast_in_dim3A_1111, %broadcast_in_dim3A_1112 : vector<16xi1>, vector<16xi32>
      %reduce_max3A_1114 = arith.constant true
      %reduce_max3A_1115 = vector.broadcast %reduce_max3A_1114 : i1 to vector<16xi1>
      %reduce_max3A_1116 = arith.constant -2147483648 : i32
      %reduce_max3A_1117 = vector.broadcast %reduce_max3A_1116 : i32 to vector<16xi32>
      %reduce_max3A_1118 = arith.xori %select_n3A_1113, %reduce_max3A_1117 : vector<16xi32>
      %reduce_max3A_1119 = tpu.scan <max>, %reduce_max3A_1118 masked %reduce_max3A_1115 : vector<16xi32>, vector<16xi1> -> vector<16xi32>
      %reduce_max3A_1120 = arith.xori %reduce_max3A_1119, %reduce_max3A_1117 : vector<16xi32>
      %reduce_max3A_1121 = vector.extract %reduce_max3A_1120[15] : i32 from vector<16xi32>
      %gt3A_1122 = arith.constant 0 : i32
      %gt3A_1123 = arith.cmpi sgt, %reduce_max3A_1121, %gt3A_1122 : i32
      %convert_element_type3A_1124 = arith.extui %gt3A_1123 : i1 to i32
      %cond3A_1125 = arith.constant 0 : i32
      %cond3A_1126 = arith.cmpi ne, %convert_element_type3A_1124, %cond3A_1125 : i32
      scf.if %cond3A_1126 {
        %scan3A_1230 = arith.constant 0 : i32
        %scan3A_1231 = arith.constant 16 : i32
        %scan3A_1232 = arith.addi %scan3A_1230, %scan3A_1231 : i32
        %scan3A_1233 = arith.constant 1 : i32
        scf.for %scan3A_1235 = %scan3A_1230 to %scan3A_1232 step %scan3A_1233  : i32 {
          %eq3A_1236 = vector.broadcast %scan3A_1235 : i32 to vector<16xi32>
          %eq3A_1237 = arith.cmpi eq, %iota3A, %eq3A_1236 : vector<16xi32>
          %jit3A_1238 = arith.constant 0 : i32
          %broadcast_in_dim3A_1239 = vector.broadcast %jit3A_1238 : i32 to vector<16xi32>
          %select_n3A_1240 = arith.select %eq3A_1237, %select_n3A_1113, %broadcast_in_dim3A_1239 : vector<16xi1>, vector<16xi32>
          %reduce_max3A_1241 = arith.constant true
          %reduce_max3A_1242 = vector.broadcast %reduce_max3A_1241 : i1 to vector<16xi1>
          %reduce_max3A_1243 = arith.constant -2147483648 : i32
          %reduce_max3A_1244 = vector.broadcast %reduce_max3A_1243 : i32 to vector<16xi32>
          %reduce_max3A_1245 = arith.xori %select_n3A_1240, %reduce_max3A_1244 : vector<16xi32>
          %reduce_max3A_1246 = tpu.scan <max>, %reduce_max3A_1245 masked %reduce_max3A_1242 : vector<16xi32>, vector<16xi1> -> vector<16xi32>
          %reduce_max3A_1247 = arith.xori %reduce_max3A_1246, %reduce_max3A_1244 : vector<16xi32>
          %reduce_max3A_1248 = vector.extract %reduce_max3A_1247[15] : i32 from vector<16xi32>
          %gt3A_1249 = arith.constant 0 : i32
          %gt3A_1250 = arith.cmpi sgt, %reduce_max3A_1248, %gt3A_1249 : i32
          %convert_element_type3A_1251 = arith.extui %gt3A_1250 : i1 to i32
          %cond3A_1252 = arith.constant 0 : i32
          %cond3A_1253 = arith.cmpi ne, %convert_element_type3A_1251, %cond3A_1252 : i32
          scf.if %cond3A_1253 {
            %get3A_1254 = arith.constant 0 : i32
            %get3A_1255 = arith.index_cast %get3A_1254 : i32 to index
            %get3A_1256 = arith.constant 0 : index
            %get3A_1257 = tpu.vector_load %arg10[%get3A_1255, %get3A_1256] {strides = array<i32>} : memref<1x64xf32, #tpu.memory_space<vmem>>, vector<16xf32>,
            %add3A_1258 = arith.constant 64 : i32
            %add3A_1259 = arith.addi %add3A_1258, %scan3A_1235 : i32
            %swap3A_1260 = arith.index_cast %rem3A_989 : i32 to index
            %swap3A_1261 = arith.index_cast %add3A_1259 : i32 to index
            %swap3A_1262 = arith.constant 0 : index
            %swap3A_1263 = tpu.vector_load %arg8[%swap3A_1260, %swap3A_1261, %swap3A_1262] {strides = array<i32>} : memref<8x128x64xf32, #tpu.memory_space<vmem>>, vector<16xf32>,
            tpu.vector_store %arg8[%swap3A_1260, %swap3A_1261, %swap3A_1262], %get3A_1257 {strides = array<i32>} : memref<8x128x64xf32, #tpu.memory_space<vmem>>, vector<16xf32>,
            %get3A_1264 = arith.constant 0 : i32
            %get3A_1265 = arith.index_cast %get3A_1264 : i32 to index
            %get3A_1266 = arith.constant 16 : index
            %get3A_1267 = tpu.vector_load %arg10[%get3A_1265, %get3A_1266] {strides = array<i32>} : memref<1x64xf32, #tpu.memory_space<vmem>>, vector<16xf32>,
            %add3A_1268 = arith.constant 64 : i32
            %add3A_1269 = arith.addi %add3A_1268, %scan3A_1235 : i32
            %swap3A_1270 = arith.index_cast %rem3A_989 : i32 to index
            %swap3A_1271 = arith.index_cast %add3A_1269 : i32 to index
            %swap3A_1272 = arith.constant 16 : index
            %swap3A_1273 = tpu.vector_load %arg8[%swap3A_1270, %swap3A_1271, %swap3A_1272] {strides = array<i32>} : memref<8x128x64xf32, #tpu.memory_space<vmem>>, vector<16xf32>,
            tpu.vector_store %arg8[%swap3A_1270, %swap3A_1271, %swap3A_1272], %get3A_1267 {strides = array<i32>} : memref<8x128x64xf32, #tpu.memory_space<vmem>>, vector<16xf32>,
            %get3A_1274 = arith.constant 0 : i32
            %get3A_1275 = arith.index_cast %get3A_1274 : i32 to index
            %get3A_1276 = arith.constant 32 : index
            %get3A_1277 = tpu.vector_load %arg10[%get3A_1275, %get3A_1276] {strides = array<i32>} : memref<1x64xf32, #tpu.memory_space<vmem>>, vector<16xf32>,
            %add3A_1278 = arith.constant 64 : i32
            %add3A_1279 = arith.addi %add3A_1278, %scan3A_1235 : i32
            %swap3A_1280 = arith.index_cast %rem3A_989 : i32 to index
            %swap3A_1281 = arith.index_cast %add3A_1279 : i32 to index
            %swap3A_1282 = arith.constant 32 : index
            %swap3A_1283 = tpu.vector_load %arg8[%swap3A_1280, %swap3A_1281, %swap3A_1282] {strides = array<i32>} : memref<8x128x64xf32, #tpu.memory_space<vmem>>, vector<16xf32>,
            tpu.vector_store %arg8[%swap3A_1280, %swap3A_1281, %swap3A_1282], %get3A_1277 {strides = array<i32>} : memref<8x128x64xf32, #tpu.memory_space<vmem>>, vector<16xf32>,
            %get3A_1284 = arith.constant 0 : i32
            %get3A_1285 = arith.index_cast %get3A_1284 : i32 to index
            %get3A_1286 = arith.constant 48 : index
            %get3A_1287 = tpu.vector_load %arg10[%get3A_1285, %get3A_1286] {strides = array<i32>} : memref<1x64xf32, #tpu.memory_space<vmem>>, vector<16xf32>,
            %add3A_1288 = arith.constant 64 : i32
            %add3A_1289 = arith.addi %add3A_1288, %scan3A_1235 : i32
            %swap3A_1290 = arith.index_cast %rem3A_989 : i32 to index
            %swap3A_1291 = arith.index_cast %add3A_1289 : i32 to index
            %swap3A_1292 = arith.constant 48 : index
            %swap3A_1293 = tpu.vector_load %arg8[%swap3A_1290, %swap3A_1291, %swap3A_1292] {strides = array<i32>} : memref<8x128x64xf32, #tpu.memory_space<vmem>>, vector<16xf32>,
            tpu.vector_store %arg8[%swap3A_1290, %swap3A_1291, %swap3A_1292], %get3A_1287 {strides = array<i32>} : memref<8x128x64xf32, #tpu.memory_space<vmem>>, vector<16xf32>,
          } else {
          }
        }
        %scan3A_1234 = arith.constant 16 : i32
      } else {
      }
      %get3A_1127 = arith.index_cast %scan3A_988 : i32 to index
      %get3A_1128 = arith.constant 80 : index
      %get3A_1129 = tpu.vector_load %arg6[%get3A_1127, %get3A_1128] {strides = array<i32>} : memref<50x128xi32, #tpu.memory_space<vmem>>, vector<16xi32>,
      %eq3A_1130 = arith.constant 100000 : i32
      %eq3A_1131 = vector.broadcast %eq3A_1130 : i32 to vector<16xi32>
      %eq3A_1132 = arith.cmpi eq, %get3A_1129, %eq3A_1131 : vector<16xi32>
      %jit3A_1133 = arith.constant 1 : i32
      %jit3A_1134 = arith.constant 0 : i32
      %broadcast_in_dim3A_1135 = vector.broadcast %jit3A_1133 : i32 to vector<16xi32>
      %broadcast_in_dim3A_1136 = vector.broadcast %jit3A_1134 : i32 to vector<16xi32>
      %select_n3A_1137 = arith.select %eq3A_1132, %broadcast_in_dim3A_1135, %broadcast_in_dim3A_1136 : vector<16xi1>, vector<16xi32>
      %reduce_max3A_1138 = arith.constant true
      %reduce_max3A_1139 = vector.broadcast %reduce_max3A_1138 : i1 to vector<16xi1>
      %reduce_max3A_1140 = arith.constant -2147483648 : i32
      %reduce_max3A_1141 = vector.broadcast %reduce_max3A_1140 : i32 to vector<16xi32>
      %reduce_max3A_1142 = arith.xori %select_n3A_1137, %reduce_max3A_1141 : vector<16xi32>
      %reduce_max3A_1143 = tpu.scan <max>, %reduce_max3A_1142 masked %reduce_max3A_1139 : vector<16xi32>, vector<16xi1> -> vector<16xi32>
      %reduce_max3A_1144 = arith.xori %reduce_max3A_1143, %reduce_max3A_1141 : vector<16xi32>
      %reduce_max3A_1145 = vector.extract %reduce_max3A_1144[15] : i32 from vector<16xi32>
      %gt3A_1146 = arith.constant 0 : i32
      %gt3A_1147 = arith.cmpi sgt, %reduce_max3A_1145, %gt3A_1146 : i32
      %convert_element_type3A_1148 = arith.extui %gt3A_1147 : i1 to i32
      %cond3A_1149 = arith.constant 0 : i32
      %cond3A_1150 = arith.cmpi ne, %convert_element_type3A_1148, %cond3A_1149 : i32
      scf.if %cond3A_1150 {
        %scan3A_1230 = arith.constant 0 : i32
        %scan3A_1231 = arith.constant 16 : i32
        %scan3A_1232 = arith.addi %scan3A_1230, %scan3A_1231 : i32
        %scan3A_1233 = arith.constant 1 : i32
        scf.for %scan3A_1235 = %scan3A_1230 to %scan3A_1232 step %scan3A_1233  : i32 {
          %eq3A_1236 = vector.broadcast %scan3A_1235 : i32 to vector<16xi32>
          %eq3A_1237 = arith.cmpi eq, %iota3A, %eq3A_1236 : vector<16xi32>
          %jit3A_1238 = arith.constant 0 : i32
          %broadcast_in_dim3A_1239 = vector.broadcast %jit3A_1238 : i32 to vector<16xi32>
          %select_n3A_1240 = arith.select %eq3A_1237, %select_n3A_1137, %broadcast_in_dim3A_1239 : vector<16xi1>, vector<16xi32>
          %reduce_max3A_1241 = arith.constant true
          %reduce_max3A_1242 = vector.broadcast %reduce_max3A_1241 : i1 to vector<16xi1>
          %reduce_max3A_1243 = arith.constant -2147483648 : i32
          %reduce_max3A_1244 = vector.broadcast %reduce_max3A_1243 : i32 to vector<16xi32>
          %reduce_max3A_1245 = arith.xori %select_n3A_1240, %reduce_max3A_1244 : vector<16xi32>
          %reduce_max3A_1246 = tpu.scan <max>, %reduce_max3A_1245 masked %reduce_max3A_1242 : vector<16xi32>, vector<16xi1> -> vector<16xi32>
          %reduce_max3A_1247 = arith.xori %reduce_max3A_1246, %reduce_max3A_1244 : vector<16xi32>
          %reduce_max3A_1248 = vector.extract %reduce_max3A_1247[15] : i32 from vector<16xi32>
          %gt3A_1249 = arith.constant 0 : i32
          %gt3A_1250 = arith.cmpi sgt, %reduce_max3A_1248, %gt3A_1249 : i32
          %convert_element_type3A_1251 = arith.extui %gt3A_1250 : i1 to i32
          %cond3A_1252 = arith.constant 0 : i32
          %cond3A_1253 = arith.cmpi ne, %convert_element_type3A_1251, %cond3A_1252 : i32
          scf.if %cond3A_1253 {
            %get3A_1254 = arith.constant 0 : i32
            %get3A_1255 = arith.index_cast %get3A_1254 : i32 to index
            %get3A_1256 = arith.constant 0 : index
            %get3A_1257 = tpu.vector_load %arg10[%get3A_1255, %get3A_1256] {strides = array<i32>} : memref<1x64xf32, #tpu.memory_space<vmem>>, vector<16xf32>,
            %add3A_1258 = arith.constant 80 : i32
            %add3A_1259 = arith.addi %add3A_1258, %scan3A_1235 : i32
            %swap3A_1260 = arith.index_cast %rem3A_989 : i32 to index
            %swap3A_1261 = arith.index_cast %add3A_1259 : i32 to index
            %swap3A_1262 = arith.constant 0 : index
            %swap3A_1263 = tpu.vector_load %arg8[%swap3A_1260, %swap3A_1261, %swap3A_1262] {strides = array<i32>} : memref<8x128x64xf32, #tpu.memory_space<vmem>>, vector<16xf32>,
            tpu.vector_store %arg8[%swap3A_1260, %swap3A_1261, %swap3A_1262], %get3A_1257 {strides = array<i32>} : memref<8x128x64xf32, #tpu.memory_space<vmem>>, vector<16xf32>,
            %get3A_1264 = arith.constant 0 : i32
            %get3A_1265 = arith.index_cast %get3A_1264 : i32 to index
            %get3A_1266 = arith.constant 16 : index
            %get3A_1267 = tpu.vector_load %arg10[%get3A_1265, %get3A_1266] {strides = array<i32>} : memref<1x64xf32, #tpu.memory_space<vmem>>, vector<16xf32>,
            %add3A_1268 = arith.constant 80 : i32
            %add3A_1269 = arith.addi %add3A_1268, %scan3A_1235 : i32
            %swap3A_1270 = arith.index_cast %rem3A_989 : i32 to index
            %swap3A_1271 = arith.index_cast %add3A_1269 : i32 to index
            %swap3A_1272 = arith.constant 16 : index
            %swap3A_1273 = tpu.vector_load %arg8[%swap3A_1270, %swap3A_1271, %swap3A_1272] {strides = array<i32>} : memref<8x128x64xf32, #tpu.memory_space<vmem>>, vector<16xf32>,
            tpu.vector_store %arg8[%swap3A_1270, %swap3A_1271, %swap3A_1272], %get3A_1267 {strides = array<i32>} : memref<8x128x64xf32, #tpu.memory_space<vmem>>, vector<16xf32>,
            %get3A_1274 = arith.constant 0 : i32
            %get3A_1275 = arith.index_cast %get3A_1274 : i32 to index
            %get3A_1276 = arith.constant 32 : index
            %get3A_1277 = tpu.vector_load %arg10[%get3A_1275, %get3A_1276] {strides = array<i32>} : memref<1x64xf32, #tpu.memory_space<vmem>>, vector<16xf32>,
            %add3A_1278 = arith.constant 80 : i32
            %add3A_1279 = arith.addi %add3A_1278, %scan3A_1235 : i32
            %swap3A_1280 = arith.index_cast %rem3A_989 : i32 to index
            %swap3A_1281 = arith.index_cast %add3A_1279 : i32 to index
            %swap3A_1282 = arith.constant 32 : index
            %swap3A_1283 = tpu.vector_load %arg8[%swap3A_1280, %swap3A_1281, %swap3A_1282] {strides = array<i32>} : memref<8x128x64xf32, #tpu.memory_space<vmem>>, vector<16xf32>,
            tpu.vector_store %arg8[%swap3A_1280, %swap3A_1281, %swap3A_1282], %get3A_1277 {strides = array<i32>} : memref<8x128x64xf32, #tpu.memory_space<vmem>>, vector<16xf32>,
            %get3A_1284 = arith.constant 0 : i32
            %get3A_1285 = arith.index_cast %get3A_1284 : i32 to index
            %get3A_1286 = arith.constant 48 : index
            %get3A_1287 = tpu.vector_load %arg10[%get3A_1285, %get3A_1286] {strides = array<i32>} : memref<1x64xf32, #tpu.memory_space<vmem>>, vector<16xf32>,
            %add3A_1288 = arith.constant 80 : i32
            %add3A_1289 = arith.addi %add3A_1288, %scan3A_1235 : i32
            %swap3A_1290 = arith.index_cast %rem3A_989 : i32 to index
            %swap3A_1291 = arith.index_cast %add3A_1289 : i32 to index
            %swap3A_1292 = arith.constant 48 : index
            %swap3A_1293 = tpu.vector_load %arg8[%swap3A_1290, %swap3A_1291, %swap3A_1292] {strides = array<i32>} : memref<8x128x64xf32, #tpu.memory_space<vmem>>, vector<16xf32>,
            tpu.vector_store %arg8[%swap3A_1290, %swap3A_1291, %swap3A_1292], %get3A_1287 {strides = array<i32>} : memref<8x128x64xf32, #tpu.memory_space<vmem>>, vector<16xf32>,
          } else {
          }
        }
        %scan3A_1234 = arith.constant 16 : i32
      } else {
      }
      %get3A_1151 = arith.index_cast %scan3A_988 : i32 to index
      %get3A_1152 = arith.constant 96 : index
      %get3A_1153 = tpu.vector_load %arg6[%get3A_1151, %get3A_1152] {strides = array<i32>} : memref<50x128xi32, #tpu.memory_space<vmem>>, vector<16xi32>,
      %eq3A_1154 = arith.constant 100000 : i32
      %eq3A_1155 = vector.broadcast %eq3A_1154 : i32 to vector<16xi32>
      %eq3A_1156 = arith.cmpi eq, %get3A_1153, %eq3A_1155 : vector<16xi32>
      %jit3A_1157 = arith.constant 1 : i32
      %jit3A_1158 = arith.constant 0 : i32
      %broadcast_in_dim3A_1159 = vector.broadcast %jit3A_1157 : i32 to vector<16xi32>
      %broadcast_in_dim3A_1160 = vector.broadcast %jit3A_1158 : i32 to vector<16xi32>
      %select_n3A_1161 = arith.select %eq3A_1156, %broadcast_in_dim3A_1159, %broadcast_in_dim3A_1160 : vector<16xi1>, vector<16xi32>
      %reduce_max3A_1162 = arith.constant true
      %reduce_max3A_1163 = vector.broadcast %reduce_max3A_1162 : i1 to vector<16xi1>
      %reduce_max3A_1164 = arith.constant -2147483648 : i32
      %reduce_max3A_1165 = vector.broadcast %reduce_max3A_1164 : i32 to vector<16xi32>
      %reduce_max3A_1166 = arith.xori %select_n3A_1161, %reduce_max3A_1165 : vector<16xi32>
      %reduce_max3A_1167 = tpu.scan <max>, %reduce_max3A_1166 masked %reduce_max3A_1163 : vector<16xi32>, vector<16xi1> -> vector<16xi32>
      %reduce_max3A_1168 = arith.xori %reduce_max3A_1167, %reduce_max3A_1165 : vector<16xi32>
      %reduce_max3A_1169 = vector.extract %reduce_max3A_1168[15] : i32 from vector<16xi32>
      %gt3A_1170 = arith.constant 0 : i32
      %gt3A_1171 = arith.cmpi sgt, %reduce_max3A_1169, %gt3A_1170 : i32
      %convert_element_type3A_1172 = arith.extui %gt3A_1171 : i1 to i32
      %cond3A_1173 = arith.constant 0 : i32
      %cond3A_1174 = arith.cmpi ne, %convert_element_type3A_1172, %cond3A_1173 : i32
      scf.if %cond3A_1174 {
        %scan3A_1230 = arith.constant 0 : i32
        %scan3A_1231 = arith.constant 16 : i32
        %scan3A_1232 = arith.addi %scan3A_1230, %scan3A_1231 : i32
        %scan3A_1233 = arith.constant 1 : i32
        scf.for %scan3A_1235 = %scan3A_1230 to %scan3A_1232 step %scan3A_1233  : i32 {
          %eq3A_1236 = vector.broadcast %scan3A_1235 : i32 to vector<16xi32>
          %eq3A_1237 = arith.cmpi eq, %iota3A, %eq3A_1236 : vector<16xi32>
          %jit3A_1238 = arith.constant 0 : i32
          %broadcast_in_dim3A_1239 = vector.broadcast %jit3A_1238 : i32 to vector<16xi32>
          %select_n3A_1240 = arith.select %eq3A_1237, %select_n3A_1161, %broadcast_in_dim3A_1239 : vector<16xi1>, vector<16xi32>
          %reduce_max3A_1241 = arith.constant true
          %reduce_max3A_1242 = vector.broadcast %reduce_max3A_1241 : i1 to vector<16xi1>
          %reduce_max3A_1243 = arith.constant -2147483648 : i32
          %reduce_max3A_1244 = vector.broadcast %reduce_max3A_1243 : i32 to vector<16xi32>
          %reduce_max3A_1245 = arith.xori %select_n3A_1240, %reduce_max3A_1244 : vector<16xi32>
          %reduce_max3A_1246 = tpu.scan <max>, %reduce_max3A_1245 masked %reduce_max3A_1242 : vector<16xi32>, vector<16xi1> -> vector<16xi32>
          %reduce_max3A_1247 = arith.xori %reduce_max3A_1246, %reduce_max3A_1244 : vector<16xi32>
          %reduce_max3A_1248 = vector.extract %reduce_max3A_1247[15] : i32 from vector<16xi32>
          %gt3A_1249 = arith.constant 0 : i32
          %gt3A_1250 = arith.cmpi sgt, %reduce_max3A_1248, %gt3A_1249 : i32
          %convert_element_type3A_1251 = arith.extui %gt3A_1250 : i1 to i32
          %cond3A_1252 = arith.constant 0 : i32
          %cond3A_1253 = arith.cmpi ne, %convert_element_type3A_1251, %cond3A_1252 : i32
          scf.if %cond3A_1253 {
            %get3A_1254 = arith.constant 0 : i32
            %get3A_1255 = arith.index_cast %get3A_1254 : i32 to index
            %get3A_1256 = arith.constant 0 : index
            %get3A_1257 = tpu.vector_load %arg10[%get3A_1255, %get3A_1256] {strides = array<i32>} : memref<1x64xf32, #tpu.memory_space<vmem>>, vector<16xf32>,
            %add3A_1258 = arith.constant 96 : i32
            %add3A_1259 = arith.addi %add3A_1258, %scan3A_1235 : i32
            %swap3A_1260 = arith.index_cast %rem3A_989 : i32 to index
            %swap3A_1261 = arith.index_cast %add3A_1259 : i32 to index
            %swap3A_1262 = arith.constant 0 : index
            %swap3A_1263 = tpu.vector_load %arg8[%swap3A_1260, %swap3A_1261, %swap3A_1262] {strides = array<i32>} : memref<8x128x64xf32, #tpu.memory_space<vmem>>, vector<16xf32>,
            tpu.vector_store %arg8[%swap3A_1260, %swap3A_1261, %swap3A_1262], %get3A_1257 {strides = array<i32>} : memref<8x128x64xf32, #tpu.memory_space<vmem>>, vector<16xf32>,
            %get3A_1264 = arith.constant 0 : i32
            %get3A_1265 = arith.index_cast %get3A_1264 : i32 to index
            %get3A_1266 = arith.constant 16 : index
            %get3A_1267 = tpu.vector_load %arg10[%get3A_1265, %get3A_1266] {strides = array<i32>} : memref<1x64xf32, #tpu.memory_space<vmem>>, vector<16xf32>,
            %add3A_1268 = arith.constant 96 : i32
            %add3A_1269 = arith.addi %add3A_1268, %scan3A_1235 : i32
            %swap3A_1270 = arith.index_cast %rem3A_989 : i32 to index
            %swap3A_1271 = arith.index_cast %add3A_1269 : i32 to index
            %swap3A_1272 = arith.constant 16 : index
            %swap3A_1273 = tpu.vector_load %arg8[%swap3A_1270, %swap3A_1271, %swap3A_1272] {strides = array<i32>} : memref<8x128x64xf32, #tpu.memory_space<vmem>>, vector<16xf32>,
            tpu.vector_store %arg8[%swap3A_1270, %swap3A_1271, %swap3A_1272], %get3A_1267 {strides = array<i32>} : memref<8x128x64xf32, #tpu.memory_space<vmem>>, vector<16xf32>,
            %get3A_1274 = arith.constant 0 : i32
            %get3A_1275 = arith.index_cast %get3A_1274 : i32 to index
            %get3A_1276 = arith.constant 32 : index
            %get3A_1277 = tpu.vector_load %arg10[%get3A_1275, %get3A_1276] {strides = array<i32>} : memref<1x64xf32, #tpu.memory_space<vmem>>, vector<16xf32>,
            %add3A_1278 = arith.constant 96 : i32
            %add3A_1279 = arith.addi %add3A_1278, %scan3A_1235 : i32
            %swap3A_1280 = arith.index_cast %rem3A_989 : i32 to index
            %swap3A_1281 = arith.index_cast %add3A_1279 : i32 to index
            %swap3A_1282 = arith.constant 32 : index
            %swap3A_1283 = tpu.vector_load %arg8[%swap3A_1280, %swap3A_1281, %swap3A_1282] {strides = array<i32>} : memref<8x128x64xf32, #tpu.memory_space<vmem>>, vector<16xf32>,
            tpu.vector_store %arg8[%swap3A_1280, %swap3A_1281, %swap3A_1282], %get3A_1277 {strides = array<i32>} : memref<8x128x64xf32, #tpu.memory_space<vmem>>, vector<16xf32>,
            %get3A_1284 = arith.constant 0 : i32
            %get3A_1285 = arith.index_cast %get3A_1284 : i32 to index
            %get3A_1286 = arith.constant 48 : index
            %get3A_1287 = tpu.vector_load %arg10[%get3A_1285, %get3A_1286] {strides = array<i32>} : memref<1x64xf32, #tpu.memory_space<vmem>>, vector<16xf32>,
            %add3A_1288 = arith.constant 96 : i32
            %add3A_1289 = arith.addi %add3A_1288, %scan3A_1235 : i32
            %swap3A_1290 = arith.index_cast %rem3A_989 : i32 to index
            %swap3A_1291 = arith.index_cast %add3A_1289 : i32 to index
            %swap3A_1292 = arith.constant 48 : index
            %swap3A_1293 = tpu.vector_load %arg8[%swap3A_1290, %swap3A_1291, %swap3A_1292] {strides = array<i32>} : memref<8x128x64xf32, #tpu.memory_space<vmem>>, vector<16xf32>,
            tpu.vector_store %arg8[%swap3A_1290, %swap3A_1291, %swap3A_1292], %get3A_1287 {strides = array<i32>} : memref<8x128x64xf32, #tpu.memory_space<vmem>>, vector<16xf32>,
          } else {
          }
        }
        %scan3A_1234 = arith.constant 16 : i32
      } else {
      }
      %get3A_1175 = arith.index_cast %scan3A_988 : i32 to index
      %get3A_1176 = arith.constant 112 : index
      %get3A_1177 = tpu.vector_load %arg6[%get3A_1175, %get3A_1176] {strides = array<i32>} : memref<50x128xi32, #tpu.memory_space<vmem>>, vector<16xi32>,
      %eq3A_1178 = arith.constant 100000 : i32
      %eq3A_1179 = vector.broadcast %eq3A_1178 : i32 to vector<16xi32>
      %eq3A_1180 = arith.cmpi eq, %get3A_1177, %eq3A_1179 : vector<16xi32>
      %jit3A_1181 = arith.constant 1 : i32
      %jit3A_1182 = arith.constant 0 : i32
      %broadcast_in_dim3A_1183 = vector.broadcast %jit3A_1181 : i32 to vector<16xi32>
      %broadcast_in_dim3A_1184 = vector.broadcast %jit3A_1182 : i32 to vector<16xi32>
      %select_n3A_1185 = arith.select %eq3A_1180, %broadcast_in_dim3A_1183, %broadcast_in_dim3A_1184 : vector<16xi1>, vector<16xi32>
      %reduce_max3A_1186 = arith.constant true
      %reduce_max3A_1187 = vector.broadcast %reduce_max3A_1186 : i1 to vector<16xi1>
      %reduce_max3A_1188 = arith.constant -2147483648 : i32
      %reduce_max3A_1189 = vector.broadcast %reduce_max3A_1188 : i32 to vector<16xi32>
      %reduce_max3A_1190 = arith.xori %select_n3A_1185, %reduce_max3A_1189 : vector<16xi32>
      %reduce_max3A_1191 = tpu.scan <max>, %reduce_max3A_1190 masked %reduce_max3A_1187 : vector<16xi32>, vector<16xi1> -> vector<16xi32>
      %reduce_max3A_1192 = arith.xori %reduce_max3A_1191, %reduce_max3A_1189 : vector<16xi32>
      %reduce_max3A_1193 = vector.extract %reduce_max3A_1192[15] : i32 from vector<16xi32>
      %gt3A_1194 = arith.constant 0 : i32
      %gt3A_1195 = arith.cmpi sgt, %reduce_max3A_1193, %gt3A_1194 : i32
      %convert_element_type3A_1196 = arith.extui %gt3A_1195 : i1 to i32
      %cond3A_1197 = arith.constant 0 : i32
      %cond3A_1198 = arith.cmpi ne, %convert_element_type3A_1196, %cond3A_1197 : i32
      scf.if %cond3A_1198 {
        %scan3A_1230 = arith.constant 0 : i32
        %scan3A_1231 = arith.constant 16 : i32
        %scan3A_1232 = arith.addi %scan3A_1230, %scan3A_1231 : i32
        %scan3A_1233 = arith.constant 1 : i32
        scf.for %scan3A_1235 = %scan3A_1230 to %scan3A_1232 step %scan3A_1233  : i32 {
          %eq3A_1236 = vector.broadcast %scan3A_1235 : i32 to vector<16xi32>
          %eq3A_1237 = arith.cmpi eq, %iota3A, %eq3A_1236 : vector<16xi32>
          %jit3A_1238 = arith.constant 0 : i32
          %broadcast_in_dim3A_1239 = vector.broadcast %jit3A_1238 : i32 to vector<16xi32>
          %select_n3A_1240 = arith.select %eq3A_1237, %select_n3A_1185, %broadcast_in_dim3A_1239 : vector<16xi1>, vector<16xi32>
          %reduce_max3A_1241 = arith.constant true
          %reduce_max3A_1242 = vector.broadcast %reduce_max3A_1241 : i1 to vector<16xi1>
          %reduce_max3A_1243 = arith.constant -2147483648 : i32
          %reduce_max3A_1244 = vector.broadcast %reduce_max3A_1243 : i32 to vector<16xi32>
          %reduce_max3A_1245 = arith.xori %select_n3A_1240, %reduce_max3A_1244 : vector<16xi32>
          %reduce_max3A_1246 = tpu.scan <max>, %reduce_max3A_1245 masked %reduce_max3A_1242 : vector<16xi32>, vector<16xi1> -> vector<16xi32>
          %reduce_max3A_1247 = arith.xori %reduce_max3A_1246, %reduce_max3A_1244 : vector<16xi32>
          %reduce_max3A_1248 = vector.extract %reduce_max3A_1247[15] : i32 from vector<16xi32>
          %gt3A_1249 = arith.constant 0 : i32
          %gt3A_1250 = arith.cmpi sgt, %reduce_max3A_1248, %gt3A_1249 : i32
          %convert_element_type3A_1251 = arith.extui %gt3A_1250 : i1 to i32
          %cond3A_1252 = arith.constant 0 : i32
          %cond3A_1253 = arith.cmpi ne, %convert_element_type3A_1251, %cond3A_1252 : i32
          scf.if %cond3A_1253 {
            %get3A_1254 = arith.constant 0 : i32
            %get3A_1255 = arith.index_cast %get3A_1254 : i32 to index
            %get3A_1256 = arith.constant 0 : index
            %get3A_1257 = tpu.vector_load %arg10[%get3A_1255, %get3A_1256] {strides = array<i32>} : memref<1x64xf32, #tpu.memory_space<vmem>>, vector<16xf32>,
            %add3A_1258 = arith.constant 112 : i32
            %add3A_1259 = arith.addi %add3A_1258, %scan3A_1235 : i32
            %swap3A_1260 = arith.index_cast %rem3A_989 : i32 to index
            %swap3A_1261 = arith.index_cast %add3A_1259 : i32 to index
            %swap3A_1262 = arith.constant 0 : index
            %swap3A_1263 = tpu.vector_load %arg8[%swap3A_1260, %swap3A_1261, %swap3A_1262] {strides = array<i32>} : memref<8x128x64xf32, #tpu.memory_space<vmem>>, vector<16xf32>,
            tpu.vector_store %arg8[%swap3A_1260, %swap3A_1261, %swap3A_1262], %get3A_1257 {strides = array<i32>} : memref<8x128x64xf32, #tpu.memory_space<vmem>>, vector<16xf32>,
            %get3A_1264 = arith.constant 0 : i32
            %get3A_1265 = arith.index_cast %get3A_1264 : i32 to index
            %get3A_1266 = arith.constant 16 : index
            %get3A_1267 = tpu.vector_load %arg10[%get3A_1265, %get3A_1266] {strides = array<i32>} : memref<1x64xf32, #tpu.memory_space<vmem>>, vector<16xf32>,
            %add3A_1268 = arith.constant 112 : i32
            %add3A_1269 = arith.addi %add3A_1268, %scan3A_1235 : i32
            %swap3A_1270 = arith.index_cast %rem3A_989 : i32 to index
            %swap3A_1271 = arith.index_cast %add3A_1269 : i32 to index
            %swap3A_1272 = arith.constant 16 : index
            %swap3A_1273 = tpu.vector_load %arg8[%swap3A_1270, %swap3A_1271, %swap3A_1272] {strides = array<i32>} : memref<8x128x64xf32, #tpu.memory_space<vmem>>, vector<16xf32>,
            tpu.vector_store %arg8[%swap3A_1270, %swap3A_1271, %swap3A_1272], %get3A_1267 {strides = array<i32>} : memref<8x128x64xf32, #tpu.memory_space<vmem>>, vector<16xf32>,
            %get3A_1274 = arith.constant 0 : i32
            %get3A_1275 = arith.index_cast %get3A_1274 : i32 to index
            %get3A_1276 = arith.constant 32 : index
            %get3A_1277 = tpu.vector_load %arg10[%get3A_1275, %get3A_1276] {strides = array<i32>} : memref<1x64xf32, #tpu.memory_space<vmem>>, vector<16xf32>,
            %add3A_1278 = arith.constant 112 : i32
            %add3A_1279 = arith.addi %add3A_1278, %scan3A_1235 : i32
            %swap3A_1280 = arith.index_cast %rem3A_989 : i32 to index
            %swap3A_1281 = arith.index_cast %add3A_1279 : i32 to index
            %swap3A_1282 = arith.constant 32 : index
            %swap3A_1283 = tpu.vector_load %arg8[%swap3A_1280, %swap3A_1281, %swap3A_1282] {strides = array<i32>} : memref<8x128x64xf32, #tpu.memory_space<vmem>>, vector<16xf32>,
            tpu.vector_store %arg8[%swap3A_1280, %swap3A_1281, %swap3A_1282], %get3A_1277 {strides = array<i32>} : memref<8x128x64xf32, #tpu.memory_space<vmem>>, vector<16xf32>,
            %get3A_1284 = arith.constant 0 : i32
            %get3A_1285 = arith.index_cast %get3A_1284 : i32 to index
            %get3A_1286 = arith.constant 48 : index
            %get3A_1287 = tpu.vector_load %arg10[%get3A_1285, %get3A_1286] {strides = array<i32>} : memref<1x64xf32, #tpu.memory_space<vmem>>, vector<16xf32>,
            %add3A_1288 = arith.constant 112 : i32
            %add3A_1289 = arith.addi %add3A_1288, %scan3A_1235 : i32
            %swap3A_1290 = arith.index_cast %rem3A_989 : i32 to index
            %swap3A_1291 = arith.index_cast %add3A_1289 : i32 to index
            %swap3A_1292 = arith.constant 48 : index
            %swap3A_1293 = tpu.vector_load %arg8[%swap3A_1290, %swap3A_1291, %swap3A_1292] {strides = array<i32>} : memref<8x128x64xf32, #tpu.memory_space<vmem>>, vector<16xf32>,
            tpu.vector_store %arg8[%swap3A_1290, %swap3A_1291, %swap3A_1292], %get3A_1287 {strides = array<i32>} : memref<8x128x64xf32, #tpu.memory_space<vmem>>, vector<16xf32>,
          } else {
          }
        }
        %scan3A_1234 = arith.constant 16 : i32
      } else {
      }
      %ge3A = arith.constant 4 : i32
      %ge3A_1199 = arith.cmpi sge, %scan3A_988, %ge3A : i32
      %convert_element_type3A_1200 = arith.extui %ge3A_1199 : i1 to i32
      %cond3A_1201 = arith.constant 0 : i32
      %cond3A_1202 = arith.cmpi ne, %convert_element_type3A_1200, %cond3A_1201 : i32
      scf.if %cond3A_1202 {
        %sub3A_1230 = arith.constant 4 : i32
        %sub3A_1231 = arith.subi %scan3A_988, %sub3A_1230 : i32
        %dma_wait3A_1232 = arith.constant 0 : i32
        %dma_wait3A_1233 = arith.constant 0 : i32
        %dma_wait3A_1234 = arith.constant 0 : i32
        %dma_wait3A_1235 = tpu.memref_slice %arg9[%rem3A_991, %dma_wait3A_1232, %dma_wait3A_1233, %dma_wait3A_1234] : memref<4x8x8x128xf32, #tpu.memory_space<vmem>> -> memref<1x8x8x128xf32, #tpu.memory_space<vmem>>
        %dma_wait3A_1236 = tpu.memref_squeeze %dma_wait3A_1235 : memref<1x8x8x128xf32, #tpu.memory_space<vmem>> -> memref<8x8x128xf32, #tpu.memory_space<vmem>>
        %dma_wait3A_1237 = arith.constant 0 : i32
        %dma_wait3A_1238 = arith.constant 0 : i32
        %dma_wait3A_1239 = arith.constant 0 : i32
        %dma_wait3A_1240 = tpu.memref_slice %arg5[%sub3A_1231, %dma_wait3A_1237, %add3A, %dma_wait3A_1238, %dma_wait3A_1239] : memref<50x8x32x8x128xf32, #tpu.memory_space<hbm>> -> memref<1x8x1x8x128xf32, #tpu.memory_space<hbm>>
        %dma_wait3A_1241 = tpu.memref_squeeze %dma_wait3A_1240 : memref<1x8x1x8x128xf32, #tpu.memory_space<hbm>> -> memref<8x8x128xf32, #tpu.memory_space<hbm>>
        %dma_wait3A_1242 = tpu.memref_slice %arg12[%rem3A_991] : memref<4x!tpu.dma_semaphore, #tpu.memory_space<semaphore_mem>> -> memref<1x!tpu.dma_semaphore, #tpu.memory_space<semaphore_mem>>
        %dma_wait3A_1243 = tpu.memref_squeeze %dma_wait3A_1242 : memref<1x!tpu.dma_semaphore, #tpu.memory_space<semaphore_mem>> -> memref<!tpu.dma_semaphore, #tpu.memory_space<semaphore_mem>>
        %dma_wait3A_1244 = arith.constant 0 : i32
        %dma_wait3A_1245 = arith.constant 0 : i32
        %dma_wait3A_1246 = arith.constant 0 : i32
        %dma_wait3A_1247 = tpu.memref_slice %arg5[%sub3A_1231, %dma_wait3A_1244, %add3A, %dma_wait3A_1245, %dma_wait3A_1246] : memref<50x8x32x8x128xf32, #tpu.memory_space<hbm>> -> memref<1x8x1x8x128xf32, #tpu.memory_space<hbm>>
        %dma_wait3A_1248 = tpu.memref_squeeze %dma_wait3A_1247 : memref<1x8x1x8x128xf32, #tpu.memory_space<hbm>> -> memref<8x8x128xf32, #tpu.memory_space<hbm>>
        %dma_wait3A_1249 = arith.constant 0 : i32
        %dma_wait3A_1250 = arith.constant 0 : i32
        %dma_wait3A_1251 = arith.constant 0 : i32
        %dma_wait3A_1252 = tpu.memref_slice %arg9[%rem3A_991, %dma_wait3A_1249, %dma_wait3A_1250, %dma_wait3A_1251] : memref<4x8x8x128xf32, #tpu.memory_space<vmem>> -> memref<1x8x8x128xf32, #tpu.memory_space<vmem>>
        %dma_wait3A_1253 = tpu.memref_squeeze %dma_wait3A_1252 : memref<1x8x8x128xf32, #tpu.memory_space<vmem>> -> memref<8x8x128xf32, #tpu.memory_space<vmem>>
        tpu.wait_dma2 semaphore(%dma_wait3A_1243 : memref<!tpu.dma_semaphore, #tpu.memory_space<semaphore_mem>>) src(%dma_wait3A_1253 : memref<8x8x128xf32, #tpu.memory_space<vmem>>) dst(%dma_wait3A_1248 : memref<8x8x128xf32, #tpu.memory_space<hbm>>)
      } else {
      }
      %scan3A_1203 = arith.constant 0 : i32
      %scan3A_1204 = arith.constant 32 : i32
      %scan3A_1205 = arith.addi %scan3A_1203, %scan3A_1204 : i32
      %scan3A_1206 = arith.constant 1 : i32
      scf.for %scan3A_1230 = %scan3A_1203 to %scan3A_1205 step %scan3A_1206  : i32 {
        %mul3A_1231 = arith.constant 2 : i32
        %mul3A_1232 = arith.muli %mul3A_1231, %scan3A_1230 : i32
        %add3A_1233 = arith.constant 0 : i32
        %add3A_1234 = arith.addi %mul3A_1232, %add3A_1233 : i32
        %add3A_1235 = vector.broadcast %add3A_1234 : i32 to vector<16xi32>
        %add3A_1236 = arith.addi %add3A_1235, %iota3A : vector<16xi32>
        %and3A = arith.constant 63 : i32
        %and3A_1237 = vector.broadcast %and3A : i32 to vector<16xi32>
        %and3A_1238 = arith.andi %add3A_1236, %and3A_1237 : vector<16xi32>
        %shift_right_arithmetic3A = arith.constant 3 : i32
        %shift_right_arithmetic3A_1239 = vector.broadcast %shift_right_arithmetic3A : i32 to vector<16xi32>
        %shift_right_arithmetic3A_1240 = arith.shrsi %and3A_1238, %shift_right_arithmetic3A_1239 : vector<16xi32>
        %and3A_1241 = arith.constant 7 : i32
        %and3A_1242 = vector.broadcast %and3A_1241 : i32 to vector<16xi32>
        %and3A_1243 = arith.andi %and3A_1238, %and3A_1242 : vector<16xi32>
        %add3A_1244 = arith.constant 0 : i32
        %add3A_1245 = vector.broadcast %add3A_1244 : i32 to vector<16xi32>
        %add3A_1246 = arith.addi %add3A_1245, %iota3A : vector<16xi32>
        %gather3A = arith.constant 0 : i32
        %gather3A_1247 = arith.constant 0 : i32
        %gather3A_1248 = tpu.memref_slice %arg8[%rem3A_989, %gather3A, %gather3A_1247] : memref<8x128x64xf32, #tpu.memory_space<vmem>> -> memref<1x128x64xf32, #tpu.memory_space<vmem>>
        %gather3A_1249 = tpu.memref_squeeze %gather3A_1248 : memref<1x128x64xf32, #tpu.memory_space<vmem>> -> memref<128x64xf32, #tpu.memory_space<vmem>>
        %gather3A_1250 = tpu.vector_load_idx %gather3A_1249[%add3A_1246, %and3A_1238] : memref<128x64xf32, #tpu.memory_space<vmem>>[vector<16xi32>, vector<16xi32>], vector<16xf32>,
        %add3A_1251 = arith.constant 16 : i32
        %add3A_1252 = vector.broadcast %add3A_1251 : i32 to vector<16xi32>
        %add3A_1253 = arith.addi %add3A_1252, %iota3A : vector<16xi32>
        %gather3A_1254 = arith.constant 0 : i32
        %gather3A_1255 = arith.constant 0 : i32
        %gather3A_1256 = tpu.memref_slice %arg8[%rem3A_989, %gather3A_1254, %gather3A_1255] : memref<8x128x64xf32, #tpu.memory_space<vmem>> -> memref<1x128x64xf32, #tpu.memory_space<vmem>>
        %gather3A_1257 = tpu.memref_squeeze %gather3A_1256 : memref<1x128x64xf32, #tpu.memory_space<vmem>> -> memref<128x64xf32, #tpu.memory_space<vmem>>
        %gather3A_1258 = tpu.vector_load_idx %gather3A_1257[%add3A_1253, %and3A_1238] : memref<128x64xf32, #tpu.memory_space<vmem>>[vector<16xi32>, vector<16xi32>], vector<16xf32>,
        %add3A_1259 = arith.constant 32 : i32
        %add3A_1260 = vector.broadcast %add3A_1259 : i32 to vector<16xi32>
        %add3A_1261 = arith.addi %add3A_1260, %iota3A : vector<16xi32>
        %gather3A_1262 = arith.constant 0 : i32
        %gather3A_1263 = arith.constant 0 : i32
        %gather3A_1264 = tpu.memref_slice %arg8[%rem3A_989, %gather3A_1262, %gather3A_1263] : memref<8x128x64xf32, #tpu.memory_space<vmem>> -> memref<1x128x64xf32, #tpu.memory_space<vmem>>
        %gather3A_1265 = tpu.memref_squeeze %gather3A_1264 : memref<1x128x64xf32, #tpu.memory_space<vmem>> -> memref<128x64xf32, #tpu.memory_space<vmem>>
        %gather3A_1266 = tpu.vector_load_idx %gather3A_1265[%add3A_1261, %and3A_1238] : memref<128x64xf32, #tpu.memory_space<vmem>>[vector<16xi32>, vector<16xi32>], vector<16xf32>,
        %add3A_1267 = arith.constant 48 : i32
        %add3A_1268 = vector.broadcast %add3A_1267 : i32 to vector<16xi32>
        %add3A_1269 = arith.addi %add3A_1268, %iota3A : vector<16xi32>
        %gather3A_1270 = arith.constant 0 : i32
        %gather3A_1271 = arith.constant 0 : i32
        %gather3A_1272 = tpu.memref_slice %arg8[%rem3A_989, %gather3A_1270, %gather3A_1271] : memref<8x128x64xf32, #tpu.memory_space<vmem>> -> memref<1x128x64xf32, #tpu.memory_space<vmem>>
        %gather3A_1273 = tpu.memref_squeeze %gather3A_1272 : memref<1x128x64xf32, #tpu.memory_space<vmem>> -> memref<128x64xf32, #tpu.memory_space<vmem>>
        %gather3A_1274 = tpu.vector_load_idx %gather3A_1273[%add3A_1269, %and3A_1238] : memref<128x64xf32, #tpu.memory_space<vmem>>[vector<16xi32>, vector<16xi32>], vector<16xf32>,
        %add3A_1275 = arith.constant 64 : i32
        %add3A_1276 = vector.broadcast %add3A_1275 : i32 to vector<16xi32>
        %add3A_1277 = arith.addi %add3A_1276, %iota3A : vector<16xi32>
        %gather3A_1278 = arith.constant 0 : i32
        %gather3A_1279 = arith.constant 0 : i32
        %gather3A_1280 = tpu.memref_slice %arg8[%rem3A_989, %gather3A_1278, %gather3A_1279] : memref<8x128x64xf32, #tpu.memory_space<vmem>> -> memref<1x128x64xf32, #tpu.memory_space<vmem>>
        %gather3A_1281 = tpu.memref_squeeze %gather3A_1280 : memref<1x128x64xf32, #tpu.memory_space<vmem>> -> memref<128x64xf32, #tpu.memory_space<vmem>>
        %gather3A_1282 = tpu.vector_load_idx %gather3A_1281[%add3A_1277, %and3A_1238] : memref<128x64xf32, #tpu.memory_space<vmem>>[vector<16xi32>, vector<16xi32>], vector<16xf32>,
        %add3A_1283 = arith.constant 80 : i32
        %add3A_1284 = vector.broadcast %add3A_1283 : i32 to vector<16xi32>
        %add3A_1285 = arith.addi %add3A_1284, %iota3A : vector<16xi32>
        %gather3A_1286 = arith.constant 0 : i32
        %gather3A_1287 = arith.constant 0 : i32
        %gather3A_1288 = tpu.memref_slice %arg8[%rem3A_989, %gather3A_1286, %gather3A_1287] : memref<8x128x64xf32, #tpu.memory_space<vmem>> -> memref<1x128x64xf32, #tpu.memory_space<vmem>>
        %gather3A_1289 = tpu.memref_squeeze %gather3A_1288 : memref<1x128x64xf32, #tpu.memory_space<vmem>> -> memref<128x64xf32, #tpu.memory_space<vmem>>
        %gather3A_1290 = tpu.vector_load_idx %gather3A_1289[%add3A_1285, %and3A_1238] : memref<128x64xf32, #tpu.memory_space<vmem>>[vector<16xi32>, vector<16xi32>], vector<16xf32>,
        %add3A_1291 = arith.constant 96 : i32
        %add3A_1292 = vector.broadcast %add3A_1291 : i32 to vector<16xi32>
        %add3A_1293 = arith.addi %add3A_1292, %iota3A : vector<16xi32>
        %gather3A_1294 = arith.constant 0 : i32
        %gather3A_1295 = arith.constant 0 : i32
        %gather3A_1296 = tpu.memref_slice %arg8[%rem3A_989, %gather3A_1294, %gather3A_1295] : memref<8x128x64xf32, #tpu.memory_space<vmem>> -> memref<1x128x64xf32, #tpu.memory_space<vmem>>
        %gather3A_1297 = tpu.memref_squeeze %gather3A_1296 : memref<1x128x64xf32, #tpu.memory_space<vmem>> -> memref<128x64xf32, #tpu.memory_space<vmem>>
        %gather3A_1298 = tpu.vector_load_idx %gather3A_1297[%add3A_1293, %and3A_1238] : memref<128x64xf32, #tpu.memory_space<vmem>>[vector<16xi32>, vector<16xi32>], vector<16xf32>,
        %add3A_1299 = arith.constant 112 : i32
        %add3A_1300 = vector.broadcast %add3A_1299 : i32 to vector<16xi32>
        %add3A_1301 = arith.addi %add3A_1300, %iota3A : vector<16xi32>
        %gather3A_1302 = arith.constant 0 : i32
        %gather3A_1303 = arith.constant 0 : i32
        %gather3A_1304 = tpu.memref_slice %arg8[%rem3A_989, %gather3A_1302, %gather3A_1303] : memref<8x128x64xf32, #tpu.memory_space<vmem>> -> memref<1x128x64xf32, #tpu.memory_space<vmem>>
        %gather3A_1305 = tpu.memref_squeeze %gather3A_1304 : memref<1x128x64xf32, #tpu.memory_space<vmem>> -> memref<128x64xf32, #tpu.memory_space<vmem>>
        %gather3A_1306 = tpu.vector_load_idx %gather3A_1305[%add3A_1301, %and3A_1238] : memref<128x64xf32, #tpu.memory_space<vmem>>[vector<16xi32>, vector<16xi32>], vector<16xf32>,
        %add3A_1307 = arith.constant 1 : i32
        %add3A_1308 = arith.addi %mul3A_1232, %add3A_1307 : i32
        %add3A_1309 = vector.broadcast %add3A_1308 : i32 to vector<16xi32>
        %add3A_1310 = arith.addi %add3A_1309, %iota3A : vector<16xi32>
        %and3A_1311 = arith.constant 63 : i32
        %and3A_1312 = vector.broadcast %and3A_1311 : i32 to vector<16xi32>
        %and3A_1313 = arith.andi %add3A_1310, %and3A_1312 : vector<16xi32>
        %shift_right_arithmetic3A_1314 = arith.constant 3 : i32
        %shift_right_arithmetic3A_1315 = vector.broadcast %shift_right_arithmetic3A_1314 : i32 to vector<16xi32>
        %shift_right_arithmetic3A_1316 = arith.shrsi %and3A_1313, %shift_right_arithmetic3A_1315 : vector<16xi32>
        %and3A_1317 = arith.constant 7 : i32
        %and3A_1318 = vector.broadcast %and3A_1317 : i32 to vector<16xi32>
        %and3A_1319 = arith.andi %and3A_1313, %and3A_1318 : vector<16xi32>
        %add3A_1320 = arith.constant 0 : i32
        %add3A_1321 = vector.broadcast %add3A_1320 : i32 to vector<16xi32>
        %add3A_1322 = arith.addi %add3A_1321, %iota3A : vector<16xi32>
        %gather3A_1323 = arith.constant 0 : i32
        %gather3A_1324 = arith.constant 0 : i32
        %gather3A_1325 = tpu.memref_slice %arg8[%rem3A_989, %gather3A_1323, %gather3A_1324] : memref<8x128x64xf32, #tpu.memory_space<vmem>> -> memref<1x128x64xf32, #tpu.memory_space<vmem>>
        %gather3A_1326 = tpu.memref_squeeze %gather3A_1325 : memref<1x128x64xf32, #tpu.memory_space<vmem>> -> memref<128x64xf32, #tpu.memory_space<vmem>>
        %gather3A_1327 = tpu.vector_load_idx %gather3A_1326[%add3A_1322, %and3A_1313] : memref<128x64xf32, #tpu.memory_space<vmem>>[vector<16xi32>, vector<16xi32>], vector<16xf32>,
        %add3A_1328 = arith.constant 16 : i32
        %add3A_1329 = vector.broadcast %add3A_1328 : i32 to vector<16xi32>
        %add3A_1330 = arith.addi %add3A_1329, %iota3A : vector<16xi32>
        %gather3A_1331 = arith.constant 0 : i32
        %gather3A_1332 = arith.constant 0 : i32
        %gather3A_1333 = tpu.memref_slice %arg8[%rem3A_989, %gather3A_1331, %gather3A_1332] : memref<8x128x64xf32, #tpu.memory_space<vmem>> -> memref<1x128x64xf32, #tpu.memory_space<vmem>>
        %gather3A_1334 = tpu.memref_squeeze %gather3A_1333 : memref<1x128x64xf32, #tpu.memory_space<vmem>> -> memref<128x64xf32, #tpu.memory_space<vmem>>
        %gather3A_1335 = tpu.vector_load_idx %gather3A_1334[%add3A_1330, %and3A_1313] : memref<128x64xf32, #tpu.memory_space<vmem>>[vector<16xi32>, vector<16xi32>], vector<16xf32>,
        %add3A_1336 = arith.constant 32 : i32
        %add3A_1337 = vector.broadcast %add3A_1336 : i32 to vector<16xi32>
        %add3A_1338 = arith.addi %add3A_1337, %iota3A : vector<16xi32>
        %gather3A_1339 = arith.constant 0 : i32
        %gather3A_1340 = arith.constant 0 : i32
        %gather3A_1341 = tpu.memref_slice %arg8[%rem3A_989, %gather3A_1339, %gather3A_1340] : memref<8x128x64xf32, #tpu.memory_space<vmem>> -> memref<1x128x64xf32, #tpu.memory_space<vmem>>
        %gather3A_1342 = tpu.memref_squeeze %gather3A_1341 : memref<1x128x64xf32, #tpu.memory_space<vmem>> -> memref<128x64xf32, #tpu.memory_space<vmem>>
        %gather3A_1343 = tpu.vector_load_idx %gather3A_1342[%add3A_1338, %and3A_1313] : memref<128x64xf32, #tpu.memory_space<vmem>>[vector<16xi32>, vector<16xi32>], vector<16xf32>,
        %add3A_1344 = arith.constant 48 : i32
        %add3A_1345 = vector.broadcast %add3A_1344 : i32 to vector<16xi32>
        %add3A_1346 = arith.addi %add3A_1345, %iota3A : vector<16xi32>
        %gather3A_1347 = arith.constant 0 : i32
        %gather3A_1348 = arith.constant 0 : i32
        %gather3A_1349 = tpu.memref_slice %arg8[%rem3A_989, %gather3A_1347, %gather3A_1348] : memref<8x128x64xf32, #tpu.memory_space<vmem>> -> memref<1x128x64xf32, #tpu.memory_space<vmem>>
        %gather3A_1350 = tpu.memref_squeeze %gather3A_1349 : memref<1x128x64xf32, #tpu.memory_space<vmem>> -> memref<128x64xf32, #tpu.memory_space<vmem>>
        %gather3A_1351 = tpu.vector_load_idx %gather3A_1350[%add3A_1346, %and3A_1313] : memref<128x64xf32, #tpu.memory_space<vmem>>[vector<16xi32>, vector<16xi32>], vector<16xf32>,
        %add3A_1352 = arith.constant 64 : i32
        %add3A_1353 = vector.broadcast %add3A_1352 : i32 to vector<16xi32>
        %add3A_1354 = arith.addi %add3A_1353, %iota3A : vector<16xi32>
        %gather3A_1355 = arith.constant 0 : i32
        %gather3A_1356 = arith.constant 0 : i32
        %gather3A_1357 = tpu.memref_slice %arg8[%rem3A_989, %gather3A_1355, %gather3A_1356] : memref<8x128x64xf32, #tpu.memory_space<vmem>> -> memref<1x128x64xf32, #tpu.memory_space<vmem>>
        %gather3A_1358 = tpu.memref_squeeze %gather3A_1357 : memref<1x128x64xf32, #tpu.memory_space<vmem>> -> memref<128x64xf32, #tpu.memory_space<vmem>>
        %gather3A_1359 = tpu.vector_load_idx %gather3A_1358[%add3A_1354, %and3A_1313] : memref<128x64xf32, #tpu.memory_space<vmem>>[vector<16xi32>, vector<16xi32>], vector<16xf32>,
        %add3A_1360 = arith.constant 80 : i32
        %add3A_1361 = vector.broadcast %add3A_1360 : i32 to vector<16xi32>
        %add3A_1362 = arith.addi %add3A_1361, %iota3A : vector<16xi32>
        %gather3A_1363 = arith.constant 0 : i32
        %gather3A_1364 = arith.constant 0 : i32
        %gather3A_1365 = tpu.memref_slice %arg8[%rem3A_989, %gather3A_1363, %gather3A_1364] : memref<8x128x64xf32, #tpu.memory_space<vmem>> -> memref<1x128x64xf32, #tpu.memory_space<vmem>>
        %gather3A_1366 = tpu.memref_squeeze %gather3A_1365 : memref<1x128x64xf32, #tpu.memory_space<vmem>> -> memref<128x64xf32, #tpu.memory_space<vmem>>
        %gather3A_1367 = tpu.vector_load_idx %gather3A_1366[%add3A_1362, %and3A_1313] : memref<128x64xf32, #tpu.memory_space<vmem>>[vector<16xi32>, vector<16xi32>], vector<16xf32>,
        %add3A_1368 = arith.constant 96 : i32
        %add3A_1369 = vector.broadcast %add3A_1368 : i32 to vector<16xi32>
        %add3A_1370 = arith.addi %add3A_1369, %iota3A : vector<16xi32>
        %gather3A_1371 = arith.constant 0 : i32
        %gather3A_1372 = arith.constant 0 : i32
        %gather3A_1373 = tpu.memref_slice %arg8[%rem3A_989, %gather3A_1371, %gather3A_1372] : memref<8x128x64xf32, #tpu.memory_space<vmem>> -> memref<1x128x64xf32, #tpu.memory_space<vmem>>
        %gather3A_1374 = tpu.memref_squeeze %gather3A_1373 : memref<1x128x64xf32, #tpu.memory_space<vmem>> -> memref<128x64xf32, #tpu.memory_space<vmem>>
        %gather3A_1375 = tpu.vector_load_idx %gather3A_1374[%add3A_1370, %and3A_1313] : memref<128x64xf32, #tpu.memory_space<vmem>>[vector<16xi32>, vector<16xi32>], vector<16xf32>,
        %add3A_1376 = arith.constant 112 : i32
        %add3A_1377 = vector.broadcast %add3A_1376 : i32 to vector<16xi32>
        %add3A_1378 = arith.addi %add3A_1377, %iota3A : vector<16xi32>
        %gather3A_1379 = arith.constant 0 : i32
        %gather3A_1380 = arith.constant 0 : i32
        %gather3A_1381 = tpu.memref_slice %arg8[%rem3A_989, %gather3A_1379, %gather3A_1380] : memref<8x128x64xf32, #tpu.memory_space<vmem>> -> memref<1x128x64xf32, #tpu.memory_space<vmem>>
        %gather3A_1382 = tpu.memref_squeeze %gather3A_1381 : memref<1x128x64xf32, #tpu.memory_space<vmem>> -> memref<128x64xf32, #tpu.memory_space<vmem>>
        %gather3A_1383 = tpu.vector_load_idx %gather3A_1382[%add3A_1378, %and3A_1313] : memref<128x64xf32, #tpu.memory_space<vmem>>[vector<16xi32>, vector<16xi32>], vector<16xf32>,
        %scatter3A = arith.constant 0 : i32
        %scatter3A_1384 = arith.constant 0 : i32
        %scatter3A_1385 = arith.constant 0 : i32
        %scatter3A_1386 = tpu.memref_slice %arg9[%rem3A_991, %scatter3A, %scatter3A_1384, %scatter3A_1385] : memref<4x8x8x128xf32, #tpu.memory_space<vmem>> -> memref<1x8x8x128xf32, #tpu.memory_space<vmem>>
        %scatter3A_1387 = tpu.memref_squeeze %scatter3A_1386 : memref<1x8x8x128xf32, #tpu.memory_space<vmem>> -> memref<8x8x128xf32, #tpu.memory_space<vmem>>
        tpu.vector_store_idx %scatter3A_1387[%shift_right_arithmetic3A_1240, %and3A_1243, %add3A_1246], %gather3A_1250 : memref<8x8x128xf32, #tpu.memory_space<vmem>>[vector<16xi32>, vector<16xi32>, vector<16xi32>], vector<16xf32>,
        %scatter3A_1388 = arith.constant 0 : i32
        %scatter3A_1389 = arith.constant 0 : i32
        %scatter3A_1390 = arith.constant 0 : i32
        %scatter3A_1391 = tpu.memref_slice %arg9[%rem3A_991, %scatter3A_1388, %scatter3A_1389, %scatter3A_1390] : memref<4x8x8x128xf32, #tpu.memory_space<vmem>> -> memref<1x8x8x128xf32, #tpu.memory_space<vmem>>
        %scatter3A_1392 = tpu.memref_squeeze %scatter3A_1391 : memref<1x8x8x128xf32, #tpu.memory_space<vmem>> -> memref<8x8x128xf32, #tpu.memory_space<vmem>>
        tpu.vector_store_idx %scatter3A_1392[%shift_right_arithmetic3A_1240, %and3A_1243, %add3A_1253], %gather3A_1258 : memref<8x8x128xf32, #tpu.memory_space<vmem>>[vector<16xi32>, vector<16xi32>, vector<16xi32>], vector<16xf32>,
        %scatter3A_1393 = arith.constant 0 : i32
        %scatter3A_1394 = arith.constant 0 : i32
        %scatter3A_1395 = arith.constant 0 : i32
        %scatter3A_1396 = tpu.memref_slice %arg9[%rem3A_991, %scatter3A_1393, %scatter3A_1394, %scatter3A_1395] : memref<4x8x8x128xf32, #tpu.memory_space<vmem>> -> memref<1x8x8x128xf32, #tpu.memory_space<vmem>>
        %scatter3A_1397 = tpu.memref_squeeze %scatter3A_1396 : memref<1x8x8x128xf32, #tpu.memory_space<vmem>> -> memref<8x8x128xf32, #tpu.memory_space<vmem>>
        tpu.vector_store_idx %scatter3A_1397[%shift_right_arithmetic3A_1240, %and3A_1243, %add3A_1261], %gather3A_1266 : memref<8x8x128xf32, #tpu.memory_space<vmem>>[vector<16xi32>, vector<16xi32>, vector<16xi32>], vector<16xf32>,
        %scatter3A_1398 = arith.constant 0 : i32
        %scatter3A_1399 = arith.constant 0 : i32
        %scatter3A_1400 = arith.constant 0 : i32
        %scatter3A_1401 = tpu.memref_slice %arg9[%rem3A_991, %scatter3A_1398, %scatter3A_1399, %scatter3A_1400] : memref<4x8x8x128xf32, #tpu.memory_space<vmem>> -> memref<1x8x8x128xf32, #tpu.memory_space<vmem>>
        %scatter3A_1402 = tpu.memref_squeeze %scatter3A_1401 : memref<1x8x8x128xf32, #tpu.memory_space<vmem>> -> memref<8x8x128xf32, #tpu.memory_space<vmem>>
        tpu.vector_store_idx %scatter3A_1402[%shift_right_arithmetic3A_1240, %and3A_1243, %add3A_1269], %gather3A_1274 : memref<8x8x128xf32, #tpu.memory_space<vmem>>[vector<16xi32>, vector<16xi32>, vector<16xi32>], vector<16xf32>,
        %scatter3A_1403 = arith.constant 0 : i32
        %scatter3A_1404 = arith.constant 0 : i32
        %scatter3A_1405 = arith.constant 0 : i32
        %scatter3A_1406 = tpu.memref_slice %arg9[%rem3A_991, %scatter3A_1403, %scatter3A_1404, %scatter3A_1405] : memref<4x8x8x128xf32, #tpu.memory_space<vmem>> -> memref<1x8x8x128xf32, #tpu.memory_space<vmem>>
        %scatter3A_1407 = tpu.memref_squeeze %scatter3A_1406 : memref<1x8x8x128xf32, #tpu.memory_space<vmem>> -> memref<8x8x128xf32, #tpu.memory_space<vmem>>
        tpu.vector_store_idx %scatter3A_1407[%shift_right_arithmetic3A_1240, %and3A_1243, %add3A_1277], %gather3A_1282 : memref<8x8x128xf32, #tpu.memory_space<vmem>>[vector<16xi32>, vector<16xi32>, vector<16xi32>], vector<16xf32>,
        %scatter3A_1408 = arith.constant 0 : i32
        %scatter3A_1409 = arith.constant 0 : i32
        %scatter3A_1410 = arith.constant 0 : i32
        %scatter3A_1411 = tpu.memref_slice %arg9[%rem3A_991, %scatter3A_1408, %scatter3A_1409, %scatter3A_1410] : memref<4x8x8x128xf32, #tpu.memory_space<vmem>> -> memref<1x8x8x128xf32, #tpu.memory_space<vmem>>
        %scatter3A_1412 = tpu.memref_squeeze %scatter3A_1411 : memref<1x8x8x128xf32, #tpu.memory_space<vmem>> -> memref<8x8x128xf32, #tpu.memory_space<vmem>>
        tpu.vector_store_idx %scatter3A_1412[%shift_right_arithmetic3A_1240, %and3A_1243, %add3A_1285], %gather3A_1290 : memref<8x8x128xf32, #tpu.memory_space<vmem>>[vector<16xi32>, vector<16xi32>, vector<16xi32>], vector<16xf32>,
        %scatter3A_1413 = arith.constant 0 : i32
        %scatter3A_1414 = arith.constant 0 : i32
        %scatter3A_1415 = arith.constant 0 : i32
        %scatter3A_1416 = tpu.memref_slice %arg9[%rem3A_991, %scatter3A_1413, %scatter3A_1414, %scatter3A_1415] : memref<4x8x8x128xf32, #tpu.memory_space<vmem>> -> memref<1x8x8x128xf32, #tpu.memory_space<vmem>>
        %scatter3A_1417 = tpu.memref_squeeze %scatter3A_1416 : memref<1x8x8x128xf32, #tpu.memory_space<vmem>> -> memref<8x8x128xf32, #tpu.memory_space<vmem>>
        tpu.vector_store_idx %scatter3A_1417[%shift_right_arithmetic3A_1240, %and3A_1243, %add3A_1293], %gather3A_1298 : memref<8x8x128xf32, #tpu.memory_space<vmem>>[vector<16xi32>, vector<16xi32>, vector<16xi32>], vector<16xf32>,
        %scatter3A_1418 = arith.constant 0 : i32
        %scatter3A_1419 = arith.constant 0 : i32
        %scatter3A_1420 = arith.constant 0 : i32
        %scatter3A_1421 = tpu.memref_slice %arg9[%rem3A_991, %scatter3A_1418, %scatter3A_1419, %scatter3A_1420] : memref<4x8x8x128xf32, #tpu.memory_space<vmem>> -> memref<1x8x8x128xf32, #tpu.memory_space<vmem>>
        %scatter3A_1422 = tpu.memref_squeeze %scatter3A_1421 : memref<1x8x8x128xf32, #tpu.memory_space<vmem>> -> memref<8x8x128xf32, #tpu.memory_space<vmem>>
        tpu.vector_store_idx %scatter3A_1422[%shift_right_arithmetic3A_1240, %and3A_1243, %add3A_1301], %gather3A_1306 : memref<8x8x128xf32, #tpu.memory_space<vmem>>[vector<16xi32>, vector<16xi32>, vector<16xi32>], vector<16xf32>,
        %scatter3A_1423 = arith.constant 0 : i32
        %scatter3A_1424 = arith.constant 0 : i32
        %scatter3A_1425 = arith.constant 0 : i32
        %scatter3A_1426 = tpu.memref_slice %arg9[%rem3A_991, %scatter3A_1423, %scatter3A_1424, %scatter3A_1425] : memref<4x8x8x128xf32, #tpu.memory_space<vmem>> -> memref<1x8x8x128xf32, #tpu.memory_space<vmem>>
        %scatter3A_1427 = tpu.memref_squeeze %scatter3A_1426 : memref<1x8x8x128xf32, #tpu.memory_space<vmem>> -> memref<8x8x128xf32, #tpu.memory_space<vmem>>
        tpu.vector_store_idx %scatter3A_1427[%shift_right_arithmetic3A_1316, %and3A_1319, %add3A_1322], %gather3A_1327 : memref<8x8x128xf32, #tpu.memory_space<vmem>>[vector<16xi32>, vector<16xi32>, vector<16xi32>], vector<16xf32>,
        %scatter3A_1428 = arith.constant 0 : i32
        %scatter3A_1429 = arith.constant 0 : i32
        %scatter3A_1430 = arith.constant 0 : i32
        %scatter3A_1431 = tpu.memref_slice %arg9[%rem3A_991, %scatter3A_1428, %scatter3A_1429, %scatter3A_1430] : memref<4x8x8x128xf32, #tpu.memory_space<vmem>> -> memref<1x8x8x128xf32, #tpu.memory_space<vmem>>
        %scatter3A_1432 = tpu.memref_squeeze %scatter3A_1431 : memref<1x8x8x128xf32, #tpu.memory_space<vmem>> -> memref<8x8x128xf32, #tpu.memory_space<vmem>>
        tpu.vector_store_idx %scatter3A_1432[%shift_right_arithmetic3A_1316, %and3A_1319, %add3A_1330], %gather3A_1335 : memref<8x8x128xf32, #tpu.memory_space<vmem>>[vector<16xi32>, vector<16xi32>, vector<16xi32>], vector<16xf32>,
        %scatter3A_1433 = arith.constant 0 : i32
        %scatter3A_1434 = arith.constant 0 : i32
        %scatter3A_1435 = arith.constant 0 : i32
        %scatter3A_1436 = tpu.memref_slice %arg9[%rem3A_991, %scatter3A_1433, %scatter3A_1434, %scatter3A_1435] : memref<4x8x8x128xf32, #tpu.memory_space<vmem>> -> memref<1x8x8x128xf32, #tpu.memory_space<vmem>>
        %scatter3A_1437 = tpu.memref_squeeze %scatter3A_1436 : memref<1x8x8x128xf32, #tpu.memory_space<vmem>> -> memref<8x8x128xf32, #tpu.memory_space<vmem>>
        tpu.vector_store_idx %scatter3A_1437[%shift_right_arithmetic3A_1316, %and3A_1319, %add3A_1338], %gather3A_1343 : memref<8x8x128xf32, #tpu.memory_space<vmem>>[vector<16xi32>, vector<16xi32>, vector<16xi32>], vector<16xf32>,
        %scatter3A_1438 = arith.constant 0 : i32
        %scatter3A_1439 = arith.constant 0 : i32
        %scatter3A_1440 = arith.constant 0 : i32
        %scatter3A_1441 = tpu.memref_slice %arg9[%rem3A_991, %scatter3A_1438, %scatter3A_1439, %scatter3A_1440] : memref<4x8x8x128xf32, #tpu.memory_space<vmem>> -> memref<1x8x8x128xf32, #tpu.memory_space<vmem>>
        %scatter3A_1442 = tpu.memref_squeeze %scatter3A_1441 : memref<1x8x8x128xf32, #tpu.memory_space<vmem>> -> memref<8x8x128xf32, #tpu.memory_space<vmem>>
        tpu.vector_store_idx %scatter3A_1442[%shift_right_arithmetic3A_1316, %and3A_1319, %add3A_1346], %gather3A_1351 : memref<8x8x128xf32, #tpu.memory_space<vmem>>[vector<16xi32>, vector<16xi32>, vector<16xi32>], vector<16xf32>,
        %scatter3A_1443 = arith.constant 0 : i32
        %scatter3A_1444 = arith.constant 0 : i32
        %scatter3A_1445 = arith.constant 0 : i32
        %scatter3A_1446 = tpu.memref_slice %arg9[%rem3A_991, %scatter3A_1443, %scatter3A_1444, %scatter3A_1445] : memref<4x8x8x128xf32, #tpu.memory_space<vmem>> -> memref<1x8x8x128xf32, #tpu.memory_space<vmem>>
        %scatter3A_1447 = tpu.memref_squeeze %scatter3A_1446 : memref<1x8x8x128xf32, #tpu.memory_space<vmem>> -> memref<8x8x128xf32, #tpu.memory_space<vmem>>
        tpu.vector_store_idx %scatter3A_1447[%shift_right_arithmetic3A_1316, %and3A_1319, %add3A_1354], %gather3A_1359 : memref<8x8x128xf32, #tpu.memory_space<vmem>>[vector<16xi32>, vector<16xi32>, vector<16xi32>], vector<16xf32>,
        %scatter3A_1448 = arith.constant 0 : i32
        %scatter3A_1449 = arith.constant 0 : i32
        %scatter3A_1450 = arith.constant 0 : i32
        %scatter3A_1451 = tpu.memref_slice %arg9[%rem3A_991, %scatter3A_1448, %scatter3A_1449, %scatter3A_1450] : memref<4x8x8x128xf32, #tpu.memory_space<vmem>> -> memref<1x8x8x128xf32, #tpu.memory_space<vmem>>
        %scatter3A_1452 = tpu.memref_squeeze %scatter3A_1451 : memref<1x8x8x128xf32, #tpu.memory_space<vmem>> -> memref<8x8x128xf32, #tpu.memory_space<vmem>>
        tpu.vector_store_idx %scatter3A_1452[%shift_right_arithmetic3A_1316, %and3A_1319, %add3A_1362], %gather3A_1367 : memref<8x8x128xf32, #tpu.memory_space<vmem>>[vector<16xi32>, vector<16xi32>, vector<16xi32>], vector<16xf32>,
        %scatter3A_1453 = arith.constant 0 : i32
        %scatter3A_1454 = arith.constant 0 : i32
        %scatter3A_1455 = arith.constant 0 : i32
        %scatter3A_1456 = tpu.memref_slice %arg9[%rem3A_991, %scatter3A_1453, %scatter3A_1454, %scatter3A_1455] : memref<4x8x8x128xf32, #tpu.memory_space<vmem>> -> memref<1x8x8x128xf32, #tpu.memory_space<vmem>>
        %scatter3A_1457 = tpu.memref_squeeze %scatter3A_1456 : memref<1x8x8x128xf32, #tpu.memory_space<vmem>> -> memref<8x8x128xf32, #tpu.memory_space<vmem>>
        tpu.vector_store_idx %scatter3A_1457[%shift_right_arithmetic3A_1316, %and3A_1319, %add3A_1370], %gather3A_1375 : memref<8x8x128xf32, #tpu.memory_space<vmem>>[vector<16xi32>, vector<16xi32>, vector<16xi32>], vector<16xf32>,
        %scatter3A_1458 = arith.constant 0 : i32
        %scatter3A_1459 = arith.constant 0 : i32
        %scatter3A_1460 = arith.constant 0 : i32
        %scatter3A_1461 = tpu.memref_slice %arg9[%rem3A_991, %scatter3A_1458, %scatter3A_1459, %scatter3A_1460] : memref<4x8x8x128xf32, #tpu.memory_space<vmem>> -> memref<1x8x8x128xf32, #tpu.memory_space<vmem>>
        %scatter3A_1462 = tpu.memref_squeeze %scatter3A_1461 : memref<1x8x8x128xf32, #tpu.memory_space<vmem>> -> memref<8x8x128xf32, #tpu.memory_space<vmem>>
        tpu.vector_store_idx %scatter3A_1462[%shift_right_arithmetic3A_1316, %and3A_1319, %add3A_1378], %gather3A_1383 : memref<8x8x128xf32, #tpu.memory_space<vmem>>[vector<16xi32>, vector<16xi32>, vector<16xi32>], vector<16xf32>,
      }
      %scan3A_1207 = arith.constant 32 : i32
      %dma_start3A_1208 = arith.constant 0 : i32
      %dma_start3A_1209 = arith.constant 0 : i32
      %dma_start3A_1210 = arith.constant 0 : i32
      %dma_start3A_1211 = tpu.memref_slice %arg9[%rem3A_991, %dma_start3A_1208, %dma_start3A_1209, %dma_start3A_1210] : memref<4x8x8x128xf32, #tpu.memory_space<vmem>> -> memref<1x8x8x128xf32, #tpu.memory_space<vmem>>
      %dma_start3A_1212 = tpu.memref_squeeze %dma_start3A_1211 : memref<1x8x8x128xf32, #tpu.memory_space<vmem>> -> memref<8x8x128xf32, #tpu.memory_space<vmem>>
      %dma_start3A_1213 = arith.constant 0 : i32
      %dma_start3A_1214 = arith.constant 0 : i32
      %dma_start3A_1215 = arith.constant 0 : i32
      %dma_start3A_1216 = tpu.memref_slice %arg5[%scan3A_988, %dma_start3A_1213, %add3A, %dma_start3A_1214, %dma_start3A_1215] : memref<50x8x32x8x128xf32, #tpu.memory_space<hbm>> -> memref<1x8x1x8x128xf32, #tpu.memory_space<hbm>>
      %dma_start3A_1217 = tpu.memref_squeeze %dma_start3A_1216 : memref<1x8x1x8x128xf32, #tpu.memory_space<hbm>> -> memref<8x8x128xf32, #tpu.memory_space<hbm>>
      %dma_start3A_1218 = tpu.memref_slice %arg12[%rem3A_991] : memref<4x!tpu.dma_semaphore, #tpu.memory_space<semaphore_mem>> -> memref<1x!tpu.dma_semaphore, #tpu.memory_space<semaphore_mem>>
      %dma_start3A_1219 = tpu.memref_squeeze %dma_start3A_1218 : memref<1x!tpu.dma_semaphore, #tpu.memory_space<semaphore_mem>> -> memref<!tpu.dma_semaphore, #tpu.memory_space<semaphore_mem>>
      %dma_start3A_1220 = arith.constant 0 : i32
      %dma_start3A_1221 = arith.constant 0 : i32
      %dma_start3A_1222 = arith.constant 0 : i32
      %dma_start3A_1223 = tpu.memref_slice %arg5[%scan3A_988, %dma_start3A_1220, %add3A, %dma_start3A_1221, %dma_start3A_1222] : memref<50x8x32x8x128xf32, #tpu.memory_space<hbm>> -> memref<1x8x1x8x128xf32, #tpu.memory_space<hbm>>
      %dma_start3A_1224 = tpu.memref_squeeze %dma_start3A_1223 : memref<1x8x1x8x128xf32, #tpu.memory_space<hbm>> -> memref<8x8x128xf32, #tpu.memory_space<hbm>>
      %dma_start3A_1225 = arith.constant 0 : i32
      %dma_start3A_1226 = arith.constant 0 : i32
      %dma_start3A_1227 = arith.constant 0 : i32
      %dma_start3A_1228 = tpu.memref_slice %arg9[%rem3A_991, %dma_start3A_1225, %dma_start3A_1226, %dma_start3A_1227] : memref<4x8x8x128xf32, #tpu.memory_space<vmem>> -> memref<1x8x8x128xf32, #tpu.memory_space<vmem>>
      %dma_start3A_1229 = tpu.memref_squeeze %dma_start3A_1228 : memref<1x8x8x128xf32, #tpu.memory_space<vmem>> -> memref<8x8x128xf32, #tpu.memory_space<vmem>>
      tpu.enqueue_dma source(%dma_start3A_1229 : memref<8x8x128xf32, #tpu.memory_space<vmem>>) target(%dma_start3A_1224 : memref<8x8x128xf32, #tpu.memory_space<hbm>>) target_semaphore(%dma_start3A_1219 : memref<!tpu.dma_semaphore, #tpu.memory_space<semaphore_mem>>)
    }
    %scan3A_888 = arith.constant 50 : i32
    %dma_wait3A = arith.constant 2 : i32
    %dma_wait3A_889 = arith.constant 46 : i32
    %dma_wait3A_890 = arith.constant 2 : i32
    %dma_wait3A_891 = arith.constant 0 : i32
    %dma_wait3A_892 = arith.constant 0 : i32
    %dma_wait3A_893 = arith.constant 0 : i32
    %dma_wait3A_894 = tpu.memref_slice %arg9[%dma_wait3A, %dma_wait3A_891, %dma_wait3A_892, %dma_wait3A_893] : memref<4x8x8x128xf32, #tpu.memory_space<vmem>> -> memref<1x8x8x128xf32, #tpu.memory_space<vmem>>
    %dma_wait3A_895 = tpu.memref_squeeze %dma_wait3A_894 : memref<1x8x8x128xf32, #tpu.memory_space<vmem>> -> memref<8x8x128xf32, #tpu.memory_space<vmem>>
    %dma_wait3A_896 = arith.constant 0 : i32
    %dma_wait3A_897 = arith.constant 0 : i32
    %dma_wait3A_898 = arith.constant 0 : i32
    %dma_wait3A_899 = tpu.memref_slice %arg5[%dma_wait3A_889, %dma_wait3A_896, %add3A, %dma_wait3A_897, %dma_wait3A_898] : memref<50x8x32x8x128xf32, #tpu.memory_space<hbm>> -> memref<1x8x1x8x128xf32, #tpu.memory_space<hbm>>
    %dma_wait3A_900 = tpu.memref_squeeze %dma_wait3A_899 : memref<1x8x1x8x128xf32, #tpu.memory_space<hbm>> -> memref<8x8x128xf32, #tpu.memory_space<hbm>>
    %dma_wait3A_901 = tpu.memref_slice %arg12[%dma_wait3A_890] : memref<4x!tpu.dma_semaphore, #tpu.memory_space<semaphore_mem>> -> memref<1x!tpu.dma_semaphore, #tpu.memory_space<semaphore_mem>>
    %dma_wait3A_902 = tpu.memref_squeeze %dma_wait3A_901 : memref<1x!tpu.dma_semaphore, #tpu.memory_space<semaphore_mem>> -> memref<!tpu.dma_semaphore, #tpu.memory_space<semaphore_mem>>
    %dma_wait3A_903 = arith.constant 0 : i32
    %dma_wait3A_904 = arith.constant 0 : i32
    %dma_wait3A_905 = arith.constant 0 : i32
    %dma_wait3A_906 = tpu.memref_slice %arg5[%dma_wait3A_889, %dma_wait3A_903, %add3A, %dma_wait3A_904, %dma_wait3A_905] : memref<50x8x32x8x128xf32, #tpu.memory_space<hbm>> -> memref<1x8x1x8x128xf32, #tpu.memory_space<hbm>>
    %dma_wait3A_907 = tpu.memref_squeeze %dma_wait3A_906 : memref<1x8x1x8x128xf32, #tpu.memory_space<hbm>> -> memref<8x8x128xf32, #tpu.memory_space<hbm>>
    %dma_wait3A_908 = arith.constant 0 : i32
    %dma_wait3A_909 = arith.constant 0 : i32
    %dma_wait3A_910 = arith.constant 0 : i32
    %dma_wait3A_911 = tpu.memref_slice %arg9[%dma_wait3A, %dma_wait3A_908, %dma_wait3A_909, %dma_wait3A_910] : memref<4x8x8x128xf32, #tpu.memory_space<vmem>> -> memref<1x8x8x128xf32, #tpu.memory_space<vmem>>
    %dma_wait3A_912 = tpu.memref_squeeze %dma_wait3A_911 : memref<1x8x8x128xf32, #tpu.memory_space<vmem>> -> memref<8x8x128xf32, #tpu.memory_space<vmem>>
    tpu.wait_dma2 semaphore(%dma_wait3A_902 : memref<!tpu.dma_semaphore, #tpu.memory_space<semaphore_mem>>) src(%dma_wait3A_912 : memref<8x8x128xf32, #tpu.memory_space<vmem>>) dst(%dma_wait3A_907 : memref<8x8x128xf32, #tpu.memory_space<hbm>>)
    %dma_wait3A_913 = arith.constant 3 : i32
    %dma_wait3A_914 = arith.constant 47 : i32
    %dma_wait3A_915 = arith.constant 3 : i32
    %dma_wait3A_916 = arith.constant 0 : i32
    %dma_wait3A_917 = arith.constant 0 : i32
    %dma_wait3A_918 = arith.constant 0 : i32
    %dma_wait3A_919 = tpu.memref_slice %arg9[%dma_wait3A_913, %dma_wait3A_916, %dma_wait3A_917, %dma_wait3A_918] : memref<4x8x8x128xf32, #tpu.memory_space<vmem>> -> memref<1x8x8x128xf32, #tpu.memory_space<vmem>>
    %dma_wait3A_920 = tpu.memref_squeeze %dma_wait3A_919 : memref<1x8x8x128xf32, #tpu.memory_space<vmem>> -> memref<8x8x128xf32, #tpu.memory_space<vmem>>
    %dma_wait3A_921 = arith.constant 0 : i32
    %dma_wait3A_922 = arith.constant 0 : i32
    %dma_wait3A_923 = arith.constant 0 : i32
    %dma_wait3A_924 = tpu.memref_slice %arg5[%dma_wait3A_914, %dma_wait3A_921, %add3A, %dma_wait3A_922, %dma_wait3A_923] : memref<50x8x32x8x128xf32, #tpu.memory_space<hbm>> -> memref<1x8x1x8x128xf32, #tpu.memory_space<hbm>>
    %dma_wait3A_925 = tpu.memref_squeeze %dma_wait3A_924 : memref<1x8x1x8x128xf32, #tpu.memory_space<hbm>> -> memref<8x8x128xf32, #tpu.memory_space<hbm>>
    %dma_wait3A_926 = tpu.memref_slice %arg12[%dma_wait3A_915] : memref<4x!tpu.dma_semaphore, #tpu.memory_space<semaphore_mem>> -> memref<1x!tpu.dma_semaphore, #tpu.memory_space<semaphore_mem>>
    %dma_wait3A_927 = tpu.memref_squeeze %dma_wait3A_926 : memref<1x!tpu.dma_semaphore, #tpu.memory_space<semaphore_mem>> -> memref<!tpu.dma_semaphore, #tpu.memory_space<semaphore_mem>>
    %dma_wait3A_928 = arith.constant 0 : i32
    %dma_wait3A_929 = arith.constant 0 : i32
    %dma_wait3A_930 = arith.constant 0 : i32
    %dma_wait3A_931 = tpu.memref_slice %arg5[%dma_wait3A_914, %dma_wait3A_928, %add3A, %dma_wait3A_929, %dma_wait3A_930] : memref<50x8x32x8x128xf32, #tpu.memory_space<hbm>> -> memref<1x8x1x8x128xf32, #tpu.memory_space<hbm>>
    %dma_wait3A_932 = tpu.memref_squeeze %dma_wait3A_931 : memref<1x8x1x8x128xf32, #tpu.memory_space<hbm>> -> memref<8x8x128xf32, #tpu.memory_space<hbm>>
    %dma_wait3A_933 = arith.constant 0 : i32
    %dma_wait3A_934 = arith.constant 0 : i32
    %dma_wait3A_935 = arith.constant 0 : i32
    %dma_wait3A_936 = tpu.memref_slice %arg9[%dma_wait3A_913, %dma_wait3A_933, %dma_wait3A_934, %dma_wait3A_935] : memref<4x8x8x128xf32, #tpu.memory_space<vmem>> -> memref<1x8x8x128xf32, #tpu.memory_space<vmem>>
    %dma_wait3A_937 = tpu.memref_squeeze %dma_wait3A_936 : memref<1x8x8x128xf32, #tpu.memory_space<vmem>> -> memref<8x8x128xf32, #tpu.memory_space<vmem>>
    tpu.wait_dma2 semaphore(%dma_wait3A_927 : memref<!tpu.dma_semaphore, #tpu.memory_space<semaphore_mem>>) src(%dma_wait3A_937 : memref<8x8x128xf32, #tpu.memory_space<vmem>>) dst(%dma_wait3A_932 : memref<8x8x128xf32, #tpu.memory_space<hbm>>)
    %dma_wait3A_938 = arith.constant 0 : i32
    %dma_wait3A_939 = arith.constant 48 : i32
    %dma_wait3A_940 = arith.constant 0 : i32
    %dma_wait3A_941 = arith.constant 0 : i32
    %dma_wait3A_942 = arith.constant 0 : i32
    %dma_wait3A_943 = arith.constant 0 : i32
    %dma_wait3A_944 = tpu.memref_slice %arg9[%dma_wait3A_938, %dma_wait3A_941, %dma_wait3A_942, %dma_wait3A_943] : memref<4x8x8x128xf32, #tpu.memory_space<vmem>> -> memref<1x8x8x128xf32, #tpu.memory_space<vmem>>
    %dma_wait3A_945 = tpu.memref_squeeze %dma_wait3A_944 : memref<1x8x8x128xf32, #tpu.memory_space<vmem>> -> memref<8x8x128xf32, #tpu.memory_space<vmem>>
    %dma_wait3A_946 = arith.constant 0 : i32
    %dma_wait3A_947 = arith.constant 0 : i32
    %dma_wait3A_948 = arith.constant 0 : i32
    %dma_wait3A_949 = tpu.memref_slice %arg5[%dma_wait3A_939, %dma_wait3A_946, %add3A, %dma_wait3A_947, %dma_wait3A_948] : memref<50x8x32x8x128xf32, #tpu.memory_space<hbm>> -> memref<1x8x1x8x128xf32, #tpu.memory_space<hbm>>
    %dma_wait3A_950 = tpu.memref_squeeze %dma_wait3A_949 : memref<1x8x1x8x128xf32, #tpu.memory_space<hbm>> -> memref<8x8x128xf32, #tpu.memory_space<hbm>>
    %dma_wait3A_951 = tpu.memref_slice %arg12[%dma_wait3A_940] : memref<4x!tpu.dma_semaphore, #tpu.memory_space<semaphore_mem>> -> memref<1x!tpu.dma_semaphore, #tpu.memory_space<semaphore_mem>>
    %dma_wait3A_952 = tpu.memref_squeeze %dma_wait3A_951 : memref<1x!tpu.dma_semaphore, #tpu.memory_space<semaphore_mem>> -> memref<!tpu.dma_semaphore, #tpu.memory_space<semaphore_mem>>
    %dma_wait3A_953 = arith.constant 0 : i32
    %dma_wait3A_954 = arith.constant 0 : i32
    %dma_wait3A_955 = arith.constant 0 : i32
    %dma_wait3A_956 = tpu.memref_slice %arg5[%dma_wait3A_939, %dma_wait3A_953, %add3A, %dma_wait3A_954, %dma_wait3A_955] : memref<50x8x32x8x128xf32, #tpu.memory_space<hbm>> -> memref<1x8x1x8x128xf32, #tpu.memory_space<hbm>>
    %dma_wait3A_957 = tpu.memref_squeeze %dma_wait3A_956 : memref<1x8x1x8x128xf32, #tpu.memory_space<hbm>> -> memref<8x8x128xf32, #tpu.memory_space<hbm>>
    %dma_wait3A_958 = arith.constant 0 : i32
    %dma_wait3A_959 = arith.constant 0 : i32
    %dma_wait3A_960 = arith.constant 0 : i32
    %dma_wait3A_961 = tpu.memref_slice %arg9[%dma_wait3A_938, %dma_wait3A_958, %dma_wait3A_959, %dma_wait3A_960] : memref<4x8x8x128xf32, #tpu.memory_space<vmem>> -> memref<1x8x8x128xf32, #tpu.memory_space<vmem>>
    %dma_wait3A_962 = tpu.memref_squeeze %dma_wait3A_961 : memref<1x8x8x128xf32, #tpu.memory_space<vmem>> -> memref<8x8x128xf32, #tpu.memory_space<vmem>>
    tpu.wait_dma2 semaphore(%dma_wait3A_952 : memref<!tpu.dma_semaphore, #tpu.memory_space<semaphore_mem>>) src(%dma_wait3A_962 : memref<8x8x128xf32, #tpu.memory_space<vmem>>) dst(%dma_wait3A_957 : memref<8x8x128xf32, #tpu.memory_space<hbm>>)
    %dma_wait3A_963 = arith.constant 1 : i32
    %dma_wait3A_964 = arith.constant 49 : i32
    %dma_wait3A_965 = arith.constant 1 : i32
    %dma_wait3A_966 = arith.constant 0 : i32
    %dma_wait3A_967 = arith.constant 0 : i32
    %dma_wait3A_968 = arith.constant 0 : i32
    %dma_wait3A_969 = tpu.memref_slice %arg9[%dma_wait3A_963, %dma_wait3A_966, %dma_wait3A_967, %dma_wait3A_968] : memref<4x8x8x128xf32, #tpu.memory_space<vmem>> -> memref<1x8x8x128xf32, #tpu.memory_space<vmem>>
    %dma_wait3A_970 = tpu.memref_squeeze %dma_wait3A_969 : memref<1x8x8x128xf32, #tpu.memory_space<vmem>> -> memref<8x8x128xf32, #tpu.memory_space<vmem>>
    %dma_wait3A_971 = arith.constant 0 : i32
    %dma_wait3A_972 = arith.constant 0 : i32
    %dma_wait3A_973 = arith.constant 0 : i32
    %dma_wait3A_974 = tpu.memref_slice %arg5[%dma_wait3A_964, %dma_wait3A_971, %add3A, %dma_wait3A_972, %dma_wait3A_973] : memref<50x8x32x8x128xf32, #tpu.memory_space<hbm>> -> memref<1x8x1x8x128xf32, #tpu.memory_space<hbm>>
    %dma_wait3A_975 = tpu.memref_squeeze %dma_wait3A_974 : memref<1x8x1x8x128xf32, #tpu.memory_space<hbm>> -> memref<8x8x128xf32, #tpu.memory_space<hbm>>
    %dma_wait3A_976 = tpu.memref_slice %arg12[%dma_wait3A_965] : memref<4x!tpu.dma_semaphore, #tpu.memory_space<semaphore_mem>> -> memref<1x!tpu.dma_semaphore, #tpu.memory_space<semaphore_mem>>
    %dma_wait3A_977 = tpu.memref_squeeze %dma_wait3A_976 : memref<1x!tpu.dma_semaphore, #tpu.memory_space<semaphore_mem>> -> memref<!tpu.dma_semaphore, #tpu.memory_space<semaphore_mem>>
    %dma_wait3A_978 = arith.constant 0 : i32
    %dma_wait3A_979 = arith.constant 0 : i32
    %dma_wait3A_980 = arith.constant 0 : i32
    %dma_wait3A_981 = tpu.memref_slice %arg5[%dma_wait3A_964, %dma_wait3A_978, %add3A, %dma_wait3A_979, %dma_wait3A_980] : memref<50x8x32x8x128xf32, #tpu.memory_space<hbm>> -> memref<1x8x1x8x128xf32, #tpu.memory_space<hbm>>
    %dma_wait3A_982 = tpu.memref_squeeze %dma_wait3A_981 : memref<1x8x1x8x128xf32, #tpu.memory_space<hbm>> -> memref<8x8x128xf32, #tpu.memory_space<hbm>>
    %dma_wait3A_983 = arith.constant 0 : i32
    %dma_wait3A_984 = arith.constant 0 : i32
    %dma_wait3A_985 = arith.constant 0 : i32
    %dma_wait3A_986 = tpu.memref_slice %arg9[%dma_wait3A_963, %dma_wait3A_983, %dma_wait3A_984, %dma_wait3A_985] : memref<4x8x8x128xf32, #tpu.memory_space<vmem>> -> memref<1x8x8x128xf32, #tpu.memory_space<vmem>>
    %dma_wait3A_987 = tpu.memref_squeeze %dma_wait3A_986 : memref<1x8x8x128xf32, #tpu.memory_space<vmem>> -> memref<8x8x128xf32, #tpu.memory_space<vmem>>
    tpu.wait_dma2 semaphore(%dma_wait3A_977 : memref<!tpu.dma_semaphore, #tpu.memory_space<semaphore_mem>>) src(%dma_wait3A_987 : memref<8x8x128xf32, #tpu.memory_space<vmem>>) dst(%dma_wait3A_982 : memref<8x8x128xf32, #tpu.memory_space<hbm>>)
    return
  }
}

</mosaic_0001>

<sc_bundles>
// kernel: kernel.3.cloned.1.call-start
scs
__scs_entry_jumppad:
0x0: {  	(pc) =	sbr.rel $0x88, $3  }
0x1: {  	(tag) =	ssettag $0x0;
	lr =	simm.s32 $0x1  }
0x2: {  	[smem:$0x3F9E] =	sst lr;
	_ =	strace $0xD0000000  }
0x3: {  	_ = 	snop  }
0x4: {  	_ = 	snop  }
0x5: {  	_ = 	snop  }
0x6: {  	_ = 	snop  }
0x7: {  	_ = 	snop  }
__scs_overlays_trampoline_lowered:
0x8: {  	[smem:$0x3FAD] =	sst s0  }
0x9: {  	[smem:$0x3FAE] =	sst s1  }
0xa: {  	[smem:$0x3FAF] =	sst s2  }
0xb: {  	[smem:$0x3FB0] =	sst s3  }
0xc: {  	[smem:$0x3FB1] =	sst s4  }
0xd: {  	[smem:$0x3FB2] =	sst s5  }
0xe: {  	[smem:$0x3FB3] =	sst s6  }
0xf: {  	[smem:$0x3FB4] =	sst s7  }
0x10: {  	[smem:$0x3FB5] =	sst s8  }
0x11: {  	[smem:$0x3FB6] =	sst s9;
	s0 =	simm.s32 @!p0 $0x0  }
0x12: {  	s1 =	sld [smem:$0x3F9C];
	s0 =	simm.s32 @p0 $0x1  }
0x13: {  	[smem:$0x3FB7] =	sst s0;
	s0 =	simm.s32 @!p1 $0x0  }
0x14: {  	s2 =	sld [smem:$0x3F9B];
	s0 =	simm.s32 @p1 $0x1  }
0x15: {  	[smem:$0x3FB8] =	sst s0;
	s0 =	simm.s32 @!p2 $0x0  }
0x16: {  	s3 =	sld [smem:$0x3FDB];
	s0 =	simm.s32 @p2 $0x1  }
0x17: {  	s4 =	simm.s32 $0x1BF5;
	[smem:$0x3FBA] =	sst s0  }
0x18: {  	s0 =	sld [smem:$0x3F9D];
	_ =	swait.ge [sflag:s4], $0x0  }
0x19: {  	s7 =	sld [smem:$0x3F9E]  }
0x1a: {  	s8 =	sadd.s32 $0xFFFFE003, lr  }
0x1b: {  	s9 =	sadd.s32 $0xFFFFFEF7, lr;
	s5 =	simm.s32 $0xFFFFFFFF;
	p2 =	slt.u32 s8, $0xFFFFF086  }
0x1c: {  	p1 =	slt.u32 s9, $0xF7A;
	s5 =	simm.s32 @!p2 $0x0  }
0x1d: {  	s5 =	simm.s32 @p1 $0x1;
	p0 =	seq.s32 s7, s2  }
0x1e: {  	s7 =	smul.u32 @!p0 $0xF7A, s2;
	p2 =	seq.s32 @!p0 s5, $0x0  }
0x1f: {  	s9 =	smul.u32 $0xF7A, s1;
	s8 =	simm.s32 @!p0 $0x1BF5;
	p2 =	por !p2, p0  }
0x20: {  	[sflag:s8] =	ssyncset.s32 @!p0 $0xFFFFF086;
	s6 =	sadd.s32 @!p0 s3, s7;
	s7 =	simm.s32 @!p0 $0x108  }
0x21: {  	s3 =	sadd.s32 s3, s9;
	s6 =	sadd.s32 @!p0 $0x88, s6;
	s7 =	simm.s32 @p2 $0x1082  }
0x22: {  	[simem:s7], [sflag:s8] =	dma.local @!p0 [hbm:s6], $0xF7A  }
0x23: {  	s9 =	sor.u32 $0xD0000000, s2;
	s6 =	simm.s32 $0x108;
	_ =	swait.ge @!p0 [sflag:s8], $0x0  }
0x24: {  	s3 =	sadd.s32 $0x88, s3;
	s6 =	simm.s32 @!p1 $0x1082;
	[sflag:s4] =	ssyncset.s32 $0xFFFFF086  }
0x25: {  	[simem:s6], [sflag:s4] =	dma.local [hbm:s3], $0xF7A  }
0x26: {  	[smem:$0x3F9E] =	sst s1;
	(tag) =	ssettag s2;
	_ =	strace s9  }
0x27: {  	s1 =	sld [smem:$0x3FAE]  }
0x28: {  	s2 =	sld [smem:$0x3FAF]  }
0x29: {  	s4 =	sld [smem:$0x3FB1]  }
0x2a: {  	p0 =	seq.s32 s5, $0x0;
	s5 =	sld [smem:$0x3FB2]  }
0x2b: {  	s6 =	sld [smem:$0x3FB3]  }
0x2c: {  	s7 =	sld [smem:$0x3FB4]  }
0x2d: {  	s3 =	simm.s32 $0x108;
	s8 =	sld [smem:$0x3FB5]  }
0x2e: {  	s3 =	simm.s32 @!p0 $0x1082;
	s9 =	sld [smem:$0x3FB6]  }
0x2f: {  	lr =	sadd.s32 s0, s3;
	s0 =	sld [smem:$0x3FAD]  }
0x30: {  	s3 =	sld [smem:$0x3FB0]  }
0x31: {  	[smem:$0x3FB9] =	sst s10  }
0x32: {  	s10 =	sld [smem:$0x3FB7];
	_ =	sdelay $0x3  }
0x33: {  	p0 =	seq.s32 s10, $0x1;
	s10 =	sld [smem:$0x3FB9];
	_ =	sdelay $0x3  }
0x34: {  	[smem:$0x3FB9] =	sst s10  }
0x35: {  	s10 =	sld [smem:$0x3FB8];
	_ =	sdelay $0x3  }
0x36: {  	p1 =	seq.s32 s10, $0x1;
	s10 =	sld [smem:$0x3FB9];
	_ =	sdelay $0x3  }
0x37: {  	[smem:$0x3FB9] =	sst s10  }
0x38: {  	s10 =	sld [smem:$0x3FBA]  }
0x39: {  	_ = 	snop;
	(pc) =	sbr.ind lr, $3  }
0x3a: {  	_ = 	snop  }
0x3b: {  	_ = 	snop  }
0x3c: {  	p2 =	seq.s32 s10, $0x1;
	s10 =	sld [smem:$0x3FB9]  }
0x3d: {  	_ =	shalt  }
0x3e: {  	_ =	shalt  }
0x3f: {  	_ =	shalt  }
0x40: {  	_ =	shalt  }
0x41: {  	_ =	shalt  }
0x42: {  	_ =	shalt  }
0x43: {  	_ =	shalt  }
0x44: {  	_ =	shalt  }
0x45: {  	_ =	shalt  }
0x46: {  	_ =	shalt  }
0x47: {  	_ =	shalt  }
0x48: {  	_ =	shalt  }
0x49: {  	_ =	shalt  }
0x4a: {  	_ =	shalt  }
0x4b: {  	_ =	shalt  }
0x4c: {  	_ =	shalt  }
0x4d: {  	_ =	shalt  }
0x4e: {  	_ =	shalt  }
0x4f: {  	_ =	shalt  }
0x50: {  	_ =	shalt  }
0x51: {  	_ =	shalt  }
0x52: {  	_ =	shalt  }
0x53: {  	_ =	shalt  }
0x54: {  	_ =	shalt  }
0x55: {  	_ =	shalt  }
0x56: {  	_ =	shalt  }
0x57: {  	_ =	shalt  }
0x58: {  	_ =	shalt  }
0x59: {  	_ =	shalt  }
0x5a: {  	_ =	shalt  }
0x5b: {  	_ =	shalt  }
0x5c: {  	_ =	shalt  }
0x5d: {  	_ =	shalt  }
0x5e: {  	_ =	shalt  }
0x5f: {  	_ =	shalt  }
0x60: {  	_ =	shalt  }
0x61: {  	_ =	shalt  }
0x62: {  	_ =	shalt  }
0x63: {  	_ =	shalt  }
0x64: {  	_ =	shalt  }
0x65: {  	_ =	shalt  }
0x66: {  	_ =	shalt  }
0x67: {  	_ =	shalt  }
0x68: {  	_ =	shalt  }
0x69: {  	_ =	shalt  }
0x6a: {  	_ =	shalt  }
0x6b: {  	_ =	shalt  }
0x6c: {  	_ =	shalt  }
0x6d: {  	_ =	shalt  }
0x6e: {  	_ =	shalt  }
0x6f: {  	_ =	shalt  }
0x70: {  	_ =	shalt  }
0x71: {  	_ =	shalt  }
0x72: {  	_ =	shalt  }
0x73: {  	_ =	shalt  }
0x74: {  	_ =	shalt  }
0x75: {  	_ =	shalt  }
0x76: {  	_ =	shalt  }
0x77: {  	_ =	shalt  }
0x78: {  	_ =	shalt  }
0x79: {  	_ =	shalt  }
0x7a: {  	_ =	shalt  }
0x7b: {  	_ =	shalt  }
0x7c: {  	_ =	shalt  }
0x7d: {  	_ =	shalt  }
0x7e: {  	_ =	shalt  }
0x7f: {  	_ =	shalt  }
0x80: {  	_ =	shalt  }
0x81: {  	_ =	shalt  }
0x82: {  	_ =	shalt  }
0x83: {  	_ =	shalt  }
0x84: {  	_ =	shalt  }
0x85: {  	_ =	shalt  }
0x86: {  	_ =	shalt  }
0x87: {  	_ =	shalt  }
.Lfunc_end0:
.L_simem_size_0:
called_computation_lowered:
.L_overlay_start_0:
0x88: {  	s2 =	sld [smem:$0x3FD9]  }
0x89: {  	s3 =	sld [smem:$0x3FFE];
	_ =	sdelay $0x1  }
0x8a: {  	s1 =	srdreg.scid  }
0x8b: {  	s0 =	sand.u32 $0x1, s1  }
0x8c: {  	s17 =	sshll.u32 s0, $0xA;
	s2 =	sadd.s32 s3, s2  }
0x8d: {  	s2 =	sadd.s32 s2, s17  }
0x8e: {  	[smem:$0x3FC5] =	sst s2  }
0x8f: {  	_ = 	snop  }
0x90: {  	s2 =	sld [smem:$0x3FC7]  }
0x91: {  	s18 =	sld [smem:$0x3FD0];
	(tm) =	ssettm $0x1  }
0x92: {  	s4 =	sld [smem:$0x3FFB];
	_ =	sdelay $0x3  }
0x93: {  	_ =	strace s4  }
0x94: {  	s4 =	sld [smem:$0x3FFC];
	_ =	sdelay $0x3  }
0x95: {  	_ =	strace s4  }
0x96: {  	s4 =	sld [smem:$0x3FFD];
	_ =	sdelay $0x3  }
0x97: {  	_ =	strace s4  }
0x98: {  	_ =	strace $0x8FFFFFFF  }
0x99: {  	s19 =	sld [smem:$0x3FDB];
	_ =	sdelay $0x1  }
0x9a: {  	s5 =	simm.s32 $_scs_section_size  }
0x9b: {  	s6 =	simm.s32 $_size__tile_overlayer_lowered;
	s7 =	simm.s32 $_tile_overlayer_lowered  }
0x9c: {  	s22 =	simm.s32 $0x1BFF;
	s21 =	sshll.u32 s7, $0x1;
	s4 =	sadd.s32 s5, s19  }
0x9d: {  	s8 =	simm.s32 $0x0;
	s20 =	sshll.u32 s6, $0x1;
	s6 =	sadd.s32 s21, s4  }
0x9e: {  	[timem:s8], [sflag:s22] =	dma.local [hbm:s6], s20  }
0x9f: {  	_ =	swait.ge [sflag:s22], s20  }
0xa0: {  	s5 =	ssub.s32 $0x0, s20;
	[sflag:s22] =	ssyncset.done $0x0  }
0xa1: {  	[sflag:s22] =	ssyncadd.s32 s5;
	_ =	sdelay $0x1  }
0xa2: {  	s23 =	simm.s32 $0x1B8B  }
0xa3: {  	_ =	swait.ge [sflag:s23], $0x1  }
0xa4: {  	[sflag:s23] =	ssyncset.done $0x0  }
0xa5: {  	s25 =	simm.s32 $0x1B8E;
	s24 =	sld [smem:$0x3FFE];
	[sflag:s23] =	ssyncadd.s32 $0xFFFFFFFF  }
0xa6: {  	s26 =	simm.s32 $execute0_lowered;
	[smem:$0x3FD2] =	sst s25  }
0xa7: {  	s6 =	sshll.u32 s26, $0x1;
	_ =	strace $0x80000046;
	[dreg:$0x1] =	wrdreg $0xFFFFFFFF  }
0xa8: {  	s28 =	simm.s32 $_size_execute0_lowered;
	s4 =	sadd.s32 s4, s6;
	[dreg:$0x0] =	wrdreg $0x0  }
0xa9: {  	s6 =	sshll.u32 s28, $0x1;
	[dreg:$0x2] =	wrdreg s4  }
0xaa: {  	[dreg:$0x3] =	wrdreg s6  }
0xab: {  	[dreg:$0x4] =	wrdreg $0xC0  }
0xac: {  	_ =	task [dreg:s8], $0x5FFFF  }
0xad: {  	[dreg:$0x1] =	wrdreg $0xFFFFFFFF  }
0xae: {  	[dreg:$0x0] =	wrdreg $0x60  }
0xaf: {  	[dreg:$0x2] =	wrdreg s24  }
0xb0: {  	[dreg:$0x3] =	wrdreg s2  }
0xb1: {  	[dreg:$0x4] =	wrdreg s18  }
0xb2: {  	[dreg:$0x5] =	wrdreg $0x9  }
0xb3: {  	_ =	task.clear_ibuf [dreg:s8], $0x6FFFF;
	_ =	strace $0x90000046  }
0xb4: {  	s29 =	simm.s32 $0x9;
	_ =	strace $0x80000048  }
0xb5: {  	_ =	swait.ge [sflag:s29], $0x1  }
0xb6: {  	[sflag:s29] =	ssyncadd.s32 $0xFFFFFFFF  }
0xb7: {  	_ =	strace $0x90000048  }
0xb8: {  	_ =	sfence  }
0xb9: {  	s30 =	sld [smem:$0x0];
	_ =	sdelay $0x2  }
0xba: {  	s31 =	sshll.u32 s1, $0xD;
	s1 =	sshrl.u32 s1, $0x2  }
0xbb: {  	s3 =	sand.u32 $0x4000, s31;
	s1 =	sadd.s32 s1, s30  }
0xbc: {  	s0 =	sor.u32 s3, s0;
	s1 =	sshll.u32 s1, $0x11  }
0xbd: {  	s0 =	sor.u32 s1, s0  }
0xbe: {  	s0 =	sadd.s32 $0x8F2B, s0  }
0xbf: {  	[sflag:s0] =	ssyncadd.remote.s32 $0x1  }
0xc0: {  	_ =	sfence.sel $0xFFFF  }
0xc1: {  	[dreg:$0x0] =	wrdreg $0xFFFFFFFF;
	(pc) =	sbr.abs _section_cstart, $3  }
0xc2: {  	[dreg:$0x1] =	wrdreg $0xFFFFFFFF  }
0xc3: {  	_ =	task.clear_ibuf [dreg:s8], $0x2FFFF;
	_ =	strace $0x9FFFFFFF  }
0xc4: {  	(tm) =	ssettm $0x7FFFFFFF  }
0xc5: {  	_ =	shalt  }
tec
execute0_lowered:
.L_overlay_start_1:
0x0: {  	(tag) =	ssettag $0x1  }
0x1: {  	s0 =	rddreg [dreg:$0x0]  }
0x2: {  	s1 =	rddreg [dreg:$0x2]  }
0x3: {  	s2 =	srdreg.scid;
	s4 =	stileid.u32;
	s3 =	simm.s32 $0x0  }
0x4: {  	s8 =	simm.s32 $0x80;
	s10 =	simm.s32 $0xD;
	s17 =	simm.s32 $0x7200  }
0x5: {  	s18 =	simm.s32 $0x1A80;
	s19 =	simm.s32 $0x9200;
	s20 =	simm.s32 $0x1B00  }
0x6: {  	s21 =	simm.s32 $0xB200;
	s22 =	simm.s32 $0x1B80;
	s23 =	simm.s32 $0xD200  }
0x7: {  	s24 =	simm.s32 $0x1C00;
	s28 =	simm.s32 $0x8000;
	s29 =	simm.s32 $0xB  }
0x8: {  	s30 =	simm.s32 $0xC;
	s2 =	sand.u32 $0x1, s2;
	s4 =	sshll.u32 s4, $0x1  }
0x9: {  	s31 =	simm.s32 $0x9;
	[smem:$0x7FF] =	sst s3;
	s6 =	sor.u32 s2, s4  }
0xa: {  	_ =	strace $0x80000047;
	s2 =	ssub.s32 $0x2, s2;
	s4 =	sadd.s32 $0x6800, s0  }
0xb: {  	s5 =	sshll.u32 s6, $0x4;
	s25 =	sshrl.u32 s2, $0x1;
	s26 =	sshll.u32 s6, $0x7  }
0xc: {  	s0 =	sadd.s32 s5, s0;
	s2 =	ssub.s32 s2, s25;
	s6 =	sadd.s32 s1, s26  }
0xd: {  	s25 =	simm.s32 $0xF200;
	s26 =	simm.s32 $0x400;
	s1 =	simm.s32 $0x0  }
0xe: {  	v0 =	vimm.s32 $0x0;
	v1 =	vlaneseq.u32;
	s5 =	sadd.s32 $0x400, s0;
	s7 =	smax.u32 s2, $0x1;
	s0 =	simm.s32 $0xA  }
.LBB2_1:
0xf: {  	s2 =	simm.s32 $0x1000  }
0x10: {  	[tilespmem:s3], [sflag:$0xD] =	stream.strided.gather [hbm4b:s5+s8], $0x1900, s2, s8, $0x38;
	[tilespmem:$0x1B240] =	vst v63  }
0x11: {  	_ =	swait.ge [sflag:s10], $0x1900  }
0x12: {  	[sflag:s10] =	ssyncset.done $0x0  }
0x13: {  	[sflag:s10] =	ssyncadd.s32 $0xFFFFE700  }
0x14: {  	s9 =	simm.s32 $0x1B200;
	s11 =	rddreg [dreg:$0x1]  }
0x15: {  	[tilespmem:s9], [sflag:$0xD] =	stream.linear.gather [hbm4b:s11+s3], $0x40, $0x38;
	[tilespmem:$0x1B240] =	vst v63  }
0x16: {  	_ =	swait.ge [sflag:s10], $0x40  }
0x17: {  	[sflag:s10] =	ssyncset.done $0x0  }
0x18: {  	[sflag:s10] =	ssyncadd.s32 $0xFFFFFFC0  }
0x19: {  	v2 =	vld [tilespmem:$0x0]  }
0x1a: {  	v3 =	vld [tilespmem:$0x10]  }
0x1b: {  	v4 =	vld [tilespmem:$0x20]  }
0x1c: {  	v5 =	vld [tilespmem:$0x30]  }
0x1d: {  	v6 =	vld [tilespmem:$0x40]  }
0x1e: {  	v7 =	vld [tilespmem:$0x50];
	vm0 =	veq.s32 v2, $0x186A0  }
0x1f: {  	v8 =	vld [tilespmem:$0x60];
	vm9 =	veq.s32 v3, $0x186A0;
	v2 =	vsel vm0, $0x0, v2  }
0x20: {  	vm10 =	veq.s32 v4, $0x186A0;
	[tilespmem:$0x1900] =	vst v2;
	v2 =	vsel vm9, $0x0, v3;
	v3 =	vld [tilespmem:$0x70]  }
0x21: {  	vm11 =	veq.s32 v5, $0x186A0;
	[tilespmem:$0x1910] =	vst v2;
	v2 =	vsel vm10, $0x0, v4  }
0x22: {  	vm12 =	veq.s32 v6, $0x186A0;
	[tilespmem:$0x1920] =	vst v2;
	v2 =	vsel vm11, $0x0, v5  }
0x23: {  	vm13 =	veq.s32 v7, $0x186A0;
	[tilespmem:$0x1930] =	vst v2;
	v2 =	vsel vm12, $0x0, v6  }
0x24: {  	vm14 =	veq.s32 v8, $0x186A0;
	[tilespmem:$0x1940] =	vst v2;
	v2 =	vsel vm13, $0x0, v7  }
0x25: {  	[tilespmem:$0x1950] =	vst v2;
	v2 =	vsel vm14, $0x0, v8;
	vm15 =	veq.s32 v3, $0x186A0  }
0x26: {  	[tilespmem:$0x1960] =	vst v2;
	v2 =	vsel vm15, $0x0, v3  }
0x27: {  	s12 =	simm.s32 $0x1900;
	s13 =	simm.s32 $0x3200;
	[tilespmem:$0x1970] =	vst v2  }
0x28: {  	[tilespmem:s13], [sflag:$0x1] =	stream.indirect.gather [hbm4b:s4+s8], $0x40, s12, s8, $0xb8;
	[tilespmem:$0x1B240] =	vst v63  }
0x29: {  	v2 =	vld [tilespmem:$0x80]  }
0x2a: {  	v3 =	vld [tilespmem:$0x90]  }
0x2b: {  	v34 =	vld [tilespmem:$0xA0]  }
0x2c: {  	v35 =	vld [tilespmem:$0xB0]  }
0x2d: {  	v36 =	vld [tilespmem:$0xC0]  }
0x2e: {  	v37 =	vld [tilespmem:$0xD0];
	vm4 =	veq.s32 v2, $0x186A0  }
0x2f: {  	v38 =	vld [tilespmem:$0xE0];
	vm5 =	veq.s32 v3, $0x186A0;
	v2 =	vsel vm4, $0x0, v2  }
0x30: {  	vm6 =	veq.s32 v34, $0x186A0;
	[tilespmem:$0x1980] =	vst v2;
	v2 =	vsel vm5, $0x0, v3;
	v3 =	vld [tilespmem:$0xF0]  }
0x31: {  	vm7 =	veq.s32 v35, $0x186A0;
	[tilespmem:$0x1990] =	vst v2;
	v2 =	vsel vm6, $0x0, v34  }
0x32: {  	vm8 =	veq.s32 v36, $0x186A0;
	[tilespmem:$0x19A0] =	vst v2;
	v2 =	vsel vm7, $0x0, v35  }
0x33: {  	vm9 =	veq.s32 v37, $0x186A0;
	[tilespmem:$0x19B0] =	vst v2;
	v2 =	vsel vm8, $0x0, v36  }
0x34: {  	vm10 =	veq.s32 v38, $0x186A0;
	[tilespmem:$0x19C0] =	vst v2;
	v2 =	vsel vm9, $0x0, v37  }
0x35: {  	[tilespmem:$0x19D0] =	vst v2;
	v2 =	vsel vm10, $0x0, v38;
	vm11 =	veq.s32 v3, $0x186A0  }
0x36: {  	[tilespmem:$0x19E0] =	vst v2;
	v2 =	vsel vm11, $0x0, v3  }
0x37: {  	s14 =	simm.s32 $0x1980;
	s15 =	simm.s32 $0x5200;
	[tilespmem:$0x19F0] =	vst v2  }
0x38: {  	[tilespmem:s15], [sflag:$0x2] =	stream.indirect.gather [hbm4b:s4+s8], $0x40, s14, s8, $0xb8;
	[tilespmem:$0x1B240] =	vst v63  }
0x39: {  	v2 =	vld [tilespmem:$0x100]  }
0x3a: {  	v3 =	vld [tilespmem:$0x110]  }
0x3b: {  	v39 =	vld [tilespmem:$0x120]  }
0x3c: {  	v40 =	vld [tilespmem:$0x130]  }
0x3d: {  	v41 =	vld [tilespmem:$0x140]  }
0x3e: {  	v42 =	vld [tilespmem:$0x150];
	vm12 =	veq.s32 v2, $0x186A0  }
0x3f: {  	v43 =	vld [tilespmem:$0x160];
	vm13 =	veq.s32 v3, $0x186A0;
	v2 =	vsel vm12, $0x0, v2  }
0x40: {  	vm14 =	veq.s32 v39, $0x186A0;
	[tilespmem:$0x1A00] =	vst v2;
	v2 =	vsel vm13, $0x0, v3;
	v3 =	vld [tilespmem:$0x170]  }
0x41: {  	vm15 =	veq.s32 v40, $0x186A0;
	[tilespmem:$0x1A10] =	vst v2;
	v2 =	vsel vm14, $0x0, v39  }
0x42: {  	vm4 =	veq.s32 v41, $0x186A0;
	[tilespmem:$0x1A20] =	vst v2;
	v2 =	vsel vm15, $0x0, v40  }
0x43: {  	vm5 =	veq.s32 v42, $0x186A0;
	[tilespmem:$0x1A30] =	vst v2;
	v2 =	vsel vm4, $0x0, v41  }
0x44: {  	vm6 =	veq.s32 v43, $0x186A0;
	[tilespmem:$0x1A40] =	vst v2;
	v2 =	vsel vm5, $0x0, v42  }
0x45: {  	[tilespmem:$0x1A50] =	vst v2;
	v2 =	vsel vm6, $0x0, v43;
	vm7 =	veq.s32 v3, $0x186A0  }
0x46: {  	[tilespmem:$0x1A60] =	vst v2;
	v2 =	vsel vm7, $0x0, v3  }
0x47: {  	s16 =	simm.s32 $0x1A00;
	[tilespmem:$0x1A70] =	vst v2  }
0x48: {  	[tilespmem:s17], [sflag:$0x3] =	stream.indirect.gather [hbm4b:s4+s8], $0x40, s16, s8, $0xb8;
	[tilespmem:$0x1B240] =	vst v63  }
0x49: {  	v2 =	vld [tilespmem:$0x180]  }
0x4a: {  	v3 =	vld [tilespmem:$0x190]  }
0x4b: {  	v44 =	vld [tilespmem:$0x1A0]  }
0x4c: {  	v45 =	vld [tilespmem:$0x1B0]  }
0x4d: {  	v46 =	vld [tilespmem:$0x1C0]  }
0x4e: {  	v47 =	vld [tilespmem:$0x1D0];
	vm8 =	veq.s32 v2, $0x186A0  }
0x4f: {  	v48 =	vld [tilespmem:$0x1E0];
	vm9 =	veq.s32 v3, $0x186A0;
	v2 =	vsel vm8, $0x0, v2  }
0x50: {  	vm10 =	veq.s32 v44, $0x186A0;
	[tilespmem:$0x1A80] =	vst v2;
	v2 =	vsel vm9, $0x0, v3;
	v3 =	vld [tilespmem:$0x1F0]  }
0x51: {  	vm11 =	veq.s32 v45, $0x186A0;
	[tilespmem:$0x1A90] =	vst v2;
	v2 =	vsel vm10, $0x0, v44  }
0x52: {  	vm12 =	veq.s32 v46, $0x186A0;
	[tilespmem:$0x1AA0] =	vst v2;
	v2 =	vsel vm11, $0x0, v45  }
0x53: {  	vm13 =	veq.s32 v47, $0x186A0;
	[tilespmem:$0x1AB0] =	vst v2;
	v2 =	vsel vm12, $0x0, v46  }
0x54: {  	vm14 =	veq.s32 v48, $0x186A0;
	[tilespmem:$0x1AC0] =	vst v2;
	v2 =	vsel vm13, $0x0, v47  }
0x55: {  	[tilespmem:$0x1AD0] =	vst v2;
	v2 =	vsel vm14, $0x0, v48;
	vm15 =	veq.s32 v3, $0x186A0  }
0x56: {  	[tilespmem:$0x1AE0] =	vst v2;
	v2 =	vsel vm15, $0x0, v3  }
0x57: {  	[tilespmem:$0x1AF0] =	vst v2  }
0x58: {  	[tilespmem:s19], [sflag:$0x4] =	stream.indirect.gather [hbm4b:s4+s8], $0x40, s18, s8, $0xb8;
	[tilespmem:$0x1B240] =	vst v63  }
0x59: {  	v2 =	vld [tilespmem:$0x200]  }
0x5a: {  	v3 =	vld [tilespmem:$0x210]  }
0x5b: {  	v49 =	vld [tilespmem:$0x220]  }
0x5c: {  	v50 =	vld [tilespmem:$0x230]  }
0x5d: {  	v51 =	vld [tilespmem:$0x240]  }
0x5e: {  	v52 =	vld [tilespmem:$0x250];
	vm4 =	veq.s32 v2, $0x186A0  }
0x5f: {  	v53 =	vld [tilespmem:$0x260];
	vm5 =	veq.s32 v3, $0x186A0;
	v2 =	vsel vm4, $0x0, v2  }
0x60: {  	vm6 =	veq.s32 v49, $0x186A0;
	[tilespmem:$0x1B00] =	vst v2;
	v2 =	vsel vm5, $0x0, v3;
	v3 =	vld [tilespmem:$0x270]  }
0x61: {  	vm7 =	veq.s32 v50, $0x186A0;
	[tilespmem:$0x1B10] =	vst v2;
	v2 =	vsel vm6, $0x0, v49  }
0x62: {  	vm8 =	veq.s32 v51, $0x186A0;
	[tilespmem:$0x1B20] =	vst v2;
	v2 =	vsel vm7, $0x0, v50  }
0x63: {  	vm9 =	veq.s32 v52, $0x186A0;
	[tilespmem:$0x1B30] =	vst v2;
	v2 =	vsel vm8, $0x0, v51  }
0x64: {  	vm10 =	veq.s32 v53, $0x186A0;
	[tilespmem:$0x1B40] =	vst v2;
	v2 =	vsel vm9, $0x0, v52  }
0x65: {  	[tilespmem:$0x1B50] =	vst v2;
	v2 =	vsel vm10, $0x0, v53;
	vm11 =	veq.s32 v3, $0x186A0  }
0x66: {  	[tilespmem:$0x1B60] =	vst v2;
	v2 =	vsel vm11, $0x0, v3  }
0x67: {  	[tilespmem:$0x1B70] =	vst v2  }
0x68: {  	[tilespmem:s21], [sflag:$0x5] =	stream.indirect.gather [hbm4b:s4+s8], $0x40, s20, s8, $0xb8;
	[tilespmem:$0x1B240] =	vst v63  }
0x69: {  	v2 =	vld [tilespmem:$0x280]  }
0x6a: {  	v3 =	vld [tilespmem:$0x290]  }
0x6b: {  	v54 =	vld [tilespmem:$0x2A0]  }
0x6c: {  	v55 =	vld [tilespmem:$0x2B0]  }
0x6d: {  	v56 =	vld [tilespmem:$0x2C0]  }
0x6e: {  	v57 =	vld [tilespmem:$0x2D0];
	vm12 =	veq.s32 v2, $0x186A0  }
0x6f: {  	v58 =	vld [tilespmem:$0x2E0];
	vm13 =	veq.s32 v3, $0x186A0;
	v2 =	vsel vm12, $0x0, v2  }
0x70: {  	vm14 =	veq.s32 v54, $0x186A0;
	[tilespmem:$0x1B80] =	vst v2;
	v2 =	vsel vm13, $0x0, v3;
	v3 =	vld [tilespmem:$0x2F0]  }
0x71: {  	vm15 =	veq.s32 v55, $0x186A0;
	[tilespmem:$0x1B90] =	vst v2;
	v2 =	vsel vm14, $0x0, v54  }
0x72: {  	vm4 =	veq.s32 v56, $0x186A0;
	[tilespmem:$0x1BA0] =	vst v2;
	v2 =	vsel vm15, $0x0, v55  }
0x73: {  	vm5 =	veq.s32 v57, $0x186A0;
	[tilespmem:$0x1BB0] =	vst v2;
	v2 =	vsel vm4, $0x0, v56  }
0x74: {  	vm6 =	veq.s32 v58, $0x186A0;
	[tilespmem:$0x1BC0] =	vst v2;
	v2 =	vsel vm5, $0x0, v57  }
0x75: {  	[tilespmem:$0x1BD0] =	vst v2;
	v2 =	vsel vm6, $0x0, v58;
	vm7 =	veq.s32 v3, $0x186A0  }
0x76: {  	[tilespmem:$0x1BE0] =	vst v2;
	v2 =	vsel vm7, $0x0, v3  }
0x77: {  	[tilespmem:$0x1BF0] =	vst v2  }
0x78: {  	[tilespmem:s23], [sflag:$0x6] =	stream.indirect.gather [hbm4b:s4+s8], $0x40, s22, s8, $0xb8;
	[tilespmem:$0x1B240] =	vst v63  }
0x79: {  	v2 =	vld [tilespmem:$0x300]  }
0x7a: {  	v3 =	vld [tilespmem:$0x310]  }
0x7b: {  	v59 =	vld [tilespmem:$0x320]  }
0x7c: {  	v60 =	vld [tilespmem:$0x330]  }
0x7d: {  	v61 =	vld [tilespmem:$0x340]  }
0x7e: {  	v62 =	vld [tilespmem:$0x350];
	vm8 =	veq.s32 v2, $0x186A0  }
0x7f: {  	v63 =	vld [tilespmem:$0x360];
	vm9 =	veq.s32 v3, $0x186A0;
	v2 =	vsel vm8, $0x0, v2  }
0x80: {  	vm10 =	veq.s32 v59, $0x186A0;
	[tilespmem:$0x1C00] =	vst v2;
	v2 =	vsel vm9, $0x0, v3;
	v3 =	vld [tilespmem:$0x370]  }
0x81: {  	vm11 =	veq.s32 v60, $0x186A0;
	[tilespmem:$0x1C10] =	vst v2;
	v2 =	vsel vm10, $0x0, v59  }
0x82: {  	vm12 =	veq.s32 v61, $0x186A0;
	[tilespmem:$0x1C20] =	vst v2;
	v2 =	vsel vm11, $0x0, v60  }
0x83: {  	vm13 =	veq.s32 v62, $0x186A0;
	[tilespmem:$0x1C30] =	vst v2;
	v2 =	vsel vm12, $0x0, v61  }
0x84: {  	vm14 =	veq.s32 v63, $0x186A0;
	[tilespmem:$0x1C40] =	vst v2;
	v2 =	vsel vm13, $0x0, v62  }
0x85: {  	[tilespmem:$0x1C50] =	vst v2;
	v2 =	vsel vm14, $0x0, v63;
	vm15 =	veq.s32 v3, $0x186A0  }
0x86: {  	[tilespmem:$0x1C60] =	vst v2;
	v2 =	vsel vm15, $0x0, v3  }
0x87: {  	s2 =	simm.s32 $0x0;
	s9 =	simm.s32 $0x0;
	[tilespmem:$0x1C70] =	vst v2  }
0x88: {  	[tilespmem:s25], [sflag:$0x7] =	stream.indirect.gather [hbm4b:s4+s8], $0x40, s24, s8, $0xb8;
	[tilespmem:$0x1B240] =	vst v63  }
.LBB2_2:
0x89: {  	p0 =	sgt.u32 s9, $0x2A  }
0x8a: {  	s11 =	sadd.s32 @!p0 $0x7, s9  }
0x8b: {  	s12 =	sshll.u32 @!p0 s11, $0x7  }
0x8c: {  	v2 =	vld @!p0 [tilespmem:s12+$0x0]  }
0x8d: {  	v3 =	vld @!p0 [tilespmem:s12+$0x10]  }
0x8e: {  	v4 =	vld @!p0 [tilespmem:s12+$0x20]  }
0x8f: {  	v5 =	vld @!p0 [tilespmem:s12+$0x30]  }
0x90: {  	v6 =	vld @!p0 [tilespmem:s12+$0x40]  }
0x91: {  	v7 =	vld @!p0 [tilespmem:s12+$0x50];
	vm0 =	veq.s32 @!p0 v2, $0x186A0  }
0x92: {  	v8 =	vld @!p0 [tilespmem:s12+$0x60];
	v2 =	vsel @!p0 vm0, $0x0, v2;
	vm0 =	veq.s32 @!p0 v3, $0x186A0  }
0x93: {  	[tilespmem:s12+$0x1900] =	vst @!p0 v2;
	v2 =	vsel @!p0 vm0, $0x0, v3;
	vm0 =	veq.s32 @!p0 v4, $0x186A0;
	v3 =	vld @!p0 [tilespmem:s12+$0x70]  }
0x94: {  	[tilespmem:s12+$0x1910] =	vst @!p0 v2;
	v2 =	vsel @!p0 vm0, $0x0, v4;
	vm0 =	veq.s32 @!p0 v5, $0x186A0  }
0x95: {  	[tilespmem:s12+$0x1920] =	vst @!p0 v2;
	v2 =	vsel @!p0 vm0, $0x0, v5;
	vm0 =	veq.s32 @!p0 v6, $0x186A0  }
0x96: {  	[tilespmem:s12+$0x1930] =	vst @!p0 v2;
	v2 =	vsel @!p0 vm0, $0x0, v6;
	vm0 =	veq.s32 @!p0 v7, $0x186A0  }
0x97: {  	[tilespmem:s12+$0x1940] =	vst @!p0 v2;
	v2 =	vsel @!p0 vm0, $0x0, v7;
	vm0 =	veq.s32 @!p0 v8, $0x186A0  }
0x98: {  	s13 =	sand.u32 @!p0 $0x7, s11;
	[tilespmem:s12+$0x1950] =	vst @!p0 v2;
	v2 =	vsel @!p0 vm0, $0x0, v8;
	vm0 =	veq.s32 @!p0 v3, $0x186A0  }
0x99: {  	s11 =	sand.u32 $0x7, s9;
	s14 =	sadd.s32 @!p0 $0x1900, s12;
	s15 =	sshll.u32 @!p0 s13, $0xD;
	[tilespmem:s12+$0x1960] =	vst @!p0 v2;
	v2 =	vsel @!p0 vm0, $0x0, v3  }
0x9a: {  	s13 =	sadd.s32 @!p0 $0x1, s13;
	[tilespmem:s12+$0x1970] =	vst @!p0 v2;
	s12 =	sadd.s32 @!p0 $0x3200, s15;
	s15 =	simm.s32 @!p0 $0x80  }
0x9b: {  	[tilespmem:s12], [sflag:s13] =	stream.indirect.gather @!p0 [hbm4b:s4+s15], $0x40, s14, s15, $0xb8;
	[tilespmem:$0x1B240] =	vst v63  }
0x9c: {  	s13 =	sadd.s32 $0x1, s11  }
0x9d: {  	_ =	swait.ge [sflag:s13], $0x2000  }
0x9e: {  	s14 =	sshll.u32 s9, $0x7;
	[sflag:s13] =	ssyncset.done $0x0  }
0x9f: {  	[sflag:s13] =	ssyncadd.s32 $0xFFFFE000;
	s13 =	sand.u32 $0x3FFFFF80, s14  }
0xa0: {  	v2 =	vld [tilespmem:s13+$0x0];
	_ =	sdelay $0x4  }
0xa1: {  	vm15 =	veq.s32 v2, $0x186A0  }
0xa2: {  	v2 =	vsel vm15, $0x1, v0  }
0xa3: {  	v2 =	vor.u32 $0x80000000, v2  }
0xa4: {  	(xrf0) =	vmax.scan.msk.u32 $0xffff, v2;
	_ =	sdelay $0x5  }
0xa5: {  	v3, _, _ =	vpop (xrf0)  }
0xa6: {  	(v2sf) =	vpush v3, $0xF;
	_ =	sdelay $0xe  }
0xa7: {  	s15 =	spop (v2sf)  }
0xa8: {  	p0 =	slt.u32 s15, $0x80000001  }
.Ltmp0:
0xa9: {  	_ = 	snop;
	(pc) =	sbr.rel @p0 .LBB2_6-.Ltmp0, $3  }
0xaa: {  	_ =	sdelay $0x1  }
0xab: {  	s16 =	sshll.u32 s2, $0xD  }
0xac: {  	s12 =	sand.u32 $0xE000, s16  }
0xad: {  	s14 =	simm.s32 $0x0  }
0xae: {  	v3 =	vmov s14  }
0xaf: {  	vm0 =	veq.s32 v3, v1  }
0xb0: {  	v3 =	vnsel vm0, $0x80000000, v2  }
0xb1: {  	(xrf0) =	vmax.scan.msk.u32 $0xffff, v3;
	_ =	sdelay $0x5  }
0xb2: {  	v3, _, _ =	vpop (xrf0)  }
0xb3: {  	(v2sf) =	vpush v3, $0xF;
	_ =	sdelay $0xc  }
0xb4: {  	s15 =	simm.s32 $0x1  }
0xb5: {  	v4 =	vmov s15  }
0xb6: {  	vm15 =	veq.s32 v4, v1;
	s16 =	spop (v2sf)  }
0xb7: {  	v4 =	vnsel vm15, $0x80000000, v2;
	p0 =	slt.u32 s16, $0x80000001  }
0xb8: {  	(xrf0) =	vmax.scan.msk.u32 $0xffff, v4;
	v3 =	vld @!p0 [tilespmem:$0x1B200];
	_ =	sdelay $0x3  }
0xb9: {  	s14 =	sadd.s32 $0x3220, s12  }
0xba: {  	[tilespmem:s14+$0xFFFFFFE0] =	vst @!p0 v3  }
0xbb: {  	v4, _, _ =	vpop (xrf0);
	v3 =	vld @!p0 [tilespmem:$0x1B210]  }
0xbc: {  	(v2sf) =	vpush v4, $0xF;
	_ =	sdelay $0x3  }
0xbd: {  	[tilespmem:s14+$0xFFFFFFF0] =	vst @!p0 v3  }
0xbe: {  	v3 =	vld @!p0 [tilespmem:$0x1B220];
	_ =	sdelay $0x4  }
0xbf: {  	[tilespmem:s14+$0x0] =	vst @!p0 v3  }
0xc0: {  	s15 =	simm.s32 $0x2;
	v3 =	vld @!p0 [tilespmem:$0x1B230]  }
.LBB2_4:
0xc1: {  	_ =	sdelay $0x1  }
0xc2: {  	v4 =	vmov s15;
	s15 =	sadd.s32 $0x1, s15  }
0xc3: {  	vm0 =	veq.s32 v4, v1;
	p1 =	sne.s32 s15, $0x10;
	s16 =	spop (v2sf)  }
0xc4: {  	v4 =	vnsel vm0, $0x80000000, v2;
	[tilespmem:s14+$0x10] =	vst @!p0 v3;
	p0 =	slt.u32 s16, $0x80000001  }
0xc5: {  	(xrf0) =	vmax.scan.msk.u32 $0xffff, v4;
	v3 =	vld @!p0 [tilespmem:$0x1B200];
	_ =	sdelay $0x3  }
0xc6: {  	s14 =	sadd.s32 $0x40, s14  }
0xc7: {  	[tilespmem:s14+$0xFFFFFFE0] =	vst @!p0 v3  }
0xc8: {  	v3, _, _ =	vpop (xrf0);
	v4 =	vld @!p0 [tilespmem:$0x1B210]  }
0xc9: {  	(v2sf) =	vpush v3, $0xF;
	_ =	sdelay $0x3  }
0xca: {  	[tilespmem:s14+$0xFFFFFFF0] =	vst @!p0 v4  }
0xcb: {  	v3 =	vld @!p0 [tilespmem:$0x1B220];
	_ =	sdelay $0x1  }
.Ltmp1:
0xcc: {  	(pc) =	sbr.rel @p1 .LBB2_4-.Ltmp1, $3  }
0xcd: {  	_ =	sdelay $0x1  }
0xce: {  	[tilespmem:s14+$0x0] =	vst @!p0 v3  }
0xcf: {  	v3 =	vld @!p0 [tilespmem:$0x1B230]  }
0xd0: {  	_ =	sdelay $0x2  }
0xd1: {  	s15 =	spop (v2sf)  }
0xd2: {  	p1 =	slt.u32 s15, $0x80000001;
	[tilespmem:s14+$0x10] =	vst @!p0 v3  }
0xd3: {  	v2 =	vld @!p1 [tilespmem:$0x1B200];
	_ =	sdelay $0x3  }
0xd4: {  	s14 =	sadd.s32 $0x40, s14  }
0xd5: {  	[tilespmem:s14+$0xFFFFFFE0] =	vst @!p1 v2  }
0xd6: {  	v2 =	vld @!p1 [tilespmem:$0x1B210];
	_ =	sdelay $0x4  }
0xd7: {  	[tilespmem:s14+$0xFFFFFFF0] =	vst @!p1 v2  }
0xd8: {  	v2 =	vld @!p1 [tilespmem:$0x1B220];
	_ =	sdelay $0x4  }
0xd9: {  	[tilespmem:s14+$0x0] =	vst @!p1 v2  }
0xda: {  	v2 =	vld @!p1 [tilespmem:$0x1B230];
	_ =	sdelay $0x4  }
0xdb: {  	[tilespmem:s14+$0x10] =	vst @!p1 v2  }
.LBB2_6:
0xdc: {  	v2 =	vld [tilespmem:s13+$0x10];
	_ =	sdelay $0x4  }
0xdd: {  	vm0 =	veq.s32 v2, $0x186A0  }
0xde: {  	v2 =	vsel vm0, $0x1, v0  }
0xdf: {  	v2 =	vor.u32 $0x80000000, v2  }
0xe0: {  	(xrf0) =	vmax.scan.msk.u32 $0xffff, v2;
	_ =	sdelay $0x5  }
0xe1: {  	v3, _, _ =	vpop (xrf0)  }
0xe2: {  	(v2sf) =	vpush v3, $0xF;
	_ =	sdelay $0xe  }
0xe3: {  	s14 =	spop (v2sf)  }
0xe4: {  	p0 =	slt.u32 s14, $0x80000001  }
.Ltmp2:
0xe5: {  	_ = 	snop;
	(pc) =	sbr.rel @p0 .LBB2_10-.Ltmp2, $1  }
0xe6: {  	_ =	sdelay $0x3  }
0xe7: {  	s14 =	simm.s32 $0x0  }
0xe8: {  	v3 =	vmov s14  }
0xe9: {  	vm0 =	veq.s32 v3, v1  }
0xea: {  	v3 =	vnsel vm0, $0x80000000, v2  }
0xeb: {  	(xrf0) =	vmax.scan.msk.u32 $0xffff, v3;
	_ =	sdelay $0x5  }
0xec: {  	v3, _, _ =	vpop (xrf0)  }
0xed: {  	(v2sf) =	vpush v3, $0xF;
	_ =	sdelay $0xc  }
0xee: {  	s15 =	simm.s32 $0x1  }
0xef: {  	v4 =	vmov s15  }
0xf0: {  	vm15 =	veq.s32 v4, v1;
	s16 =	spop (v2sf)  }
0xf1: {  	v4 =	vnsel vm15, $0x80000000, v2;
	p0 =	slt.u32 s16, $0x80000001  }
0xf2: {  	(xrf0) =	vmax.scan.msk.u32 $0xffff, v4;
	v3 =	vld @!p0 [tilespmem:$0x1B200];
	_ =	sdelay $0x3  }
0xf3: {  	s14 =	sadd.s32 $0x3630, s12  }
0xf4: {  	[tilespmem:s14+$0xFFFFFFD0] =	vst @!p0 v3  }
0xf5: {  	v4, _, _ =	vpop (xrf0);
	v3 =	vld @!p0 [tilespmem:$0x1B210]  }
0xf6: {  	(v2sf) =	vpush v4, $0xF;
	_ =	sdelay $0x3  }
0xf7: {  	[tilespmem:s14+$0xFFFFFFE0] =	vst @!p0 v3  }
0xf8: {  	v3 =	vld @!p0 [tilespmem:$0x1B220];
	_ =	sdelay $0x4  }
0xf9: {  	[tilespmem:s14+$0xFFFFFFF0] =	vst @!p0 v3  }
0xfa: {  	s15 =	simm.s32 $0x2;
	v3 =	vld @!p0 [tilespmem:$0x1B230]  }
.LBB2_8:
0xfb: {  	_ =	sdelay $0x1  }
0xfc: {  	v4 =	vmov s15;
	s15 =	sadd.s32 $0x1, s15  }
0xfd: {  	vm0 =	veq.s32 v4, v1;
	p1 =	sne.s32 s15, $0x10;
	s16 =	spop (v2sf)  }
0xfe: {  	v4 =	vnsel vm0, $0x80000000, v2;
	[tilespmem:s14+$0x0] =	vst @!p0 v3;
	p0 =	slt.u32 s16, $0x80000001  }
0xff: {  	(xrf0) =	vmax.scan.msk.u32 $0xffff, v4;
	v3 =	vld @!p0 [tilespmem:$0x1B200];
	_ =	sdelay $0x3  }
0x100: {  	s14 =	sadd.s32 $0x40, s14  }
0x101: {  	[tilespmem:s14+$0xFFFFFFD0] =	vst @!p0 v3  }
0x102: {  	v3, _, _ =	vpop (xrf0);
	v4 =	vld @!p0 [tilespmem:$0x1B210]  }
0x103: {  	(v2sf) =	vpush v3, $0xF;
	_ =	sdelay $0x3  }
0x104: {  	[tilespmem:s14+$0xFFFFFFE0] =	vst @!p0 v4  }
0x105: {  	v3 =	vld @!p0 [tilespmem:$0x1B220];
	_ =	sdelay $0x1  }
.Ltmp3:
0x106: {  	(pc) =	sbr.rel @p1 .LBB2_8-.Ltmp3, $3  }
0x107: {  	_ =	sdelay $0x1  }
0x108: {  	[tilespmem:s14+$0xFFFFFFF0] =	vst @!p0 v3  }
0x109: {  	v3 =	vld @!p0 [tilespmem:$0x1B230]  }
0x10a: {  	_ =	sdelay $0x2  }
0x10b: {  	s15 =	spop (v2sf)  }
0x10c: {  	p1 =	slt.u32 s15, $0x80000001;
	[tilespmem:s14+$0x0] =	vst @!p0 v3  }
0x10d: {  	v2 =	vld @!p1 [tilespmem:$0x1B200];
	_ =	sdelay $0x3  }
0x10e: {  	s14 =	sadd.s32 $0x40, s14  }
0x10f: {  	[tilespmem:s14+$0xFFFFFFD0] =	vst @!p1 v2  }
0x110: {  	v2 =	vld @!p1 [tilespmem:$0x1B210];
	_ =	sdelay $0x4  }
0x111: {  	[tilespmem:s14+$0xFFFFFFE0] =	vst @!p1 v2  }
0x112: {  	v2 =	vld @!p1 [tilespmem:$0x1B220];
	_ =	sdelay $0x4  }
0x113: {  	[tilespmem:s14+$0xFFFFFFF0] =	vst @!p1 v2  }
0x114: {  	v2 =	vld @!p1 [tilespmem:$0x1B230];
	_ =	sdelay $0x4  }
0x115: {  	[tilespmem:s14+$0x0] =	vst @!p1 v2  }
.LBB2_10:
0x116: {  	v2 =	vld [tilespmem:s13+$0x20];
	_ =	sdelay $0x4  }
0x117: {  	vm0 =	veq.s32 v2, $0x186A0  }
0x118: {  	v2 =	vsel vm0, $0x1, v0  }
0x119: {  	v2 =	vor.u32 $0x80000000, v2  }
0x11a: {  	(xrf0) =	vmax.scan.msk.u32 $0xffff, v2;
	_ =	sdelay $0x5  }
0x11b: {  	v3, _, _ =	vpop (xrf0)  }
0x11c: {  	(v2sf) =	vpush v3, $0xF;
	_ =	sdelay $0xe  }
0x11d: {  	s14 =	spop (v2sf)  }
0x11e: {  	p0 =	slt.u32 s14, $0x80000001  }
.Ltmp4:
0x11f: {  	_ = 	snop;
	(pc) =	sbr.rel @p0 .LBB2_14-.Ltmp4, $1  }
0x120: {  	_ =	sdelay $0x3  }
0x121: {  	s14 =	simm.s32 $0x0  }
0x122: {  	v3 =	vmov s14  }
0x123: {  	vm0 =	veq.s32 v3, v1  }
0x124: {  	v3 =	vnsel vm0, $0x80000000, v2  }
0x125: {  	(xrf0) =	vmax.scan.msk.u32 $0xffff, v3;
	_ =	sdelay $0x5  }
0x126: {  	v3, _, _ =	vpop (xrf0)  }
0x127: {  	(v2sf) =	vpush v3, $0xF;
	_ =	sdelay $0xc  }
0x128: {  	s15 =	simm.s32 $0x1  }
0x129: {  	v4 =	vmov s15  }
0x12a: {  	vm15 =	veq.s32 v4, v1;
	s16 =	spop (v2sf)  }
0x12b: {  	v4 =	vnsel vm15, $0x80000000, v2;
	p0 =	slt.u32 s16, $0x80000001  }
0x12c: {  	(xrf0) =	vmax.scan.msk.u32 $0xffff, v4;
	v3 =	vld @!p0 [tilespmem:$0x1B200];
	_ =	sdelay $0x3  }
0x12d: {  	s14 =	sadd.s32 $0x3A30, s12  }
0x12e: {  	[tilespmem:s14+$0xFFFFFFD0] =	vst @!p0 v3  }
0x12f: {  	v4, _, _ =	vpop (xrf0);
	v3 =	vld @!p0 [tilespmem:$0x1B210]  }
0x130: {  	(v2sf) =	vpush v4, $0xF;
	_ =	sdelay $0x3  }
0x131: {  	[tilespmem:s14+$0xFFFFFFE0] =	vst @!p0 v3  }
0x132: {  	v3 =	vld @!p0 [tilespmem:$0x1B220];
	_ =	sdelay $0x4  }
0x133: {  	[tilespmem:s14+$0xFFFFFFF0] =	vst @!p0 v3  }
0x134: {  	s15 =	simm.s32 $0x2;
	v3 =	vld @!p0 [tilespmem:$0x1B230]  }
.LBB2_12:
0x135: {  	_ =	sdelay $0x1  }
0x136: {  	v4 =	vmov s15;
	s15 =	sadd.s32 $0x1, s15  }
0x137: {  	vm0 =	veq.s32 v4, v1;
	p1 =	sne.s32 s15, $0x10;
	s16 =	spop (v2sf)  }
0x138: {  	v4 =	vnsel vm0, $0x80000000, v2;
	[tilespmem:s14+$0x0] =	vst @!p0 v3;
	p0 =	slt.u32 s16, $0x80000001  }
0x139: {  	(xrf0) =	vmax.scan.msk.u32 $0xffff, v4;
	v3 =	vld @!p0 [tilespmem:$0x1B200];
	_ =	sdelay $0x3  }
0x13a: {  	s14 =	sadd.s32 $0x40, s14  }
0x13b: {  	[tilespmem:s14+$0xFFFFFFD0] =	vst @!p0 v3  }
0x13c: {  	v3, _, _ =	vpop (xrf0);
	v4 =	vld @!p0 [tilespmem:$0x1B210]  }
0x13d: {  	(v2sf) =	vpush v3, $0xF;
	_ =	sdelay $0x3  }
0x13e: {  	[tilespmem:s14+$0xFFFFFFE0] =	vst @!p0 v4  }
0x13f: {  	v3 =	vld @!p0 [tilespmem:$0x1B220];
	_ =	sdelay $0x1  }
.Ltmp5:
0x140: {  	(pc) =	sbr.rel @p1 .LBB2_12-.Ltmp5, $3  }
0x141: {  	_ =	sdelay $0x1  }
0x142: {  	[tilespmem:s14+$0xFFFFFFF0] =	vst @!p0 v3  }
0x143: {  	v3 =	vld @!p0 [tilespmem:$0x1B230]  }
0x144: {  	_ =	sdelay $0x2  }
0x145: {  	s15 =	spop (v2sf)  }
0x146: {  	p1 =	slt.u32 s15, $0x80000001;
	[tilespmem:s14+$0x0] =	vst @!p0 v3  }
0x147: {  	v2 =	vld @!p1 [tilespmem:$0x1B200];
	_ =	sdelay $0x3  }
0x148: {  	s14 =	sadd.s32 $0x40, s14  }
0x149: {  	[tilespmem:s14+$0xFFFFFFD0] =	vst @!p1 v2  }
0x14a: {  	v2 =	vld @!p1 [tilespmem:$0x1B210];
	_ =	sdelay $0x4  }
0x14b: {  	[tilespmem:s14+$0xFFFFFFE0] =	vst @!p1 v2  }
0x14c: {  	v2 =	vld @!p1 [tilespmem:$0x1B220];
	_ =	sdelay $0x4  }
0x14d: {  	[tilespmem:s14+$0xFFFFFFF0] =	vst @!p1 v2  }
0x14e: {  	v2 =	vld @!p1 [tilespmem:$0x1B230];
	_ =	sdelay $0x4  }
0x14f: {  	[tilespmem:s14+$0x0] =	vst @!p1 v2  }
.LBB2_14:
0x150: {  	v2 =	vld [tilespmem:s13+$0x30];
	_ =	sdelay $0x4  }
0x151: {  	vm0 =	veq.s32 v2, $0x186A0  }
0x152: {  	v2 =	vsel vm0, $0x1, v0  }
0x153: {  	v2 =	vor.u32 $0x80000000, v2  }
0x154: {  	(xrf0) =	vmax.scan.msk.u32 $0xffff, v2;
	_ =	sdelay $0x5  }
0x155: {  	v3, _, _ =	vpop (xrf0)  }
0x156: {  	(v2sf) =	vpush v3, $0xF;
	_ =	sdelay $0xe  }
0x157: {  	s14 =	spop (v2sf)  }
0x158: {  	p0 =	slt.u32 s14, $0x80000001  }
.Ltmp6:
0x159: {  	_ = 	snop;
	(pc) =	sbr.rel @p0 .LBB2_18-.Ltmp6, $1  }
0x15a: {  	_ =	sdelay $0x3  }
0x15b: {  	s14 =	simm.s32 $0x0  }
0x15c: {  	v3 =	vmov s14  }
0x15d: {  	vm0 =	veq.s32 v3, v1  }
0x15e: {  	v3 =	vnsel vm0, $0x80000000, v2  }
0x15f: {  	(xrf0) =	vmax.scan.msk.u32 $0xffff, v3;
	_ =	sdelay $0x5  }
0x160: {  	v3, _, _ =	vpop (xrf0)  }
0x161: {  	(v2sf) =	vpush v3, $0xF;
	_ =	sdelay $0xc  }
0x162: {  	s15 =	simm.s32 $0x1  }
0x163: {  	v4 =	vmov s15  }
0x164: {  	vm15 =	veq.s32 v4, v1;
	s16 =	spop (v2sf)  }
0x165: {  	v4 =	vnsel vm15, $0x80000000, v2;
	p0 =	slt.u32 s16, $0x80000001  }
0x166: {  	(xrf0) =	vmax.scan.msk.u32 $0xffff, v4;
	v3 =	vld @!p0 [tilespmem:$0x1B200];
	_ =	sdelay $0x3  }
0x167: {  	s14 =	sadd.s32 $0x3E30, s12  }
0x168: {  	[tilespmem:s14+$0xFFFFFFD0] =	vst @!p0 v3  }
0x169: {  	v4, _, _ =	vpop (xrf0);
	v3 =	vld @!p0 [tilespmem:$0x1B210]  }
0x16a: {  	(v2sf) =	vpush v4, $0xF;
	_ =	sdelay $0x3  }
0x16b: {  	[tilespmem:s14+$0xFFFFFFE0] =	vst @!p0 v3  }
0x16c: {  	v3 =	vld @!p0 [tilespmem:$0x1B220];
	_ =	sdelay $0x4  }
0x16d: {  	[tilespmem:s14+$0xFFFFFFF0] =	vst @!p0 v3  }
0x16e: {  	s15 =	simm.s32 $0x2;
	v3 =	vld @!p0 [tilespmem:$0x1B230]  }
.LBB2_16:
0x16f: {  	_ =	sdelay $0x1  }
0x170: {  	v4 =	vmov s15;
	s15 =	sadd.s32 $0x1, s15  }
0x171: {  	vm0 =	veq.s32 v4, v1;
	p1 =	sne.s32 s15, $0x10;
	s16 =	spop (v2sf)  }
0x172: {  	v4 =	vnsel vm0, $0x80000000, v2;
	[tilespmem:s14+$0x0] =	vst @!p0 v3;
	p0 =	slt.u32 s16, $0x80000001  }
0x173: {  	(xrf0) =	vmax.scan.msk.u32 $0xffff, v4;
	v3 =	vld @!p0 [tilespmem:$0x1B200];
	_ =	sdelay $0x3  }
0x174: {  	s14 =	sadd.s32 $0x40, s14  }
0x175: {  	[tilespmem:s14+$0xFFFFFFD0] =	vst @!p0 v3  }
0x176: {  	v3, _, _ =	vpop (xrf0);
	v4 =	vld @!p0 [tilespmem:$0x1B210]  }
0x177: {  	(v2sf) =	vpush v3, $0xF;
	_ =	sdelay $0x3  }
0x178: {  	[tilespmem:s14+$0xFFFFFFE0] =	vst @!p0 v4  }
0x179: {  	v3 =	vld @!p0 [tilespmem:$0x1B220];
	_ =	sdelay $0x1  }
.Ltmp7:
0x17a: {  	(pc) =	sbr.rel @p1 .LBB2_16-.Ltmp7, $3  }
0x17b: {  	_ =	sdelay $0x1  }
0x17c: {  	[tilespmem:s14+$0xFFFFFFF0] =	vst @!p0 v3  }
0x17d: {  	v3 =	vld @!p0 [tilespmem:$0x1B230]  }
0x17e: {  	_ =	sdelay $0x2  }
0x17f: {  	s15 =	spop (v2sf)  }
0x180: {  	p1 =	slt.u32 s15, $0x80000001;
	[tilespmem:s14+$0x0] =	vst @!p0 v3  }
0x181: {  	v2 =	vld @!p1 [tilespmem:$0x1B200];
	_ =	sdelay $0x3  }
0x182: {  	s14 =	sadd.s32 $0x40, s14  }
0x183: {  	[tilespmem:s14+$0xFFFFFFD0] =	vst @!p1 v2  }
0x184: {  	v2 =	vld @!p1 [tilespmem:$0x1B210];
	_ =	sdelay $0x4  }
0x185: {  	[tilespmem:s14+$0xFFFFFFE0] =	vst @!p1 v2  }
0x186: {  	v2 =	vld @!p1 [tilespmem:$0x1B220];
	_ =	sdelay $0x4  }
0x187: {  	[tilespmem:s14+$0xFFFFFFF0] =	vst @!p1 v2  }
0x188: {  	v2 =	vld @!p1 [tilespmem:$0x1B230];
	_ =	sdelay $0x4  }
0x189: {  	[tilespmem:s14+$0x0] =	vst @!p1 v2  }
.LBB2_18:
0x18a: {  	v2 =	vld [tilespmem:s13+$0x40];
	_ =	sdelay $0x4  }
0x18b: {  	vm0 =	veq.s32 v2, $0x186A0  }
0x18c: {  	v2 =	vsel vm0, $0x1, v0  }
0x18d: {  	v2 =	vor.u32 $0x80000000, v2  }
0x18e: {  	(xrf0) =	vmax.scan.msk.u32 $0xffff, v2;
	_ =	sdelay $0x5  }
0x18f: {  	v3, _, _ =	vpop (xrf0)  }
0x190: {  	(v2sf) =	vpush v3, $0xF;
	_ =	sdelay $0xe  }
0x191: {  	s14 =	spop (v2sf)  }
0x192: {  	p0 =	slt.u32 s14, $0x80000001  }
.Ltmp8:
0x193: {  	_ = 	snop;
	(pc) =	sbr.rel @p0 .LBB2_22-.Ltmp8, $1  }
0x194: {  	_ =	sdelay $0x3  }
0x195: {  	s14 =	simm.s32 $0x0  }
0x196: {  	v3 =	vmov s14  }
0x197: {  	vm0 =	veq.s32 v3, v1  }
0x198: {  	v3 =	vnsel vm0, $0x80000000, v2  }
0x199: {  	(xrf0) =	vmax.scan.msk.u32 $0xffff, v3;
	_ =	sdelay $0x5  }
0x19a: {  	v3, _, _ =	vpop (xrf0)  }
0x19b: {  	(v2sf) =	vpush v3, $0xF;
	_ =	sdelay $0xc  }
0x19c: {  	s15 =	simm.s32 $0x1  }
0x19d: {  	v4 =	vmov s15  }
0x19e: {  	vm15 =	veq.s32 v4, v1;
	s16 =	spop (v2sf)  }
0x19f: {  	v4 =	vnsel vm15, $0x80000000, v2;
	p0 =	slt.u32 s16, $0x80000001  }
0x1a0: {  	(xrf0) =	vmax.scan.msk.u32 $0xffff, v4;
	v3 =	vld @!p0 [tilespmem:$0x1B200];
	_ =	sdelay $0x3  }
0x1a1: {  	s14 =	sadd.s32 $0x4230, s12  }
0x1a2: {  	[tilespmem:s14+$0xFFFFFFD0] =	vst @!p0 v3  }
0x1a3: {  	v4, _, _ =	vpop (xrf0);
	v3 =	vld @!p0 [tilespmem:$0x1B210]  }
0x1a4: {  	(v2sf) =	vpush v4, $0xF;
	_ =	sdelay $0x3  }
0x1a5: {  	[tilespmem:s14+$0xFFFFFFE0] =	vst @!p0 v3  }
0x1a6: {  	v3 =	vld @!p0 [tilespmem:$0x1B220];
	_ =	sdelay $0x4  }
0x1a7: {  	[tilespmem:s14+$0xFFFFFFF0] =	vst @!p0 v3  }
0x1a8: {  	s15 =	simm.s32 $0x2;
	v3 =	vld @!p0 [tilespmem:$0x1B230]  }
.LBB2_20:
0x1a9: {  	_ =	sdelay $0x1  }
0x1aa: {  	v4 =	vmov s15;
	s15 =	sadd.s32 $0x1, s15  }
0x1ab: {  	vm0 =	veq.s32 v4, v1;
	p1 =	sne.s32 s15, $0x10;
	s16 =	spop (v2sf)  }
0x1ac: {  	v4 =	vnsel vm0, $0x80000000, v2;
	[tilespmem:s14+$0x0] =	vst @!p0 v3;
	p0 =	slt.u32 s16, $0x80000001  }
0x1ad: {  	(xrf0) =	vmax.scan.msk.u32 $0xffff, v4;
	v3 =	vld @!p0 [tilespmem:$0x1B200];
	_ =	sdelay $0x3  }
0x1ae: {  	s14 =	sadd.s32 $0x40, s14  }
0x1af: {  	[tilespmem:s14+$0xFFFFFFD0] =	vst @!p0 v3  }
0x1b0: {  	v3, _, _ =	vpop (xrf0);
	v4 =	vld @!p0 [tilespmem:$0x1B210]  }
0x1b1: {  	(v2sf) =	vpush v3, $0xF;
	_ =	sdelay $0x3  }
0x1b2: {  	[tilespmem:s14+$0xFFFFFFE0] =	vst @!p0 v4  }
0x1b3: {  	v3 =	vld @!p0 [tilespmem:$0x1B220];
	_ =	sdelay $0x1  }
.Ltmp9:
0x1b4: {  	(pc) =	sbr.rel @p1 .LBB2_20-.Ltmp9, $3  }
0x1b5: {  	_ =	sdelay $0x1  }
0x1b6: {  	[tilespmem:s14+$0xFFFFFFF0] =	vst @!p0 v3  }
0x1b7: {  	v3 =	vld @!p0 [tilespmem:$0x1B230]  }
0x1b8: {  	_ =	sdelay $0x2  }
0x1b9: {  	s15 =	spop (v2sf)  }
0x1ba: {  	p1 =	slt.u32 s15, $0x80000001;
	[tilespmem:s14+$0x0] =	vst @!p0 v3  }
0x1bb: {  	v2 =	vld @!p1 [tilespmem:$0x1B200];
	_ =	sdelay $0x3  }
0x1bc: {  	s14 =	sadd.s32 $0x40, s14  }
0x1bd: {  	[tilespmem:s14+$0xFFFFFFD0] =	vst @!p1 v2  }
0x1be: {  	v2 =	vld @!p1 [tilespmem:$0x1B210];
	_ =	sdelay $0x4  }
0x1bf: {  	[tilespmem:s14+$0xFFFFFFE0] =	vst @!p1 v2  }
0x1c0: {  	v2 =	vld @!p1 [tilespmem:$0x1B220];
	_ =	sdelay $0x4  }
0x1c1: {  	[tilespmem:s14+$0xFFFFFFF0] =	vst @!p1 v2  }
0x1c2: {  	v2 =	vld @!p1 [tilespmem:$0x1B230];
	_ =	sdelay $0x4  }
0x1c3: {  	[tilespmem:s14+$0x0] =	vst @!p1 v2  }
.LBB2_22:
0x1c4: {  	v2 =	vld [tilespmem:s13+$0x50];
	_ =	sdelay $0x4  }
0x1c5: {  	vm0 =	veq.s32 v2, $0x186A0  }
0x1c6: {  	v2 =	vsel vm0, $0x1, v0  }
0x1c7: {  	v2 =	vor.u32 $0x80000000, v2  }
0x1c8: {  	(xrf0) =	vmax.scan.msk.u32 $0xffff, v2;
	_ =	sdelay $0x5  }
0x1c9: {  	v3, _, _ =	vpop (xrf0)  }
0x1ca: {  	(v2sf) =	vpush v3, $0xF;
	_ =	sdelay $0xe  }
0x1cb: {  	s14 =	spop (v2sf)  }
0x1cc: {  	p0 =	slt.u32 s14, $0x80000001  }
.Ltmp10:
0x1cd: {  	_ = 	snop;
	(pc) =	sbr.rel @p0 .LBB2_26-.Ltmp10, $1  }
0x1ce: {  	_ =	sdelay $0x3  }
0x1cf: {  	s14 =	simm.s32 $0x0  }
0x1d0: {  	v3 =	vmov s14  }
0x1d1: {  	vm0 =	veq.s32 v3, v1  }
0x1d2: {  	v3 =	vnsel vm0, $0x80000000, v2  }
0x1d3: {  	(xrf0) =	vmax.scan.msk.u32 $0xffff, v3;
	_ =	sdelay $0x5  }
0x1d4: {  	v3, _, _ =	vpop (xrf0)  }
0x1d5: {  	(v2sf) =	vpush v3, $0xF;
	_ =	sdelay $0xc  }
0x1d6: {  	s15 =	simm.s32 $0x1  }
0x1d7: {  	v4 =	vmov s15  }
0x1d8: {  	vm15 =	veq.s32 v4, v1;
	s16 =	spop (v2sf)  }
0x1d9: {  	v4 =	vnsel vm15, $0x80000000, v2;
	p0 =	slt.u32 s16, $0x80000001  }
0x1da: {  	(xrf0) =	vmax.scan.msk.u32 $0xffff, v4;
	v3 =	vld @!p0 [tilespmem:$0x1B200];
	_ =	sdelay $0x3  }
0x1db: {  	s14 =	sadd.s32 $0x4630, s12  }
0x1dc: {  	[tilespmem:s14+$0xFFFFFFD0] =	vst @!p0 v3  }
0x1dd: {  	v4, _, _ =	vpop (xrf0);
	v3 =	vld @!p0 [tilespmem:$0x1B210]  }
0x1de: {  	(v2sf) =	vpush v4, $0xF;
	_ =	sdelay $0x3  }
0x1df: {  	[tilespmem:s14+$0xFFFFFFE0] =	vst @!p0 v3  }
0x1e0: {  	v3 =	vld @!p0 [tilespmem:$0x1B220];
	_ =	sdelay $0x4  }
0x1e1: {  	[tilespmem:s14+$0xFFFFFFF0] =	vst @!p0 v3  }
0x1e2: {  	s15 =	simm.s32 $0x2;
	v3 =	vld @!p0 [tilespmem:$0x1B230]  }
.LBB2_24:
0x1e3: {  	_ =	sdelay $0x1  }
0x1e4: {  	v4 =	vmov s15;
	s15 =	sadd.s32 $0x1, s15  }
0x1e5: {  	vm0 =	veq.s32 v4, v1;
	p1 =	sne.s32 s15, $0x10;
	s16 =	spop (v2sf)  }
0x1e6: {  	v4 =	vnsel vm0, $0x80000000, v2;
	[tilespmem:s14+$0x0] =	vst @!p0 v3;
	p0 =	slt.u32 s16, $0x80000001  }
0x1e7: {  	(xrf0) =	vmax.scan.msk.u32 $0xffff, v4;
	v3 =	vld @!p0 [tilespmem:$0x1B200];
	_ =	sdelay $0x3  }
0x1e8: {  	s14 =	sadd.s32 $0x40, s14  }
0x1e9: {  	[tilespmem:s14+$0xFFFFFFD0] =	vst @!p0 v3  }
0x1ea: {  	v3, _, _ =	vpop (xrf0);
	v4 =	vld @!p0 [tilespmem:$0x1B210]  }
0x1eb: {  	(v2sf) =	vpush v3, $0xF;
	_ =	sdelay $0x3  }
0x1ec: {  	[tilespmem:s14+$0xFFFFFFE0] =	vst @!p0 v4  }
0x1ed: {  	v3 =	vld @!p0 [tilespmem:$0x1B220];
	_ =	sdelay $0x1  }
.Ltmp11:
0x1ee: {  	(pc) =	sbr.rel @p1 .LBB2_24-.Ltmp11, $3  }
0x1ef: {  	_ =	sdelay $0x1  }
0x1f0: {  	[tilespmem:s14+$0xFFFFFFF0] =	vst @!p0 v3  }
0x1f1: {  	v3 =	vld @!p0 [tilespmem:$0x1B230]  }
0x1f2: {  	_ =	sdelay $0x2  }
0x1f3: {  	s15 =	spop (v2sf)  }
0x1f4: {  	p1 =	slt.u32 s15, $0x80000001;
	[tilespmem:s14+$0x0] =	vst @!p0 v3  }
0x1f5: {  	v2 =	vld @!p1 [tilespmem:$0x1B200];
	_ =	sdelay $0x3  }
0x1f6: {  	s14 =	sadd.s32 $0x40, s14  }
0x1f7: {  	[tilespmem:s14+$0xFFFFFFD0] =	vst @!p1 v2  }
0x1f8: {  	v2 =	vld @!p1 [tilespmem:$0x1B210];
	_ =	sdelay $0x4  }
0x1f9: {  	[tilespmem:s14+$0xFFFFFFE0] =	vst @!p1 v2  }
0x1fa: {  	v2 =	vld @!p1 [tilespmem:$0x1B220];
	_ =	sdelay $0x4  }
0x1fb: {  	[tilespmem:s14+$0xFFFFFFF0] =	vst @!p1 v2  }
0x1fc: {  	v2 =	vld @!p1 [tilespmem:$0x1B230];
	_ =	sdelay $0x4  }
0x1fd: {  	[tilespmem:s14+$0x0] =	vst @!p1 v2  }
.LBB2_26:
0x1fe: {  	v2 =	vld [tilespmem:s13+$0x60];
	_ =	sdelay $0x4  }
0x1ff: {  	vm0 =	veq.s32 v2, $0x186A0  }
0x200: {  	v2 =	vsel vm0, $0x1, v0  }
0x201: {  	v2 =	vor.u32 $0x80000000, v2  }
0x202: {  	(xrf0) =	vmax.scan.msk.u32 $0xffff, v2;
	_ =	sdelay $0x5  }
0x203: {  	v3, _, _ =	vpop (xrf0)  }
0x204: {  	(v2sf) =	vpush v3, $0xF;
	_ =	sdelay $0xe  }
0x205: {  	s14 =	spop (v2sf)  }
0x206: {  	p0 =	slt.u32 s14, $0x80000001  }
.Ltmp12:
0x207: {  	_ = 	snop;
	(pc) =	sbr.rel @p0 .LBB2_30-.Ltmp12, $1  }
0x208: {  	_ =	sdelay $0x3  }
0x209: {  	s14 =	simm.s32 $0x0  }
0x20a: {  	v3 =	vmov s14  }
0x20b: {  	vm0 =	veq.s32 v3, v1  }
0x20c: {  	v3 =	vnsel vm0, $0x80000000, v2  }
0x20d: {  	(xrf0) =	vmax.scan.msk.u32 $0xffff, v3;
	_ =	sdelay $0x5  }
0x20e: {  	v3, _, _ =	vpop (xrf0)  }
0x20f: {  	(v2sf) =	vpush v3, $0xF;
	_ =	sdelay $0xc  }
0x210: {  	s15 =	simm.s32 $0x1  }
0x211: {  	v4 =	vmov s15  }
0x212: {  	vm15 =	veq.s32 v4, v1;
	s16 =	spop (v2sf)  }
0x213: {  	v4 =	vnsel vm15, $0x80000000, v2;
	p0 =	slt.u32 s16, $0x80000001  }
0x214: {  	(xrf0) =	vmax.scan.msk.u32 $0xffff, v4;
	v3 =	vld @!p0 [tilespmem:$0x1B200];
	_ =	sdelay $0x3  }
0x215: {  	s14 =	sadd.s32 $0x4A30, s12  }
0x216: {  	[tilespmem:s14+$0xFFFFFFD0] =	vst @!p0 v3  }
0x217: {  	v4, _, _ =	vpop (xrf0);
	v3 =	vld @!p0 [tilespmem:$0x1B210]  }
0x218: {  	(v2sf) =	vpush v4, $0xF;
	_ =	sdelay $0x3  }
0x219: {  	[tilespmem:s14+$0xFFFFFFE0] =	vst @!p0 v3  }
0x21a: {  	v3 =	vld @!p0 [tilespmem:$0x1B220];
	_ =	sdelay $0x4  }
0x21b: {  	[tilespmem:s14+$0xFFFFFFF0] =	vst @!p0 v3  }
0x21c: {  	s15 =	simm.s32 $0x2;
	v3 =	vld @!p0 [tilespmem:$0x1B230]  }
.LBB2_28:
0x21d: {  	_ =	sdelay $0x1  }
0x21e: {  	v4 =	vmov s15;
	s15 =	sadd.s32 $0x1, s15  }
0x21f: {  	vm0 =	veq.s32 v4, v1;
	p1 =	sne.s32 s15, $0x10;
	s16 =	spop (v2sf)  }
0x220: {  	v4 =	vnsel vm0, $0x80000000, v2;
	[tilespmem:s14+$0x0] =	vst @!p0 v3;
	p0 =	slt.u32 s16, $0x80000001  }
0x221: {  	(xrf0) =	vmax.scan.msk.u32 $0xffff, v4;
	v3 =	vld @!p0 [tilespmem:$0x1B200];
	_ =	sdelay $0x3  }
0x222: {  	s14 =	sadd.s32 $0x40, s14  }
0x223: {  	[tilespmem:s14+$0xFFFFFFD0] =	vst @!p0 v3  }
0x224: {  	v3, _, _ =	vpop (xrf0);
	v4 =	vld @!p0 [tilespmem:$0x1B210]  }
0x225: {  	(v2sf) =	vpush v3, $0xF;
	_ =	sdelay $0x3  }
0x226: {  	[tilespmem:s14+$0xFFFFFFE0] =	vst @!p0 v4  }
0x227: {  	v3 =	vld @!p0 [tilespmem:$0x1B220];
	_ =	sdelay $0x1  }
.Ltmp13:
0x228: {  	(pc) =	sbr.rel @p1 .LBB2_28-.Ltmp13, $3  }
0x229: {  	_ =	sdelay $0x1  }
0x22a: {  	[tilespmem:s14+$0xFFFFFFF0] =	vst @!p0 v3  }
0x22b: {  	v3 =	vld @!p0 [tilespmem:$0x1B230]  }
0x22c: {  	_ =	sdelay $0x2  }
0x22d: {  	s15 =	spop (v2sf)  }
0x22e: {  	p1 =	slt.u32 s15, $0x80000001;
	[tilespmem:s14+$0x0] =	vst @!p0 v3  }
0x22f: {  	v2 =	vld @!p1 [tilespmem:$0x1B200];
	_ =	sdelay $0x3  }
0x230: {  	s14 =	sadd.s32 $0x40, s14  }
0x231: {  	[tilespmem:s14+$0xFFFFFFD0] =	vst @!p1 v2  }
0x232: {  	v2 =	vld @!p1 [tilespmem:$0x1B210];
	_ =	sdelay $0x4  }
0x233: {  	[tilespmem:s14+$0xFFFFFFE0] =	vst @!p1 v2  }
0x234: {  	v2 =	vld @!p1 [tilespmem:$0x1B220];
	_ =	sdelay $0x4  }
0x235: {  	[tilespmem:s14+$0xFFFFFFF0] =	vst @!p1 v2  }
0x236: {  	v2 =	vld @!p1 [tilespmem:$0x1B230];
	_ =	sdelay $0x4  }
0x237: {  	[tilespmem:s14+$0x0] =	vst @!p1 v2  }
.LBB2_30:
0x238: {  	v2 =	vld [tilespmem:s13+$0x70];
	_ =	sdelay $0x4  }
0x239: {  	vm0 =	veq.s32 v2, $0x186A0  }
0x23a: {  	v2 =	vsel vm0, $0x1, v0  }
0x23b: {  	v2 =	vor.u32 $0x80000000, v2  }
0x23c: {  	(xrf0) =	vmax.scan.msk.u32 $0xffff, v2;
	_ =	sdelay $0x5  }
0x23d: {  	v3, _, _ =	vpop (xrf0)  }
0x23e: {  	(v2sf) =	vpush v3, $0xF;
	_ =	sdelay $0xe  }
0x23f: {  	s16 =	spop (v2sf)  }
0x240: {  	p0 =	slt.u32 s16, $0x80000001  }
.Ltmp14:
0x241: {  	_ = 	snop;
	(pc) =	sbr.rel @p0 .LBB2_34-.Ltmp14, $1  }
0x242: {  	_ =	sdelay $0x3  }
0x243: {  	s13 =	simm.s32 $0x0  }
0x244: {  	v3 =	vmov s13  }
0x245: {  	vm0 =	veq.s32 v3, v1  }
0x246: {  	v3 =	vnsel vm0, $0x80000000, v2  }
0x247: {  	(xrf0) =	vmax.scan.msk.u32 $0xffff, v3;
	_ =	sdelay $0x5  }
0x248: {  	v3, _, _ =	vpop (xrf0)  }
0x249: {  	(v2sf) =	vpush v3, $0xF;
	_ =	sdelay $0xc  }
0x24a: {  	s16 =	simm.s32 $0x1  }
0x24b: {  	v4 =	vmov s16  }
0x24c: {  	vm15 =	veq.s32 v4, v1;
	s15 =	spop (v2sf)  }
0x24d: {  	v4 =	vnsel vm15, $0x80000000, v2;
	p0 =	slt.u32 s15, $0x80000001  }
0x24e: {  	(xrf0) =	vmax.scan.msk.u32 $0xffff, v4;
	v3 =	vld @!p0 [tilespmem:$0x1B200];
	_ =	sdelay $0x3  }
0x24f: {  	s12 =	sadd.s32 $0x4E30, s12  }
0x250: {  	[tilespmem:s12+$0xFFFFFFD0] =	vst @!p0 v3  }
0x251: {  	v4, _, _ =	vpop (xrf0);
	v3 =	vld @!p0 [tilespmem:$0x1B210]  }
0x252: {  	(v2sf) =	vpush v4, $0xF;
	_ =	sdelay $0x3  }
0x253: {  	[tilespmem:s12+$0xFFFFFFE0] =	vst @!p0 v3  }
0x254: {  	v3 =	vld @!p0 [tilespmem:$0x1B220];
	_ =	sdelay $0x4  }
0x255: {  	[tilespmem:s12+$0xFFFFFFF0] =	vst @!p0 v3  }
0x256: {  	s13 =	simm.s32 $0x2;
	v3 =	vld @!p0 [tilespmem:$0x1B230]  }
.LBB2_32:
0x257: {  	_ =	sdelay $0x1  }
0x258: {  	v4 =	vmov s13;
	s13 =	sadd.s32 $0x1, s13  }
0x259: {  	vm0 =	veq.s32 v4, v1;
	p1 =	sne.s32 s13, $0x10;
	s14 =	spop (v2sf)  }
0x25a: {  	v4 =	vnsel vm0, $0x80000000, v2;
	[tilespmem:s12+$0x0] =	vst @!p0 v3;
	p0 =	slt.u32 s14, $0x80000001  }
0x25b: {  	(xrf0) =	vmax.scan.msk.u32 $0xffff, v4;
	v3 =	vld @!p0 [tilespmem:$0x1B200];
	_ =	sdelay $0x3  }
0x25c: {  	s12 =	sadd.s32 $0x40, s12  }
0x25d: {  	[tilespmem:s12+$0xFFFFFFD0] =	vst @!p0 v3  }
0x25e: {  	v3, _, _ =	vpop (xrf0);
	v4 =	vld @!p0 [tilespmem:$0x1B210]  }
0x25f: {  	(v2sf) =	vpush v3, $0xF;
	_ =	sdelay $0x3  }
0x260: {  	[tilespmem:s12+$0xFFFFFFE0] =	vst @!p0 v4  }
0x261: {  	v3 =	vld @!p0 [tilespmem:$0x1B220];
	_ =	sdelay $0x1  }
.Ltmp15:
0x262: {  	(pc) =	sbr.rel @p1 .LBB2_32-.Ltmp15, $3  }
0x263: {  	_ =	sdelay $0x1  }
0x264: {  	[tilespmem:s12+$0xFFFFFFF0] =	vst @!p0 v3  }
0x265: {  	v3 =	vld @!p0 [tilespmem:$0x1B230]  }
0x266: {  	_ =	sdelay $0x2  }
0x267: {  	s13 =	spop (v2sf)  }
0x268: {  	p1 =	slt.u32 s13, $0x80000001;
	[tilespmem:s12+$0x0] =	vst @!p0 v3  }
0x269: {  	v2 =	vld @!p1 [tilespmem:$0x1B200];
	_ =	sdelay $0x3  }
0x26a: {  	s12 =	sadd.s32 $0x40, s12  }
0x26b: {  	[tilespmem:s12+$0xFFFFFFD0] =	vst @!p1 v2  }
0x26c: {  	v2 =	vld @!p1 [tilespmem:$0x1B210];
	_ =	sdelay $0x4  }
0x26d: {  	[tilespmem:s12+$0xFFFFFFE0] =	vst @!p1 v2  }
0x26e: {  	v2 =	vld @!p1 [tilespmem:$0x1B220];
	_ =	sdelay $0x4  }
0x26f: {  	[tilespmem:s12+$0xFFFFFFF0] =	vst @!p1 v2  }
0x270: {  	v2 =	vld @!p1 [tilespmem:$0x1B230];
	_ =	sdelay $0x4  }
0x271: {  	[tilespmem:s12+$0x0] =	vst @!p1 v2  }
.LBB2_34:
0x272: {  	s12 =	simm.s32 $0x0  }
0x273: {  	v2 =	vmul.u32 $0x40, v1;
	v10 =	vadd.s32 s12, v1  }
0x274: {  	v11 =	vand.u32 $0x3F, v10  }
0x275: {  	p0 =	slt.u32 s9, $0x4;
	s12 =	sand.u32 $0x3, s9;
	v3 =	vor.u32 $0x400, v2;
	v7 =	vor.u32 v2, v11  }
0x276: {  	s13 =	sadd.s32 @!p0 $0x9, s12;
	v6 =	vor.u32 $0x1400, v2;
	v8 =	vor.u32 v3, v11  }
0x277: {  	s14 =	simm.s32 $0x1;
	v4 =	vor.u32 $0xC00, v2;
	_ =	swait.ge @!p0 [sflag:s13], $0x2000;
	v13 =	vor.u32 v6, v11  }
0x278: {  	s11 =	sshll.u32 s11, $0xD;
	v15 =	vadd.s32 s14, v1;
	v5 =	vor.u32 $0x800, v2;
	v9 =	vor.u32 v4, v11;
	[sflag:s13] =	ssyncset.done @!p0 $0x0  }
0x279: {  	s11 =	sadd.s32 $0x3200, s11;
	v14 =	vand.u32 $0x3F, v15;
	v12 =	vor.u32 v5, v11;
	[sflag:s13] =	ssyncadd.s32 @!p0 $0xFFFFE000  }
0x27a: {  	v17 =	vor.u32 v5, v14;
	v16 =	vld.idx.msk [tilespmem:v7+s11+$0x0], $0xffff  }
0x27b: {  	v19 =	vor.u32 v3, v14;
	v30 =	vld.idx.msk [tilespmem:v8+s11+$0x0], $0xffff  }
0x27c: {  	v7 =	vor.u32 $0x1C00, v2;
	v21 =	vld.idx.msk [tilespmem:v13+s11+$0x0], $0xffff;
	v13 =	vor.u32 v2, v14  }
0x27d: {  	v8 =	vor.u32 $0x1000, v2;
	v33 =	vld.idx.msk [tilespmem:v9+s11+$0x0], $0xffff;
	v22 =	vor.u32 v7, v14  }
0x27e: {  	v32 =	vld.idx.msk [tilespmem:v12+s11+$0x0], $0xffff;
	v23 =	vor.u32 v8, v11  }
0x27f: {  	v9 =	vor.u32 $0x1800, v2;
	v18 =	vld.idx.msk [tilespmem:v17+s11+$0x0], $0xffff;
	v24 =	vor.u32 v7, v11  }
0x280: {  	v20 =	vld.idx.msk [tilespmem:v19+s11+$0x0], $0xffff;
	v17 =	vor.u32 v9, v14  }
0x281: {  	v27 =	vor.u32 v9, v11;
	v26 =	vld.idx.msk [tilespmem:v13+s11+$0x0], $0xffff  }
0x282: {  	v10 =	vshll.u32 v10, $0x7;
	v28 =	vor.u32 v8, v14;
	v12 =	vld.idx.msk [tilespmem:v22+s11+$0x0], $0xffff  }
0x283: {  	v35 =	vand.u32 $0x1F80, v10;
	v22 =	vor.u32 v4, v14;
	v36 =	vld.idx.msk [tilespmem:v23+s11+$0x0], $0xffff  }
0x284: {  	v31 =	vor.u32 v1, v35;
	v23 =	vor.u32 v6, v14;
	v25 =	vld.idx.msk [tilespmem:v24+s11+$0x0], $0xffff  }
0x285: {  	v10 =	vor.u32 $0x10, v1;
	v19 =	vld.idx.msk [tilespmem:v17+s11+$0x0], $0xffff  }
0x286: {  	v11 =	vor.u32 $0x20, v1;
	v17 =	vor.u32 v10, v35;
	v29 =	vld.idx.msk [tilespmem:v27+s11+$0x0], $0xffff  }
0x287: {  	s16 =	sshll.u32 s12, $0xD;
	v37 =	vor.u32 v11, v35;
	v13 =	vor.u32 $0x30, v1;
	v28 =	vld.idx.msk [tilespmem:v28+s11+$0x0], $0xffff  }
0x288: {  	s13 =	sadd.s32 $0x13200, s16;
	v38 =	vor.u32 v13, v35;
	v14 =	vor.u32 $0x40, v1;
	v27 =	vld.idx.msk [tilespmem:v22+s11+$0x0], $0xffff  }
0x289: {  	v15 =	vshll.u32 v15, $0x7;
	v39 =	vor.u32 v14, v35;
	v24 =	vld.idx.msk [tilespmem:v23+s11+$0x0], $0xffff;
	[tilespmem:v31+s13+$0x0] =	vst.idx.msk $0xffff, v16;
	v16 =	vor.u32 $0x50, v1  }
0x28a: {  	v23 =	vand.u32 $0x1F80, v15;
	v15 =	vor.u32 $0x60, v1;
	v34 =	vor.u32 v16, v35  }
0x28b: {  	[tilespmem:v17+s13+$0x0] =	vst.idx.msk $0xffff, v30;
	v31 =	vor.u32 v15, v35;
	v17 =	vor.u32 $0x70, v1  }
0x28c: {  	[tilespmem:v37+s13+$0x0] =	vst.idx.msk $0xffff, v32;
	v35 =	vor.u32 v17, v35  }
0x28d: {  	v22 =	vor.u32 v13, v23;
	v32 =	vor.u32 v1, v23;
	[tilespmem:v38+s13+$0x0] =	vst.idx.msk $0xffff, v33  }
0x28e: {  	s14 =	simm.s32 $0x2;
	v30 =	vor.u32 v11, v23;
	v33 =	vor.u32 v10, v23;
	[tilespmem:v39+s13+$0x0] =	vst.idx.msk $0xffff, v36  }
.LBB2_35:
0x28f: {  	p0 =	sne.s32 s14, $0x3E;
	[tilespmem:v34+s13+$0x0] =	vst.idx.msk $0xffff, v21;
	s15 =	smov.u32 s14;
	s14 =	sadd.s32 $0x2, s14  }
0x290: {  	v21 =	vor.u32 v14, v23;
	[tilespmem:v31+s13+$0x0] =	vst.idx.msk $0xffff, v29  }
0x291: {  	[tilespmem:v35+s13+$0x0] =	vst.idx.msk $0xffff, v25;
	v25 =	vor.u32 v16, v23  }
0x292: {  	[tilespmem:v32+s13+$0x0] =	vst.idx.msk $0xffff, v26;
	v26 =	vor.u32 v15, v23  }
0x293: {  	v29 =	vadd.s32 s15, v1;
	[tilespmem:v33+s13+$0x0] =	vst.idx.msk $0xffff, v20;
	v20 =	vor.u32 v17, v23  }
0x294: {  	v23 =	vand.u32 $0x3F, v29;
	v29 =	vshll.u32 v29, $0x7;
	[tilespmem:v30+s13+$0x0] =	vst.idx.msk $0xffff, v18  }
0x295: {  	s15 =	sadd.s32 $0x1, s15;
	v18 =	vor.u32 v2, v23;
	[tilespmem:v22+s13+$0x0] =	vst.idx.msk $0xffff, v27  }
0x296: {  	v22 =	vor.u32 v3, v23;
	[tilespmem:v21+s13+$0x0] =	vst.idx.msk $0xffff, v28  }
0x297: {  	v27 =	vor.u32 v4, v23;
	v21 =	vor.u32 v5, v23;
	[tilespmem:v25+s13+$0x0] =	vst.idx.msk $0xffff, v24  }
0x298: {  	v28 =	vadd.s32 s15, v1;
	v24 =	vor.u32 v8, v23;
	v25 =	vor.u32 v6, v23;
	[tilespmem:v26+s13+$0x0] =	vst.idx.msk $0xffff, v19  }
0x299: {  	v19 =	vand.u32 $0x3F, v28;
	[tilespmem:v20+s13+$0x0] =	vst.idx.msk $0xffff, v12  }
0x29a: {  	v31 =	vor.u32 v9, v23;
	v12 =	vor.u32 v5, v19;
	v32 =	vor.u32 v9, v19;
	v30 =	vld.idx.msk [tilespmem:v18+s11+$0x0], $0xffff  }
0x29b: {  	v26 =	vor.u32 v2, v19;
	v20 =	vor.u32 v3, v19;
	v34 =	vor.u32 v4, v19;
	v33 =	vld.idx.msk [tilespmem:v22+s11+$0x0], $0xffff  }
0x29c: {  	v35 =	vor.u32 v8, v19;
	v37 =	vor.u32 v6, v19;
	v19 =	vor.u32 v7, v19;
	v36 =	vld.idx.msk [tilespmem:v27+s11+$0x0], $0xffff  }
0x29d: {  	v39 =	vand.u32 $0x1F80, v29;
	v18 =	vshll.u32 v28, $0x7;
	v27 =	vor.u32 v7, v23;
	v38 =	vld.idx.msk [tilespmem:v21+s11+$0x0], $0xffff  }
0x29e: {  	v23 =	vand.u32 $0x1F80, v18;
	v21 =	vld.idx.msk [tilespmem:v25+s11+$0x0], $0xffff  }
0x29f: {  	v22 =	vor.u32 v13, v23;
	v18 =	vld.idx.msk [tilespmem:v12+s11+$0x0], $0xffff  }
0x2a0: {  	v20 =	vld.idx.msk [tilespmem:v20+s11+$0x0], $0xffff  }
0x2a1: {  	v12 =	vld.idx.msk [tilespmem:v19+s11+$0x0], $0xffff  }
0x2a2: {  	v40 =	vld.idx.msk [tilespmem:v24+s11+$0x0], $0xffff  }
0x2a3: {  	v25 =	vld.idx.msk [tilespmem:v27+s11+$0x0], $0xffff  }
0x2a4: {  	v41 =	vor.u32 v1, v39;
	v26 =	vld.idx.msk [tilespmem:v26+s11+$0x0], $0xffff  }
0x2a5: {  	v19 =	vld.idx.msk [tilespmem:v32+s11+$0x0], $0xffff;
	v32 =	vor.u32 v10, v39  }
0x2a6: {  	v42 =	vor.u32 v11, v39;
	v29 =	vld.idx.msk [tilespmem:v31+s11+$0x0], $0xffff  }
0x2a7: {  	v43 =	vor.u32 v13, v39;
	v27 =	vld.idx.msk [tilespmem:v34+s11+$0x0], $0xffff  }
0x2a8: {  	v24 =	vld.idx.msk [tilespmem:v37+s11+$0x0], $0xffff;
	v37 =	vor.u32 v14, v39  }
0x2a9: {  	v34 =	vor.u32 v16, v39;
	v28 =	vld.idx.msk [tilespmem:v35+s11+$0x0], $0xffff  }
.Ltmp16:
0x2aa: {  	v31 =	vor.u32 v15, v39;
	[tilespmem:v41+s13+$0x0] =	vst.idx.msk $0xffff, v30;
	(pc) =	sbr.rel @p0 .LBB2_35-.Ltmp16, $4  }
0x2ab: {  	v35 =	vor.u32 v17, v39;
	[tilespmem:v32+s13+$0x0] =	vst.idx.msk $0xffff, v33  }
0x2ac: {  	v32 =	vor.u32 v1, v23;
	[tilespmem:v42+s13+$0x0] =	vst.idx.msk $0xffff, v38  }
0x2ad: {  	v33 =	vor.u32 v10, v23;
	[tilespmem:v43+s13+$0x0] =	vst.idx.msk $0xffff, v36  }
0x2ae: {  	v30 =	vor.u32 v11, v23;
	[tilespmem:v37+s13+$0x0] =	vst.idx.msk $0xffff, v40  }
0x2af: {  	_ =	sdelay $0x3  }
0x2b0: {  	[tilespmem:v34+s13+$0x0] =	vst.idx.msk $0xffff, v21  }
0x2b1: {  	[tilespmem:v31+s13+$0x0] =	vst.idx.msk $0xffff, v29  }
0x2b2: {  	v2 =	vor.u32 v14, v23;
	[tilespmem:v35+s13+$0x0] =	vst.idx.msk $0xffff, v25  }
0x2b3: {  	v3 =	vor.u32 v16, v23;
	[tilespmem:v32+s13+$0x0] =	vst.idx.msk $0xffff, v26  }
0x2b4: {  	v4 =	vor.u32 v15, v23;
	[tilespmem:v33+s13+$0x0] =	vst.idx.msk $0xffff, v20  }
0x2b5: {  	v5 =	vor.u32 v17, v23;
	s11 =	sshll.u32 s9, $0xF;
	s9 =	sadd.s32 $0x1, s9;
	[tilespmem:v30+s13+$0x0] =	vst.idx.msk $0xffff, v18  }
0x2b6: {  	p0 =	sne.s32 s9, $0x32;
	[tilespmem:v22+s13+$0x0] =	vst.idx.msk $0xffff, v27  }
.Ltmp17:
0x2b7: {  	[tilespmem:v2+s13+$0x0] =	vst.idx.msk $0xffff, v28;
	(pc) =	sbr.rel @p0 .LBB2_2-.Ltmp17, $4  }
0x2b8: {  	[tilespmem:v3+s13+$0x0] =	vst.idx.msk $0xffff, v24  }
0x2b9: {  	[tilespmem:v4+s13+$0x0] =	vst.idx.msk $0xffff, v19  }
0x2ba: {  	s12 =	sadd.s32 $0x9, s12;
	s2 =	sadd.s32 $0x1, s2;
	s11 =	sadd.s32 s11, s6;
	[tilespmem:v5+s13+$0x0] =	vst.idx.msk $0xffff, v12  }
0x2bb: {  	[hbm4b:s11+s26] =	stream.strided.scatter [tilespmem:s13], [sflag:s12], $0x2000, s28, s26, $0x38;
	[tilespmem:$0x1B240] =	vst v63  }
0x2bc: {  	_ =	swait.ge [sflag:s29], $0x2000  }
0x2bd: {  	[sflag:s29] =	ssyncset.done $0x0  }
0x2be: {  	[sflag:s29] =	ssyncadd.s32 $0xFFFFE000  }
0x2bf: {  	_ =	swait.ge [sflag:s30], $0x2000  }
0x2c0: {  	[sflag:s30] =	ssyncset.done $0x0  }
0x2c1: {  	s1 =	sadd.s32 $0x1, s1;
	[sflag:s30] =	ssyncadd.s32 $0xFFFFE000  }
0x2c2: {  	p0 =	sne.s32 s1, s7;
	_ =	swait.ge [sflag:s31], $0x2000  }
.Ltmp18:
0x2c3: {  	[sflag:s31] =	ssyncset.done $0x0;
	(pc) =	sbr.rel @p0 .LBB2_1-.Ltmp18, $4  }
0x2c4: {  	[sflag:s31] =	ssyncadd.s32 $0xFFFFE000  }
0x2c5: {  	_ =	swait.ge [sflag:s0], $0x2000  }
0x2c6: {  	[sflag:s0] =	ssyncset.done $0x0  }
0x2c7: {  	[sflag:s0] =	ssyncadd.s32 $0xFFFFE000  }
0x2c8: {  	_ =	sfence.sel $0x180000  }
0x2c9: {  	[bflag:$0x0] =	sbarrier.arrive $0xFFFF  }
0x2ca: {  	_ =	strace $0x90000047  }
0x2cb: {  	s0 =	stileid.u32;
	[bflag:$0x2] =	sbarrier.arrive $0xFFFF  }
0x2cc: {  	p0 =	sne.s32 s0, $0x0;
	s0 =	rddreg [dreg:$0x3]  }
0x2cd: {  	s0 =	sadd.s32 @!p0 $0x100000, s0  }
0x2ce: {  	[sflag:s0] =	ssyncadd.tile.s32 @!p0 $0x1;
	_ =	shalt  }
.Lfunc_end2:
_tile_overlayer_lowered:
.L_overlay_start_2:
0x2cf: {  	(tag) =	ssettag $0x2  }
0x2d0: {  	s0 =	rddreg [dreg:$0x0];
	s2 =	stileid.u32  }
0x2d1: {  	s1 =	rddreg [dreg:$0x1];
	p0 =	sne.s32 s2, $0x0  }
0x2d2: {  	s3 =	rddreg [dreg:$0x2];
	[bflag:$0x3] =	sbarrier.arrive $0xFFFF;
	s2 =	simm.s32 @!p0 $0x1C0D  }
0x2d3: {  	[timem:s3], [sflag:s2] =	dma.local @!p0 [hbm:s0], s1  }
0x2d4: {  	s0 =	simm.s32 @!p0 $0xD  }
0x2d5: {  	_ =	swait.ge @!p0 [sflag:s0], s1  }
0x2d6: {  	s1 =	ssub.s32 @!p0 $0x0, s1;
	[sflag:s0] =	ssyncset.done @!p0 $0x0  }
0x2d7: {  	[sflag:s0] =	ssyncadd.s32 @!p0 s1  }
0x2d8: {  	[bflag:$0x3] =	sbarrier.arrive $0xFFFF  }
0x2d9: {  	_ =	shalt  }

</sc_bundles>
